<compile_context>
chip_gen: v7x
topology: tpu7x:2x2x1
jax: 0.10.2.dev20260603
libtpu: 0.0.44.dev20260713+nightly
codegen_flags: <defaults>
</compile_context>

<pallas_src>
import functools

import jax
import jax.numpy as jnp
from jax import lax
from jax.experimental import pallas as pl
from jax.experimental.pallas import tpu as pltpu
from jax.experimental.pallas import tpu_sc as plsc

NC = 2
NS = 16
NW = NC * NS
LANES = 16
CH = 128
D = 128
ROWS_PER_TILE = 640
N_PAD = NS * ROWS_PER_TILE


def _node_body(x_ref, w_ref, asrc_ref, adst_ref, h_ref, as_ref, ad_ref):
    h = jax.lax.dot_general(x_ref[...], w_ref[...], (((1,), (1,)), ((), ())),
                            preferred_element_type=jnp.float32)
    h_ref[...] = h
    as_ref[...] = jnp.sum(h * asrc_ref[...], axis=1, keepdims=True)
    ad_ref[...] = jnp.sum(h * adst_ref[...], axis=1, keepdims=True)


def _node_stage(x, W, att_src, att_dst):
    n = x.shape[0]
    bn = 400
    grid = n // bn
    return pl.pallas_call(
        _node_body,
        grid=(grid,),
        in_specs=[
            pl.BlockSpec((bn, D), lambda i: (i, 0)),
            pl.BlockSpec((D, D), lambda i: (0, 0)),
            pl.BlockSpec((1, D), lambda i: (0, 0)),
            pl.BlockSpec((1, D), lambda i: (0, 0)),
        ],
        out_specs=[
            pl.BlockSpec((bn, D), lambda i: (i, 0)),
            pl.BlockSpec((bn, 1), lambda i: (i, 0)),
            pl.BlockSpec((bn, 1), lambda i: (i, 0)),
        ],
        out_shape=[
            jax.ShapeDtypeStruct((n, D), jnp.float32),
            jax.ShapeDtypeStruct((n, 1), jnp.float32),
            jax.ShapeDtypeStruct((n, 1), jnp.float32),
        ],
    )(x, W, att_src.reshape(1, D), att_dst.reshape(1, D))


def _edge_body(ea_ref, we_ref, ae_ref, out_ref):
    v = jnp.sum(we_ref[...] * ae_ref[...].T, axis=0)
    out_ref[...] = jnp.sum(ea_ref[...] * v[None, :], axis=1, keepdims=True)


def _edge_stage(edge_attr, W_edge, att_edge):
    e, de = edge_attr.shape
    be = 2000
    grid = e // be
    return pl.pallas_call(
        _edge_body,
        grid=(grid,),
        in_specs=[
            pl.BlockSpec((be, de), lambda i: (i, 0)),
            pl.BlockSpec((D, de), lambda i: (0, 0)),
            pl.BlockSpec((1, D), lambda i: (0, 0)),
        ],
        out_specs=pl.BlockSpec((be, 1), lambda i: (i, 0)),
        out_shape=jax.ShapeDtypeStruct((e, 1), jnp.float32),
    )(edge_attr, W_edge, att_edge.reshape(1, D))


def _sc_body(nchunk,
             h_hbm, asrc_hbm, adst_hbm, ae_hbm, src_hbm, dst_hbm,
             acc_out, den_out,
             acc_sh, den_sh,
             src_v, dst_v, ae_v, rows_v, p_v, s1_v, s2_v,
             sem0, sem1, sem2):
    c = lax.axis_index("c")
    s = lax.axis_index("s")
    wid = s * NC + c
    base = s * ROWS_PER_TILE

    def _zrow(i, _):
        for r in range(8):
            rows_v[i, pl.ds(r * LANES, LANES)] = jnp.zeros((LANES,),
                                                           jnp.float32)
        return 0
    lax.fori_loop(0, CH, _zrow, 0)
    for r in range(8):
        p_v[pl.ds(r * LANES, LANES)] = jnp.zeros((LANES,), jnp.float32)
    for k in range(ROWS_PER_TILE // CH):
        pltpu.sync_copy(rows_v, acc_sh.at[pl.ds(base + k * CH, CH)])
        pltpu.sync_copy(p_v, den_sh.at[pl.ds(base + k * CH, CH)])

    pltpu.sync_copy(src_hbm.at[wid], src_v)
    pltpu.sync_copy(dst_hbm.at[wid], dst_v)
    pltpu.sync_copy(ae_hbm.at[wid], ae_v)

    plsc.subcore_barrier()

    def _chunk(j, _):
        srow = src_v.at[j]
        drow = dst_v.at[j]
        cp_r = pltpu.async_copy(h_hbm.at[srow], rows_v, sem0)
        cp_1 = pltpu.async_copy(asrc_hbm.at[srow], s1_v, sem1)
        cp_2 = pltpu.async_copy(adst_hbm.at[drow], s2_v, sem2)
        cp_1.wait()
        cp_2.wait()
        for r in range(8):
            ssl = pl.ds(r * LANES, LANES)
            a = s1_v[ssl] + s2_v[ssl] + ae_v[j, ssl]
            a = jnp.where(a > 0.0, a, 0.2 * a)
            p_v[ssl] = jnp.exp(a)
        cp_r.wait()

        def _scale(gg, _):
            p16 = p_v[pl.ds(gg * LANES, LANES)]
            for l in range(LANES):
                pe = p16[l]
                row = gg * LANES + l
                for r in range(8):
                    rsl = pl.ds(r * LANES, LANES)
                    rows_v[row, rsl] = rows_v[row, rsl] * pe
            return 0
        lax.fori_loop(0, CH // LANES, _scale, 0)

        pltpu.sync_copy(rows_v, acc_sh.at[drow], add=True)
        pltpu.sync_copy(p_v, den_sh.at[drow], add=True)
        return 0

    lax.fori_loop(0, nchunk, _chunk, 0)

    plsc.subcore_barrier()

    pltpu.sync_copy(acc_sh.at[pl.ds(base, ROWS_PER_TILE)],
                    acc_out.at[c, pl.ds(base, ROWS_PER_TILE)])
    pltpu.sync_copy(den_sh.at[pl.ds(base, ROWS_PER_TILE)],
                    den_out.at[c, pl.ds(base, ROWS_PER_TILE)])


def _sc_stage(h, a_src, a_dst, ae_r, src_r, dst_r):
    nchunk = src_r.shape[1]
    mesh = plsc.VectorSubcoreMesh(core_axis_name="c", subcore_axis_name="s")
    kern = pl.kernel(
        functools.partial(_sc_body, nchunk),
        out_type=[
            jax.ShapeDtypeStruct((NC, N_PAD, D), jnp.float32),
            jax.ShapeDtypeStruct((NC, N_PAD), jnp.float32),
        ],
        mesh=mesh,
        scratch_types=[
            pltpu.VMEM_SHARED((N_PAD, D), jnp.float32),
            pltpu.VMEM_SHARED((N_PAD,), jnp.float32),
            pltpu.VMEM((nchunk, CH), jnp.int32),
            pltpu.VMEM((nchunk, CH), jnp.int32),
            pltpu.VMEM((nchunk, CH), jnp.float32),
            pltpu.VMEM((CH, D), jnp.float32),
            pltpu.VMEM((CH,), jnp.float32),
            pltpu.VMEM((CH,), jnp.float32),
            pltpu.VMEM((CH,), jnp.float32),
            pltpu.SemaphoreType.DMA,
            pltpu.SemaphoreType.DMA,
            pltpu.SemaphoreType.DMA,
        ],
    )
    return kern(h, a_src, a_dst, ae_r, src_r, dst_r)


def _norm_body(acc_ref, den_ref, bias_ref, out_ref):
    a = acc_ref[0] + acc_ref[1]
    d = den_ref[0] + den_ref[1] + 1e-16
    out_ref[...] = a / d + bias_ref[...]


def _norm_stage(acc, den, bias, n):
    bn = 400
    grid = n // bn
    return pl.pallas_call(
        _norm_body,
        grid=(grid,),
        in_specs=[
            pl.BlockSpec((NC, bn, D), lambda i: (0, i, 0)),
            pl.BlockSpec((NC, bn, 1), lambda i: (0, i, 0)),
            pl.BlockSpec((1, D), lambda i: (0, 0)),
        ],
        out_specs=pl.BlockSpec((bn, D), lambda i: (i, 0)),
        out_shape=jax.ShapeDtypeStruct((n, D), jnp.float32),
    )(acc, den, bias)


@jax.jit
def kernel(x, edge_index, edge_attr, W, att_src, att_dst, W_edge, att_edge,
           bias):
    n = x.shape[0]
    e = edge_index.shape[1]

    h, a_src, a_dst = _node_stage(x, W, att_src, att_dst)
    a_edge = _edge_stage(edge_attr, W_edge, att_edge)

    per = NW * CH
    e_pad = ((e + per - 1) // per) * per
    nchunk = e_pad // per
    src = jnp.pad(edge_index[0], (0, e_pad - e)).reshape(NW, nchunk, CH)
    dst = jnp.pad(edge_index[1], (0, e_pad - e)).reshape(NW, nchunk, CH)
    ae = jnp.pad(a_edge.reshape(-1), (0, e_pad - e),
                 constant_values=-1e30).reshape(NW, nchunk, CH)

    acc, den = _sc_stage(h, a_src.reshape(-1), a_dst.reshape(-1), ae,
                         src, dst)

    out = _norm_stage(acc[:, :n, :], den[:, :n].reshape(NC, n, 1),
                      bias.reshape(1, D), n)
    return out

# --- scband reference (transcript-rebuilt; emitter-appended) ---
"""Pipeline reference for scband-egatconv-89567247991616 (READ-ONLY COPY).

The authoritative reference and input builder live on the scoring server;
editing this copy changes nothing except your own understanding.
"""

import jax, jax.numpy as jnp
import numpy as np

N_NODES = 10000
N_EDGES = 320000
D_IN = 128
D_OUT = 128
D_EDGE = 16


def setup_inputs(seed: int = 0) -> dict:
    key = jax.random.key(seed)
    ks = jax.random.split(key, 9)
    x = jax.random.normal(ks[0], (N_NODES, D_IN), dtype=jnp.float32)
    edge_index = jax.random.randint(ks[1], (2, N_EDGES), 0, N_NODES, dtype=jnp.int64 if jax.config.jax_enable_x64 else jnp.int32).astype(jnp.int32)
    edge_attr = jax.random.normal(ks[2], (N_EDGES, D_EDGE), dtype=jnp.float32)
    # GATConv parameters (heads=1, concat=True)
    W = jax.random.normal(ks[3], (D_OUT, D_IN), dtype=jnp.float32) * (1.0 / np.sqrt(D_IN))
    att_src = jax.random.normal(ks[4], (D_OUT,), dtype=jnp.float32) * (1.0 / np.sqrt(D_OUT))
    att_dst = jax.random.normal(ks[5], (D_OUT,), dtype=jnp.float32) * (1.0 / np.sqrt(D_OUT))
    W_edge = jax.random.normal(ks[6], (D_OUT, D_EDGE), dtype=jnp.float32) * (1.0 / np.sqrt(D_EDGE))
    att_edge = jax.random.normal(ks[7], (D_OUT,), dtype=jnp.float32) * (1.0 / np.sqrt(D_OUT))
    bias = jnp.zeros((D_OUT,), dtype=jnp.float32)
    return {"x": x, "edge_index": edge_index, "edge_attr": edge_attr,
            "W": W, "att_src": att_src, "att_dst": att_dst,
            "W_edge": W_edge, "att_edge": att_edge, "bias": bias}


def reference(x, edge_index, edge_attr, W, att_src, att_dst, W_edge, att_edge, bias):
    # PyG GATConv with edge_dim, heads=1. edge_index[0]=src, edge_index[1]=dst.
    src = edge_index[0]
    dst = edge_index[1]
    h = x @ W.T  # [N, D_OUT]
    a_src = (h * att_src).sum(-1)   # [N]
    a_dst = (h * att_dst).sum(-1)   # [N]
    he = edge_attr @ W_edge.T       # [E, D_OUT]
    a_edge = (he * att_edge).sum(-1)  # [E]
    alpha = a_src[src] + a_dst[dst] + a_edge  # [E]
    alpha = jax.nn.leaky_relu(alpha, negative_slope=0.2)
    # softmax over incoming edges of each dst node
    amax = jax.ops.segment_max(alpha, dst, num_segments=N_NODES)
    alpha = jnp.exp(alpha - amax[dst])
    denom = jax.ops.segment_sum(alpha, dst, num_segments=N_NODES)
    alpha = alpha / (denom[dst] + 1e-16)
    msg = h[src] * alpha[:, None]   # [E, D_OUT]
    out = jax.ops.segment_sum(msg, dst, num_segments=N_NODES)
    out = out + bias
    return out

if __name__ == "__main__":
    import jax
    _d = setup_inputs()
    print(jax.jit(kernel)(*tuple(_d.values())))

</pallas_src>

<mosaic_0001>
#map = affine_map<(d0, d1) -> (0, 0)>
#map1 = affine_map<(d0, d1) -> (0)>
#map2 = affine_map<(d0, d1) -> (0, 0, 0)>
module attributes {stable_mosaic.version = 14 : i64} {
  func.func @_sc_body(%arg0: i32, %arg1: i32, %arg2: memref<10000x128xf32, #tpu.memory_space<hbm>>, %arg3: memref<10000xf32, #tpu.memory_space<hbm>>, %arg4: memref<10000xf32, #tpu.memory_space<hbm>>, %arg5: memref<32x79x128xf32, #tpu.memory_space<hbm>>, %arg6: memref<32x79x128xi32, #tpu.memory_space<hbm>>, %arg7: memref<32x79x128xi32, #tpu.memory_space<hbm>>, %arg8: memref<2x10240x128xf32, #tpu.memory_space<hbm>>, %arg9: memref<2x10240xf32, #tpu.memory_space<hbm>>, %arg10: memref<10240x128xf32, #tpu.memory_space<vmem_shared>>, %arg11: memref<10240xf32, #tpu.memory_space<vmem_shared>>, %arg12: memref<79x128xi32, #tpu.memory_space<vmem>>, %arg13: memref<79x128xi32, #tpu.memory_space<vmem>>, %arg14: memref<79x128xf32, #tpu.memory_space<vmem>>, %arg15: memref<128x128xf32, #tpu.memory_space<vmem>>, %arg16: memref<128xf32, #tpu.memory_space<vmem>>, %arg17: memref<128xf32, #tpu.memory_space<vmem>>, %arg18: memref<128xf32, #tpu.memory_space<vmem>>, %arg19: memref<!tpu.dma_semaphore, #tpu.memory_space<semaphore_mem>>, %arg20: memref<!tpu.dma_semaphore, #tpu.memory_space<semaphore_mem>>, %arg21: memref<!tpu.dma_semaphore, #tpu.memory_space<semaphore_mem>>) attributes {dimension_semantics = [#tpu.dimension_semantics<core_parallel>, #tpu.dimension_semantics<subcore_parallel>], iteration_bounds = array<i64: 2, 16>, scalar_prefetch = 0 : i64, scratch_operands = 12 : i64, tpu.core_type = #tpu.core_type<sc_vector_subcore>, window_params = [{transform_indices = #map}, {transform_indices = #map1}, {transform_indices = #map1}, {transform_indices = #map2}, {transform_indices = #map2}, {transform_indices = #map2}, {transform_indices = #map2}, {transform_indices = #map}]} {
    %mul3A = arith.constant 2 : i32
    %mul3A_0 = arith.muli %arg1, %mul3A : i32
    %add3A = arith.addi %mul3A_0, %arg0 : i32
    %mul3A_1 = arith.constant 640 : i32
    %mul3A_2 = arith.muli %arg1, %mul3A_1 : i32
    %scan3A = arith.constant 0 : i32
    %scan3A_3 = arith.constant 0 : i32
    %scan3A_4 = arith.constant 128 : i32
    %scan3A_5 = arith.addi %scan3A_3, %scan3A_4 : i32
    %scan3A_6 = arith.constant 1 : i32
    %scan3A_7 = scf.for %scan3A_83 = %scan3A_3 to %scan3A_5 step %scan3A_6 iter_args(%scan3A_84 = %scan3A) -> (i32)  : i32 {
      %broadcast_in_dim3A_85 = arith.constant 0.000000e+00 : f32
      %broadcast_in_dim3A_86 = vector.broadcast %broadcast_in_dim3A_85 : f32 to vector<16xf32>
      %swap3A_87 = arith.index_cast %scan3A_83 : i32 to index
      %swap3A_88 = arith.constant 0 : index
      %swap3A_89 = tpu.vector_load %arg15[%swap3A_87, %swap3A_88] {strides = array<i32>} : memref<128x128xf32, #tpu.memory_space<vmem>>, vector<1x16xf32>,
      %swap3A_90 = vector.shape_cast %swap3A_89 : vector<1x16xf32> to vector<16xf32>
      %swap3A_91 = vector.shape_cast %broadcast_in_dim3A_86 : vector<16xf32> to vector<1x16xf32>
      tpu.vector_store %arg15[%swap3A_87, %swap3A_88], %swap3A_91 {strides = array<i32>} : memref<128x128xf32, #tpu.memory_space<vmem>>, vector<1x16xf32>,
      %broadcast_in_dim3A_92 = arith.constant 0.000000e+00 : f32
      %broadcast_in_dim3A_93 = vector.broadcast %broadcast_in_dim3A_92 : f32 to vector<16xf32>
      %swap3A_94 = arith.index_cast %scan3A_83 : i32 to index
      %swap3A_95 = arith.constant 16 : index
      %swap3A_96 = tpu.vector_load %arg15[%swap3A_94, %swap3A_95] {strides = array<i32>} : memref<128x128xf32, #tpu.memory_space<vmem>>, vector<1x16xf32>,
      %swap3A_97 = vector.shape_cast %swap3A_96 : vector<1x16xf32> to vector<16xf32>
      %swap3A_98 = vector.shape_cast %broadcast_in_dim3A_93 : vector<16xf32> to vector<1x16xf32>
      tpu.vector_store %arg15[%swap3A_94, %swap3A_95], %swap3A_98 {strides = array<i32>} : memref<128x128xf32, #tpu.memory_space<vmem>>, vector<1x16xf32>,
      %broadcast_in_dim3A_99 = arith.constant 0.000000e+00 : f32
      %broadcast_in_dim3A_100 = vector.broadcast %broadcast_in_dim3A_99 : f32 to vector<16xf32>
      %swap3A_101 = arith.index_cast %scan3A_83 : i32 to index
      %swap3A_102 = arith.constant 32 : index
      %swap3A_103 = tpu.vector_load %arg15[%swap3A_101, %swap3A_102] {strides = array<i32>} : memref<128x128xf32, #tpu.memory_space<vmem>>, vector<1x16xf32>,
      %swap3A_104 = vector.shape_cast %swap3A_103 : vector<1x16xf32> to vector<16xf32>
      %swap3A_105 = vector.shape_cast %broadcast_in_dim3A_100 : vector<16xf32> to vector<1x16xf32>
      tpu.vector_store %arg15[%swap3A_101, %swap3A_102], %swap3A_105 {strides = array<i32>} : memref<128x128xf32, #tpu.memory_space<vmem>>, vector<1x16xf32>,
      %broadcast_in_dim3A_106 = arith.constant 0.000000e+00 : f32
      %broadcast_in_dim3A_107 = vector.broadcast %broadcast_in_dim3A_106 : f32 to vector<16xf32>
      %swap3A_108 = arith.index_cast %scan3A_83 : i32 to index
      %swap3A_109 = arith.constant 48 : index
      %swap3A_110 = tpu.vector_load %arg15[%swap3A_108, %swap3A_109] {strides = array<i32>} : memref<128x128xf32, #tpu.memory_space<vmem>>, vector<1x16xf32>,
      %swap3A_111 = vector.shape_cast %swap3A_110 : vector<1x16xf32> to vector<16xf32>
      %swap3A_112 = vector.shape_cast %broadcast_in_dim3A_107 : vector<16xf32> to vector<1x16xf32>
      tpu.vector_store %arg15[%swap3A_108, %swap3A_109], %swap3A_112 {strides = array<i32>} : memref<128x128xf32, #tpu.memory_space<vmem>>, vector<1x16xf32>,
      %broadcast_in_dim3A_113 = arith.constant 0.000000e+00 : f32
      %broadcast_in_dim3A_114 = vector.broadcast %broadcast_in_dim3A_113 : f32 to vector<16xf32>
      %swap3A_115 = arith.index_cast %scan3A_83 : i32 to index
      %swap3A_116 = arith.constant 64 : index
      %swap3A_117 = tpu.vector_load %arg15[%swap3A_115, %swap3A_116] {strides = array<i32>} : memref<128x128xf32, #tpu.memory_space<vmem>>, vector<1x16xf32>,
      %swap3A_118 = vector.shape_cast %swap3A_117 : vector<1x16xf32> to vector<16xf32>
      %swap3A_119 = vector.shape_cast %broadcast_in_dim3A_114 : vector<16xf32> to vector<1x16xf32>
      tpu.vector_store %arg15[%swap3A_115, %swap3A_116], %swap3A_119 {strides = array<i32>} : memref<128x128xf32, #tpu.memory_space<vmem>>, vector<1x16xf32>,
      %broadcast_in_dim3A_120 = arith.constant 0.000000e+00 : f32
      %broadcast_in_dim3A_121 = vector.broadcast %broadcast_in_dim3A_120 : f32 to vector<16xf32>
      %swap3A_122 = arith.index_cast %scan3A_83 : i32 to index
      %swap3A_123 = arith.constant 80 : index
      %swap3A_124 = tpu.vector_load %arg15[%swap3A_122, %swap3A_123] {strides = array<i32>} : memref<128x128xf32, #tpu.memory_space<vmem>>, vector<1x16xf32>,
      %swap3A_125 = vector.shape_cast %swap3A_124 : vector<1x16xf32> to vector<16xf32>
      %swap3A_126 = vector.shape_cast %broadcast_in_dim3A_121 : vector<16xf32> to vector<1x16xf32>
      tpu.vector_store %arg15[%swap3A_122, %swap3A_123], %swap3A_126 {strides = array<i32>} : memref<128x128xf32, #tpu.memory_space<vmem>>, vector<1x16xf32>,
      %broadcast_in_dim3A_127 = arith.constant 0.000000e+00 : f32
      %broadcast_in_dim3A_128 = vector.broadcast %broadcast_in_dim3A_127 : f32 to vector<16xf32>
      %swap3A_129 = arith.index_cast %scan3A_83 : i32 to index
      %swap3A_130 = arith.constant 96 : index
      %swap3A_131 = tpu.vector_load %arg15[%swap3A_129, %swap3A_130] {strides = array<i32>} : memref<128x128xf32, #tpu.memory_space<vmem>>, vector<1x16xf32>,
      %swap3A_132 = vector.shape_cast %swap3A_131 : vector<1x16xf32> to vector<16xf32>
      %swap3A_133 = vector.shape_cast %broadcast_in_dim3A_128 : vector<16xf32> to vector<1x16xf32>
      tpu.vector_store %arg15[%swap3A_129, %swap3A_130], %swap3A_133 {strides = array<i32>} : memref<128x128xf32, #tpu.memory_space<vmem>>, vector<1x16xf32>,
      %broadcast_in_dim3A_134 = arith.constant 0.000000e+00 : f32
      %broadcast_in_dim3A_135 = vector.broadcast %broadcast_in_dim3A_134 : f32 to vector<16xf32>
      %swap3A_136 = arith.index_cast %scan3A_83 : i32 to index
      %swap3A_137 = arith.constant 112 : index
      %swap3A_138 = tpu.vector_load %arg15[%swap3A_136, %swap3A_137] {strides = array<i32>} : memref<128x128xf32, #tpu.memory_space<vmem>>, vector<1x16xf32>,
      %swap3A_139 = vector.shape_cast %swap3A_138 : vector<1x16xf32> to vector<16xf32>
      %swap3A_140 = vector.shape_cast %broadcast_in_dim3A_135 : vector<16xf32> to vector<1x16xf32>
      tpu.vector_store %arg15[%swap3A_136, %swap3A_137], %swap3A_140 {strides = array<i32>} : memref<128x128xf32, #tpu.memory_space<vmem>>, vector<1x16xf32>,
      %scan3A_141 = arith.constant 0 : i32
      scf.yield %scan3A_141 : i32
    }
    %scan3A_8 = arith.constant 128 : i32
    %broadcast_in_dim3A = arith.constant 0.000000e+00 : f32
    %broadcast_in_dim3A_9 = vector.broadcast %broadcast_in_dim3A : f32 to vector<16xf32>
    %swap3A = arith.constant 0 : index
    %swap3A_10 = tpu.vector_load %arg16[%swap3A] {strides = array<i32>} : memref<128xf32, #tpu.memory_space<vmem>>, vector<16xf32>,
    %swap3A_11 = vector.shape_cast %swap3A_10 : vector<16xf32> to vector<16xf32>
    %swap3A_12 = vector.shape_cast %broadcast_in_dim3A_9 : vector<16xf32> to vector<16xf32>
    tpu.vector_store %arg16[%swap3A], %swap3A_12 {strides = array<i32>} : memref<128xf32, #tpu.memory_space<vmem>>, vector<16xf32>,
    %broadcast_in_dim3A_13 = arith.constant 0.000000e+00 : f32
    %broadcast_in_dim3A_14 = vector.broadcast %broadcast_in_dim3A_13 : f32 to vector<16xf32>
    %swap3A_15 = arith.constant 16 : index
    %swap3A_16 = tpu.vector_load %arg16[%swap3A_15] {strides = array<i32>} : memref<128xf32, #tpu.memory_space<vmem>>, vector<16xf32>,
    %swap3A_17 = vector.shape_cast %swap3A_16 : vector<16xf32> to vector<16xf32>
    %swap3A_18 = vector.shape_cast %broadcast_in_dim3A_14 : vector<16xf32> to vector<16xf32>
    tpu.vector_store %arg16[%swap3A_15], %swap3A_18 {strides = array<i32>} : memref<128xf32, #tpu.memory_space<vmem>>, vector<16xf32>,
    %broadcast_in_dim3A_19 = arith.constant 0.000000e+00 : f32
    %broadcast_in_dim3A_20 = vector.broadcast %broadcast_in_dim3A_19 : f32 to vector<16xf32>
    %swap3A_21 = arith.constant 32 : index
    %swap3A_22 = tpu.vector_load %arg16[%swap3A_21] {strides = array<i32>} : memref<128xf32, #tpu.memory_space<vmem>>, vector<16xf32>,
    %swap3A_23 = vector.shape_cast %swap3A_22 : vector<16xf32> to vector<16xf32>
    %swap3A_24 = vector.shape_cast %broadcast_in_dim3A_20 : vector<16xf32> to vector<16xf32>
    tpu.vector_store %arg16[%swap3A_21], %swap3A_24 {strides = array<i32>} : memref<128xf32, #tpu.memory_space<vmem>>, vector<16xf32>,
    %broadcast_in_dim3A_25 = arith.constant 0.000000e+00 : f32
    %broadcast_in_dim3A_26 = vector.broadcast %broadcast_in_dim3A_25 : f32 to vector<16xf32>
    %swap3A_27 = arith.constant 48 : index
    %swap3A_28 = tpu.vector_load %arg16[%swap3A_27] {strides = array<i32>} : memref<128xf32, #tpu.memory_space<vmem>>, vector<16xf32>,
    %swap3A_29 = vector.shape_cast %swap3A_28 : vector<16xf32> to vector<16xf32>
    %swap3A_30 = vector.shape_cast %broadcast_in_dim3A_26 : vector<16xf32> to vector<16xf32>
    tpu.vector_store %arg16[%swap3A_27], %swap3A_30 {strides = array<i32>} : memref<128xf32, #tpu.memory_space<vmem>>, vector<16xf32>,
    %broadcast_in_dim3A_31 = arith.constant 0.000000e+00 : f32
    %broadcast_in_dim3A_32 = vector.broadcast %broadcast_in_dim3A_31 : f32 to vector<16xf32>
    %swap3A_33 = arith.constant 64 : index
    %swap3A_34 = tpu.vector_load %arg16[%swap3A_33] {strides = array<i32>} : memref<128xf32, #tpu.memory_space<vmem>>, vector<16xf32>,
    %swap3A_35 = vector.shape_cast %swap3A_34 : vector<16xf32> to vector<16xf32>
    %swap3A_36 = vector.shape_cast %broadcast_in_dim3A_32 : vector<16xf32> to vector<16xf32>
    tpu.vector_store %arg16[%swap3A_33], %swap3A_36 {strides = array<i32>} : memref<128xf32, #tpu.memory_space<vmem>>, vector<16xf32>,
    %broadcast_in_dim3A_37 = arith.constant 0.000000e+00 : f32
    %broadcast_in_dim3A_38 = vector.broadcast %broadcast_in_dim3A_37 : f32 to vector<16xf32>
    %swap3A_39 = arith.constant 80 : index
    %swap3A_40 = tpu.vector_load %arg16[%swap3A_39] {strides = array<i32>} : memref<128xf32, #tpu.memory_space<vmem>>, vector<16xf32>,
    %swap3A_41 = vector.shape_cast %swap3A_40 : vector<16xf32> to vector<16xf32>
    %swap3A_42 = vector.shape_cast %broadcast_in_dim3A_38 : vector<16xf32> to vector<16xf32>
    tpu.vector_store %arg16[%swap3A_39], %swap3A_42 {strides = array<i32>} : memref<128xf32, #tpu.memory_space<vmem>>, vector<16xf32>,
    %broadcast_in_dim3A_43 = arith.constant 0.000000e+00 : f32
    %broadcast_in_dim3A_44 = vector.broadcast %broadcast_in_dim3A_43 : f32 to vector<16xf32>
    %swap3A_45 = arith.constant 96 : index
    %swap3A_46 = tpu.vector_load %arg16[%swap3A_45] {strides = array<i32>} : memref<128xf32, #tpu.memory_space<vmem>>, vector<16xf32>,
    %swap3A_47 = vector.shape_cast %swap3A_46 : vector<16xf32> to vector<16xf32>
    %swap3A_48 = vector.shape_cast %broadcast_in_dim3A_44 : vector<16xf32> to vector<16xf32>
    tpu.vector_store %arg16[%swap3A_45], %swap3A_48 {strides = array<i32>} : memref<128xf32, #tpu.memory_space<vmem>>, vector<16xf32>,
    %broadcast_in_dim3A_49 = arith.constant 0.000000e+00 : f32
    %broadcast_in_dim3A_50 = vector.broadcast %broadcast_in_dim3A_49 : f32 to vector<16xf32>
    %swap3A_51 = arith.constant 112 : index
    %swap3A_52 = tpu.vector_load %arg16[%swap3A_51] {strides = array<i32>} : memref<128xf32, #tpu.memory_space<vmem>>, vector<16xf32>,
    %swap3A_53 = vector.shape_cast %swap3A_52 : vector<16xf32> to vector<16xf32>
    %swap3A_54 = vector.shape_cast %broadcast_in_dim3A_50 : vector<16xf32> to vector<16xf32>
    tpu.vector_store %arg16[%swap3A_51], %swap3A_54 {strides = array<i32>} : memref<128xf32, #tpu.memory_space<vmem>>, vector<16xf32>,
    %add3A_55 = arith.constant 0 : i32
    %add3A_56 = arith.addi %mul3A_2, %add3A_55 : i32
    "tpu.region"() ({
      %run_scoped3A = tpu.sem_alloc : memref<!tpu.dma_semaphore, #tpu.memory_space<semaphore_mem>>
      %dma_start3A = arith.constant 0 : i32
      %dma_start3A_83 = tpu.memref_slice %arg10[%add3A_56, %dma_start3A] : memref<10240x128xf32, #tpu.memory_space<vmem_shared>> -> memref<128x128xf32, #tpu.memory_space<vmem_shared>>
      %dma_start3A_84 = arith.constant 0 : i32
      %dma_start3A_85 = tpu.memref_slice %arg10[%add3A_56, %dma_start3A_84] : memref<10240x128xf32, #tpu.memory_space<vmem_shared>> -> memref<128x128xf32, #tpu.memory_space<vmem_shared>>
      tpu.enqueue_dma source(%arg15 : memref<128x128xf32, #tpu.memory_space<vmem>>) target(%dma_start3A_85 : memref<128x128xf32, #tpu.memory_space<vmem_shared>>) target_semaphore(%run_scoped3A : memref<!tpu.dma_semaphore, #tpu.memory_space<semaphore_mem>>)
      %dma_wait3A = arith.constant 0 : i32
      %dma_wait3A_86 = tpu.memref_slice %arg10[%add3A_56, %dma_wait3A] : memref<10240x128xf32, #tpu.memory_space<vmem_shared>> -> memref<128x128xf32, #tpu.memory_space<vmem_shared>>
      %dma_wait3A_87 = arith.constant 0 : i32
      %dma_wait3A_88 = tpu.memref_slice %arg10[%add3A_56, %dma_wait3A_87] : memref<10240x128xf32, #tpu.memory_space<vmem_shared>> -> memref<128x128xf32, #tpu.memory_space<vmem_shared>>
      tpu.wait_dma2 semaphore(%run_scoped3A : memref<!tpu.dma_semaphore, #tpu.memory_space<semaphore_mem>>) src(%arg15 : memref<128x128xf32, #tpu.memory_space<vmem>>) dst(%dma_wait3A_88 : memref<128x128xf32, #tpu.memory_space<vmem_shared>>)
      tpu.yield
    }) : () -> ()
    %add3A_57 = arith.constant 0 : i32
    %add3A_58 = arith.addi %mul3A_2, %add3A_57 : i32
    "tpu.region"() ({
      %run_scoped3A = tpu.sem_alloc : memref<!tpu.dma_semaphore, #tpu.memory_space<semaphore_mem>>
      %dma_start3A = tpu.memref_slice %arg11[%add3A_58] : memref<10240xf32, #tpu.memory_space<vmem_shared>> -> memref<128xf32, #tpu.memory_space<vmem_shared>>
      %dma_start3A_83 = tpu.memref_slice %arg11[%add3A_58] : memref<10240xf32, #tpu.memory_space<vmem_shared>> -> memref<128xf32, #tpu.memory_space<vmem_shared>>
      tpu.enqueue_dma source(%arg16 : memref<128xf32, #tpu.memory_space<vmem>>) target(%dma_start3A_83 : memref<128xf32, #tpu.memory_space<vmem_shared>>) target_semaphore(%run_scoped3A : memref<!tpu.dma_semaphore, #tpu.memory_space<semaphore_mem>>)
      %dma_wait3A = tpu.memref_slice %arg11[%add3A_58] : memref<10240xf32, #tpu.memory_space<vmem_shared>> -> memref<128xf32, #tpu.memory_space<vmem_shared>>
      %dma_wait3A_84 = tpu.memref_slice %arg11[%add3A_58] : memref<10240xf32, #tpu.memory_space<vmem_shared>> -> memref<128xf32, #tpu.memory_space<vmem_shared>>
      tpu.wait_dma2 semaphore(%run_scoped3A : memref<!tpu.dma_semaphore, #tpu.memory_space<semaphore_mem>>) src(%arg16 : memref<128xf32, #tpu.memory_space<vmem>>) dst(%dma_wait3A_84 : memref<128xf32, #tpu.memory_space<vmem_shared>>)
      tpu.yield
    }) : () -> ()
    %add3A_59 = arith.constant 128 : i32
    %add3A_60 = arith.addi %mul3A_2, %add3A_59 : i32
    "tpu.region"() ({
      %run_scoped3A = tpu.sem_alloc : memref<!tpu.dma_semaphore, #tpu.memory_space<semaphore_mem>>
      %dma_start3A = arith.constant 0 : i32
      %dma_start3A_83 = tpu.memref_slice %arg10[%add3A_60, %dma_start3A] : memref<10240x128xf32, #tpu.memory_space<vmem_shared>> -> memref<128x128xf32, #tpu.memory_space<vmem_shared>>
      %dma_start3A_84 = arith.constant 0 : i32
      %dma_start3A_85 = tpu.memref_slice %arg10[%add3A_60, %dma_start3A_84] : memref<10240x128xf32, #tpu.memory_space<vmem_shared>> -> memref<128x128xf32, #tpu.memory_space<vmem_shared>>
      tpu.enqueue_dma source(%arg15 : memref<128x128xf32, #tpu.memory_space<vmem>>) target(%dma_start3A_85 : memref<128x128xf32, #tpu.memory_space<vmem_shared>>) target_semaphore(%run_scoped3A : memref<!tpu.dma_semaphore, #tpu.memory_space<semaphore_mem>>)
      %dma_wait3A = arith.constant 0 : i32
      %dma_wait3A_86 = tpu.memref_slice %arg10[%add3A_60, %dma_wait3A] : memref<10240x128xf32, #tpu.memory_space<vmem_shared>> -> memref<128x128xf32, #tpu.memory_space<vmem_shared>>
      %dma_wait3A_87 = arith.constant 0 : i32
      %dma_wait3A_88 = tpu.memref_slice %arg10[%add3A_60, %dma_wait3A_87] : memref<10240x128xf32, #tpu.memory_space<vmem_shared>> -> memref<128x128xf32, #tpu.memory_space<vmem_shared>>
      tpu.wait_dma2 semaphore(%run_scoped3A : memref<!tpu.dma_semaphore, #tpu.memory_space<semaphore_mem>>) src(%arg15 : memref<128x128xf32, #tpu.memory_space<vmem>>) dst(%dma_wait3A_88 : memref<128x128xf32, #tpu.memory_space<vmem_shared>>)
      tpu.yield
    }) : () -> ()
    %add3A_61 = arith.constant 128 : i32
    %add3A_62 = arith.addi %mul3A_2, %add3A_61 : i32
    "tpu.region"() ({
      %run_scoped3A = tpu.sem_alloc : memref<!tpu.dma_semaphore, #tpu.memory_space<semaphore_mem>>
      %dma_start3A = tpu.memref_slice %arg11[%add3A_62] : memref<10240xf32, #tpu.memory_space<vmem_shared>> -> memref<128xf32, #tpu.memory_space<vmem_shared>>
      %dma_start3A_83 = tpu.memref_slice %arg11[%add3A_62] : memref<10240xf32, #tpu.memory_space<vmem_shared>> -> memref<128xf32, #tpu.memory_space<vmem_shared>>
      tpu.enqueue_dma source(%arg16 : memref<128xf32, #tpu.memory_space<vmem>>) target(%dma_start3A_83 : memref<128xf32, #tpu.memory_space<vmem_shared>>) target_semaphore(%run_scoped3A : memref<!tpu.dma_semaphore, #tpu.memory_space<semaphore_mem>>)
      %dma_wait3A = tpu.memref_slice %arg11[%add3A_62] : memref<10240xf32, #tpu.memory_space<vmem_shared>> -> memref<128xf32, #tpu.memory_space<vmem_shared>>
      %dma_wait3A_84 = tpu.memref_slice %arg11[%add3A_62] : memref<10240xf32, #tpu.memory_space<vmem_shared>> -> memref<128xf32, #tpu.memory_space<vmem_shared>>
      tpu.wait_dma2 semaphore(%run_scoped3A : memref<!tpu.dma_semaphore, #tpu.memory_space<semaphore_mem>>) src(%arg16 : memref<128xf32, #tpu.memory_space<vmem>>) dst(%dma_wait3A_84 : memref<128xf32, #tpu.memory_space<vmem_shared>>)
      tpu.yield
    }) : () -> ()
    %add3A_63 = arith.constant 256 : i32
    %add3A_64 = arith.addi %mul3A_2, %add3A_63 : i32
    "tpu.region"() ({
      %run_scoped3A = tpu.sem_alloc : memref<!tpu.dma_semaphore, #tpu.memory_space<semaphore_mem>>
      %dma_start3A = arith.constant 0 : i32
      %dma_start3A_83 = tpu.memref_slice %arg10[%add3A_64, %dma_start3A] : memref<10240x128xf32, #tpu.memory_space<vmem_shared>> -> memref<128x128xf32, #tpu.memory_space<vmem_shared>>
      %dma_start3A_84 = arith.constant 0 : i32
      %dma_start3A_85 = tpu.memref_slice %arg10[%add3A_64, %dma_start3A_84] : memref<10240x128xf32, #tpu.memory_space<vmem_shared>> -> memref<128x128xf32, #tpu.memory_space<vmem_shared>>
      tpu.enqueue_dma source(%arg15 : memref<128x128xf32, #tpu.memory_space<vmem>>) target(%dma_start3A_85 : memref<128x128xf32, #tpu.memory_space<vmem_shared>>) target_semaphore(%run_scoped3A : memref<!tpu.dma_semaphore, #tpu.memory_space<semaphore_mem>>)
      %dma_wait3A = arith.constant 0 : i32
      %dma_wait3A_86 = tpu.memref_slice %arg10[%add3A_64, %dma_wait3A] : memref<10240x128xf32, #tpu.memory_space<vmem_shared>> -> memref<128x128xf32, #tpu.memory_space<vmem_shared>>
      %dma_wait3A_87 = arith.constant 0 : i32
      %dma_wait3A_88 = tpu.memref_slice %arg10[%add3A_64, %dma_wait3A_87] : memref<10240x128xf32, #tpu.memory_space<vmem_shared>> -> memref<128x128xf32, #tpu.memory_space<vmem_shared>>
      tpu.wait_dma2 semaphore(%run_scoped3A : memref<!tpu.dma_semaphore, #tpu.memory_space<semaphore_mem>>) src(%arg15 : memref<128x128xf32, #tpu.memory_space<vmem>>) dst(%dma_wait3A_88 : memref<128x128xf32, #tpu.memory_space<vmem_shared>>)
      tpu.yield
    }) : () -> ()
    %add3A_65 = arith.constant 256 : i32
    %add3A_66 = arith.addi %mul3A_2, %add3A_65 : i32
    "tpu.region"() ({
      %run_scoped3A = tpu.sem_alloc : memref<!tpu.dma_semaphore, #tpu.memory_space<semaphore_mem>>
      %dma_start3A = tpu.memref_slice %arg11[%add3A_66] : memref<10240xf32, #tpu.memory_space<vmem_shared>> -> memref<128xf32, #tpu.memory_space<vmem_shared>>
      %dma_start3A_83 = tpu.memref_slice %arg11[%add3A_66] : memref<10240xf32, #tpu.memory_space<vmem_shared>> -> memref<128xf32, #tpu.memory_space<vmem_shared>>
      tpu.enqueue_dma source(%arg16 : memref<128xf32, #tpu.memory_space<vmem>>) target(%dma_start3A_83 : memref<128xf32, #tpu.memory_space<vmem_shared>>) target_semaphore(%run_scoped3A : memref<!tpu.dma_semaphore, #tpu.memory_space<semaphore_mem>>)
      %dma_wait3A = tpu.memref_slice %arg11[%add3A_66] : memref<10240xf32, #tpu.memory_space<vmem_shared>> -> memref<128xf32, #tpu.memory_space<vmem_shared>>
      %dma_wait3A_84 = tpu.memref_slice %arg11[%add3A_66] : memref<10240xf32, #tpu.memory_space<vmem_shared>> -> memref<128xf32, #tpu.memory_space<vmem_shared>>
      tpu.wait_dma2 semaphore(%run_scoped3A : memref<!tpu.dma_semaphore, #tpu.memory_space<semaphore_mem>>) src(%arg16 : memref<128xf32, #tpu.memory_space<vmem>>) dst(%dma_wait3A_84 : memref<128xf32, #tpu.memory_space<vmem_shared>>)
      tpu.yield
    }) : () -> ()
    %add3A_67 = arith.constant 384 : i32
    %add3A_68 = arith.addi %mul3A_2, %add3A_67 : i32
    "tpu.region"() ({
      %run_scoped3A = tpu.sem_alloc : memref<!tpu.dma_semaphore, #tpu.memory_space<semaphore_mem>>
      %dma_start3A = arith.constant 0 : i32
      %dma_start3A_83 = tpu.memref_slice %arg10[%add3A_68, %dma_start3A] : memref<10240x128xf32, #tpu.memory_space<vmem_shared>> -> memref<128x128xf32, #tpu.memory_space<vmem_shared>>
      %dma_start3A_84 = arith.constant 0 : i32
      %dma_start3A_85 = tpu.memref_slice %arg10[%add3A_68, %dma_start3A_84] : memref<10240x128xf32, #tpu.memory_space<vmem_shared>> -> memref<128x128xf32, #tpu.memory_space<vmem_shared>>
      tpu.enqueue_dma source(%arg15 : memref<128x128xf32, #tpu.memory_space<vmem>>) target(%dma_start3A_85 : memref<128x128xf32, #tpu.memory_space<vmem_shared>>) target_semaphore(%run_scoped3A : memref<!tpu.dma_semaphore, #tpu.memory_space<semaphore_mem>>)
      %dma_wait3A = arith.constant 0 : i32
      %dma_wait3A_86 = tpu.memref_slice %arg10[%add3A_68, %dma_wait3A] : memref<10240x128xf32, #tpu.memory_space<vmem_shared>> -> memref<128x128xf32, #tpu.memory_space<vmem_shared>>
      %dma_wait3A_87 = arith.constant 0 : i32
      %dma_wait3A_88 = tpu.memref_slice %arg10[%add3A_68, %dma_wait3A_87] : memref<10240x128xf32, #tpu.memory_space<vmem_shared>> -> memref<128x128xf32, #tpu.memory_space<vmem_shared>>
      tpu.wait_dma2 semaphore(%run_scoped3A : memref<!tpu.dma_semaphore, #tpu.memory_space<semaphore_mem>>) src(%arg15 : memref<128x128xf32, #tpu.memory_space<vmem>>) dst(%dma_wait3A_88 : memref<128x128xf32, #tpu.memory_space<vmem_shared>>)
      tpu.yield
    }) : () -> ()
    %add3A_69 = arith.constant 384 : i32
    %add3A_70 = arith.addi %mul3A_2, %add3A_69 : i32
    "tpu.region"() ({
      %run_scoped3A = tpu.sem_alloc : memref<!tpu.dma_semaphore, #tpu.memory_space<semaphore_mem>>
      %dma_start3A = tpu.memref_slice %arg11[%add3A_70] : memref<10240xf32, #tpu.memory_space<vmem_shared>> -> memref<128xf32, #tpu.memory_space<vmem_shared>>
      %dma_start3A_83 = tpu.memref_slice %arg11[%add3A_70] : memref<10240xf32, #tpu.memory_space<vmem_shared>> -> memref<128xf32, #tpu.memory_space<vmem_shared>>
      tpu.enqueue_dma source(%arg16 : memref<128xf32, #tpu.memory_space<vmem>>) target(%dma_start3A_83 : memref<128xf32, #tpu.memory_space<vmem_shared>>) target_semaphore(%run_scoped3A : memref<!tpu.dma_semaphore, #tpu.memory_space<semaphore_mem>>)
      %dma_wait3A = tpu.memref_slice %arg11[%add3A_70] : memref<10240xf32, #tpu.memory_space<vmem_shared>> -> memref<128xf32, #tpu.memory_space<vmem_shared>>
      %dma_wait3A_84 = tpu.memref_slice %arg11[%add3A_70] : memref<10240xf32, #tpu.memory_space<vmem_shared>> -> memref<128xf32, #tpu.memory_space<vmem_shared>>
      tpu.wait_dma2 semaphore(%run_scoped3A : memref<!tpu.dma_semaphore, #tpu.memory_space<semaphore_mem>>) src(%arg16 : memref<128xf32, #tpu.memory_space<vmem>>) dst(%dma_wait3A_84 : memref<128xf32, #tpu.memory_space<vmem_shared>>)
      tpu.yield
    }) : () -> ()
    %add3A_71 = arith.constant 512 : i32
    %add3A_72 = arith.addi %mul3A_2, %add3A_71 : i32
    "tpu.region"() ({
      %run_scoped3A = tpu.sem_alloc : memref<!tpu.dma_semaphore, #tpu.memory_space<semaphore_mem>>
      %dma_start3A = arith.constant 0 : i32
      %dma_start3A_83 = tpu.memref_slice %arg10[%add3A_72, %dma_start3A] : memref<10240x128xf32, #tpu.memory_space<vmem_shared>> -> memref<128x128xf32, #tpu.memory_space<vmem_shared>>
      %dma_start3A_84 = arith.constant 0 : i32
      %dma_start3A_85 = tpu.memref_slice %arg10[%add3A_72, %dma_start3A_84] : memref<10240x128xf32, #tpu.memory_space<vmem_shared>> -> memref<128x128xf32, #tpu.memory_space<vmem_shared>>
      tpu.enqueue_dma source(%arg15 : memref<128x128xf32, #tpu.memory_space<vmem>>) target(%dma_start3A_85 : memref<128x128xf32, #tpu.memory_space<vmem_shared>>) target_semaphore(%run_scoped3A : memref<!tpu.dma_semaphore, #tpu.memory_space<semaphore_mem>>)
      %dma_wait3A = arith.constant 0 : i32
      %dma_wait3A_86 = tpu.memref_slice %arg10[%add3A_72, %dma_wait3A] : memref<10240x128xf32, #tpu.memory_space<vmem_shared>> -> memref<128x128xf32, #tpu.memory_space<vmem_shared>>
      %dma_wait3A_87 = arith.constant 0 : i32
      %dma_wait3A_88 = tpu.memref_slice %arg10[%add3A_72, %dma_wait3A_87] : memref<10240x128xf32, #tpu.memory_space<vmem_shared>> -> memref<128x128xf32, #tpu.memory_space<vmem_shared>>
      tpu.wait_dma2 semaphore(%run_scoped3A : memref<!tpu.dma_semaphore, #tpu.memory_space<semaphore_mem>>) src(%arg15 : memref<128x128xf32, #tpu.memory_space<vmem>>) dst(%dma_wait3A_88 : memref<128x128xf32, #tpu.memory_space<vmem_shared>>)
      tpu.yield
    }) : () -> ()
    %add3A_73 = arith.constant 512 : i32
    %add3A_74 = arith.addi %mul3A_2, %add3A_73 : i32
    "tpu.region"() ({
      %run_scoped3A = tpu.sem_alloc : memref<!tpu.dma_semaphore, #tpu.memory_space<semaphore_mem>>
      %dma_start3A = tpu.memref_slice %arg11[%add3A_74] : memref<10240xf32, #tpu.memory_space<vmem_shared>> -> memref<128xf32, #tpu.memory_space<vmem_shared>>
      %dma_start3A_83 = tpu.memref_slice %arg11[%add3A_74] : memref<10240xf32, #tpu.memory_space<vmem_shared>> -> memref<128xf32, #tpu.memory_space<vmem_shared>>
      tpu.enqueue_dma source(%arg16 : memref<128xf32, #tpu.memory_space<vmem>>) target(%dma_start3A_83 : memref<128xf32, #tpu.memory_space<vmem_shared>>) target_semaphore(%run_scoped3A : memref<!tpu.dma_semaphore, #tpu.memory_space<semaphore_mem>>)
      %dma_wait3A = tpu.memref_slice %arg11[%add3A_74] : memref<10240xf32, #tpu.memory_space<vmem_shared>> -> memref<128xf32, #tpu.memory_space<vmem_shared>>
      %dma_wait3A_84 = tpu.memref_slice %arg11[%add3A_74] : memref<10240xf32, #tpu.memory_space<vmem_shared>> -> memref<128xf32, #tpu.memory_space<vmem_shared>>
      tpu.wait_dma2 semaphore(%run_scoped3A : memref<!tpu.dma_semaphore, #tpu.memory_space<semaphore_mem>>) src(%arg16 : memref<128xf32, #tpu.memory_space<vmem>>) dst(%dma_wait3A_84 : memref<128xf32, #tpu.memory_space<vmem_shared>>)
      tpu.yield
    }) : () -> ()
    "tpu.region"() ({
      %run_scoped3A = tpu.sem_alloc : memref<!tpu.dma_semaphore, #tpu.memory_space<semaphore_mem>>
      %dma_start3A = arith.constant 0 : i32
      %dma_start3A_83 = arith.constant 0 : i32
      %dma_start3A_84 = tpu.memref_slice %arg6[%add3A, %dma_start3A, %dma_start3A_83] : memref<32x79x128xi32, #tpu.memory_space<hbm>> -> memref<1x79x128xi32, #tpu.memory_space<hbm>>
      %dma_start3A_85 = tpu.memref_squeeze %dma_start3A_84 : memref<1x79x128xi32, #tpu.memory_space<hbm>> -> memref<79x128xi32, #tpu.memory_space<hbm>>
      %dma_start3A_86 = arith.constant 0 : i32
      %dma_start3A_87 = arith.constant 0 : i32
      %dma_start3A_88 = tpu.memref_slice %arg6[%add3A, %dma_start3A_86, %dma_start3A_87] : memref<32x79x128xi32, #tpu.memory_space<hbm>> -> memref<1x79x128xi32, #tpu.memory_space<hbm>>
      %dma_start3A_89 = tpu.memref_squeeze %dma_start3A_88 : memref<1x79x128xi32, #tpu.memory_space<hbm>> -> memref<79x128xi32, #tpu.memory_space<hbm>>
      tpu.enqueue_dma source(%dma_start3A_89 : memref<79x128xi32, #tpu.memory_space<hbm>>) target(%arg12 : memref<79x128xi32, #tpu.memory_space<vmem>>) target_semaphore(%run_scoped3A : memref<!tpu.dma_semaphore, #tpu.memory_space<semaphore_mem>>)
      %dma_wait3A = arith.constant 0 : i32
      %dma_wait3A_90 = arith.constant 0 : i32
      %dma_wait3A_91 = tpu.memref_slice %arg6[%add3A, %dma_wait3A, %dma_wait3A_90] : memref<32x79x128xi32, #tpu.memory_space<hbm>> -> memref<1x79x128xi32, #tpu.memory_space<hbm>>
      %dma_wait3A_92 = tpu.memref_squeeze %dma_wait3A_91 : memref<1x79x128xi32, #tpu.memory_space<hbm>> -> memref<79x128xi32, #tpu.memory_space<hbm>>
      %dma_wait3A_93 = arith.constant 0 : i32
      %dma_wait3A_94 = arith.constant 0 : i32
      %dma_wait3A_95 = tpu.memref_slice %arg6[%add3A, %dma_wait3A_93, %dma_wait3A_94] : memref<32x79x128xi32, #tpu.memory_space<hbm>> -> memref<1x79x128xi32, #tpu.memory_space<hbm>>
      %dma_wait3A_96 = tpu.memref_squeeze %dma_wait3A_95 : memref<1x79x128xi32, #tpu.memory_space<hbm>> -> memref<79x128xi32, #tpu.memory_space<hbm>>
      tpu.wait_dma2 semaphore(%run_scoped3A : memref<!tpu.dma_semaphore, #tpu.memory_space<semaphore_mem>>) src(%dma_wait3A_96 : memref<79x128xi32, #tpu.memory_space<hbm>>) dst(%arg12 : memref<79x128xi32, #tpu.memory_space<vmem>>)
      tpu.yield
    }) : () -> ()
    "tpu.region"() ({
      %run_scoped3A = tpu.sem_alloc : memref<!tpu.dma_semaphore, #tpu.memory_space<semaphore_mem>>
      %dma_start3A = arith.constant 0 : i32
      %dma_start3A_83 = arith.constant 0 : i32
      %dma_start3A_84 = tpu.memref_slice %arg7[%add3A, %dma_start3A, %dma_start3A_83] : memref<32x79x128xi32, #tpu.memory_space<hbm>> -> memref<1x79x128xi32, #tpu.memory_space<hbm>>
      %dma_start3A_85 = tpu.memref_squeeze %dma_start3A_84 : memref<1x79x128xi32, #tpu.memory_space<hbm>> -> memref<79x128xi32, #tpu.memory_space<hbm>>
      %dma_start3A_86 = arith.constant 0 : i32
      %dma_start3A_87 = arith.constant 0 : i32
      %dma_start3A_88 = tpu.memref_slice %arg7[%add3A, %dma_start3A_86, %dma_start3A_87] : memref<32x79x128xi32, #tpu.memory_space<hbm>> -> memref<1x79x128xi32, #tpu.memory_space<hbm>>
      %dma_start3A_89 = tpu.memref_squeeze %dma_start3A_88 : memref<1x79x128xi32, #tpu.memory_space<hbm>> -> memref<79x128xi32, #tpu.memory_space<hbm>>
      tpu.enqueue_dma source(%dma_start3A_89 : memref<79x128xi32, #tpu.memory_space<hbm>>) target(%arg13 : memref<79x128xi32, #tpu.memory_space<vmem>>) target_semaphore(%run_scoped3A : memref<!tpu.dma_semaphore, #tpu.memory_space<semaphore_mem>>)
      %dma_wait3A = arith.constant 0 : i32
      %dma_wait3A_90 = arith.constant 0 : i32
      %dma_wait3A_91 = tpu.memref_slice %arg7[%add3A, %dma_wait3A, %dma_wait3A_90] : memref<32x79x128xi32, #tpu.memory_space<hbm>> -> memref<1x79x128xi32, #tpu.memory_space<hbm>>
      %dma_wait3A_92 = tpu.memref_squeeze %dma_wait3A_91 : memref<1x79x128xi32, #tpu.memory_space<hbm>> -> memref<79x128xi32, #tpu.memory_space<hbm>>
      %dma_wait3A_93 = arith.constant 0 : i32
      %dma_wait3A_94 = arith.constant 0 : i32
      %dma_wait3A_95 = tpu.memref_slice %arg7[%add3A, %dma_wait3A_93, %dma_wait3A_94] : memref<32x79x128xi32, #tpu.memory_space<hbm>> -> memref<1x79x128xi32, #tpu.memory_space<hbm>>
      %dma_wait3A_96 = tpu.memref_squeeze %dma_wait3A_95 : memref<1x79x128xi32, #tpu.memory_space<hbm>> -> memref<79x128xi32, #tpu.memory_space<hbm>>
      tpu.wait_dma2 semaphore(%run_scoped3A : memref<!tpu.dma_semaphore, #tpu.memory_space<semaphore_mem>>) src(%dma_wait3A_96 : memref<79x128xi32, #tpu.memory_space<hbm>>) dst(%arg13 : memref<79x128xi32, #tpu.memory_space<vmem>>)
      tpu.yield
    }) : () -> ()
    "tpu.region"() ({
      %run_scoped3A = tpu.sem_alloc : memref<!tpu.dma_semaphore, #tpu.memory_space<semaphore_mem>>
      %dma_start3A = arith.constant 0 : i32
      %dma_start3A_83 = arith.constant 0 : i32
      %dma_start3A_84 = tpu.memref_slice %arg5[%add3A, %dma_start3A, %dma_start3A_83] : memref<32x79x128xf32, #tpu.memory_space<hbm>> -> memref<1x79x128xf32, #tpu.memory_space<hbm>>
      %dma_start3A_85 = tpu.memref_squeeze %dma_start3A_84 : memref<1x79x128xf32, #tpu.memory_space<hbm>> -> memref<79x128xf32, #tpu.memory_space<hbm>>
      %dma_start3A_86 = arith.constant 0 : i32
      %dma_start3A_87 = arith.constant 0 : i32
      %dma_start3A_88 = tpu.memref_slice %arg5[%add3A, %dma_start3A_86, %dma_start3A_87] : memref<32x79x128xf32, #tpu.memory_space<hbm>> -> memref<1x79x128xf32, #tpu.memory_space<hbm>>
      %dma_start3A_89 = tpu.memref_squeeze %dma_start3A_88 : memref<1x79x128xf32, #tpu.memory_space<hbm>> -> memref<79x128xf32, #tpu.memory_space<hbm>>
      tpu.enqueue_dma source(%dma_start3A_89 : memref<79x128xf32, #tpu.memory_space<hbm>>) target(%arg14 : memref<79x128xf32, #tpu.memory_space<vmem>>) target_semaphore(%run_scoped3A : memref<!tpu.dma_semaphore, #tpu.memory_space<semaphore_mem>>)
      %dma_wait3A = arith.constant 0 : i32
      %dma_wait3A_90 = arith.constant 0 : i32
      %dma_wait3A_91 = tpu.memref_slice %arg5[%add3A, %dma_wait3A, %dma_wait3A_90] : memref<32x79x128xf32, #tpu.memory_space<hbm>> -> memref<1x79x128xf32, #tpu.memory_space<hbm>>
      %dma_wait3A_92 = tpu.memref_squeeze %dma_wait3A_91 : memref<1x79x128xf32, #tpu.memory_space<hbm>> -> memref<79x128xf32, #tpu.memory_space<hbm>>
      %dma_wait3A_93 = arith.constant 0 : i32
      %dma_wait3A_94 = arith.constant 0 : i32
      %dma_wait3A_95 = tpu.memref_slice %arg5[%add3A, %dma_wait3A_93, %dma_wait3A_94] : memref<32x79x128xf32, #tpu.memory_space<hbm>> -> memref<1x79x128xf32, #tpu.memory_space<hbm>>
      %dma_wait3A_96 = tpu.memref_squeeze %dma_wait3A_95 : memref<1x79x128xf32, #tpu.memory_space<hbm>> -> memref<79x128xf32, #tpu.memory_space<hbm>>
      tpu.wait_dma2 semaphore(%run_scoped3A : memref<!tpu.dma_semaphore, #tpu.memory_space<semaphore_mem>>) src(%dma_wait3A_96 : memref<79x128xf32, #tpu.memory_space<hbm>>) dst(%arg14 : memref<79x128xf32, #tpu.memory_space<vmem>>)
      tpu.yield
    }) : () -> ()
    %barrier3A = arith.constant 0 : index
    tpu.barrier barrier_id(%barrier3A)
    %scan3A_75 = arith.constant 0 : i32
    %scan3A_76 = arith.constant 0 : i32
    %scan3A_77 = arith.constant 79 : i32
    %scan3A_78 = arith.addi %scan3A_76, %scan3A_77 : i32
    %scan3A_79 = arith.constant 1 : i32
    %scan3A_80 = scf.for %scan3A_83 = %scan3A_76 to %scan3A_78 step %scan3A_79 iter_args(%scan3A_84 = %scan3A_75) -> (i32)  : i32 {
      %dma_start3A = arith.constant 0 : i32
      %dma_start3A_85 = tpu.memref_slice %arg12[%scan3A_83, %dma_start3A] : memref<79x128xi32, #tpu.memory_space<vmem>> -> memref<1x128xi32, #tpu.memory_space<vmem>>
      %dma_start3A_86 = tpu.memref_squeeze %dma_start3A_85 : memref<1x128xi32, #tpu.memory_space<vmem>> -> memref<128xi32, #tpu.memory_space<vmem>>
      %dma_start3A_87 = arith.constant 0 : i32
      %dma_start3A_88 = arith.constant 0 : i32
      %dma_start3A_89 = tpu.memref_slice %arg2[%dma_start3A_87, %dma_start3A_88] : memref<10000x128xf32, #tpu.memory_space<hbm>> -> memref<10000x128xf32, #tpu.memory_space<hbm>>
      tpu.enqueue_indirect_dma source(%dma_start3A_89 : memref<10000x128xf32, #tpu.memory_space<hbm>>) target(%arg15 : memref<128x128xf32, #tpu.memory_space<vmem>>) offsets(%dma_start3A_86 : memref<128xi32, #tpu.memory_space<vmem>>) semaphore(%arg19 : memref<!tpu.dma_semaphore, #tpu.memory_space<semaphore_mem>>)
      %dma_start3A_90 = arith.constant 0 : i32
      %dma_start3A_91 = tpu.memref_slice %arg12[%scan3A_83, %dma_start3A_90] : memref<79x128xi32, #tpu.memory_space<vmem>> -> memref<1x128xi32, #tpu.memory_space<vmem>>
      %dma_start3A_92 = tpu.memref_squeeze %dma_start3A_91 : memref<1x128xi32, #tpu.memory_space<vmem>> -> memref<128xi32, #tpu.memory_space<vmem>>
      %dma_start3A_93 = arith.constant 0 : i32
      %dma_start3A_94 = tpu.memref_slice %arg3[%dma_start3A_93] : memref<10000xf32, #tpu.memory_space<hbm>> -> memref<10000xf32, #tpu.memory_space<hbm>>
      tpu.enqueue_indirect_dma source(%dma_start3A_94 : memref<10000xf32, #tpu.memory_space<hbm>>) target(%arg17 : memref<128xf32, #tpu.memory_space<vmem>>) offsets(%dma_start3A_92 : memref<128xi32, #tpu.memory_space<vmem>>) semaphore(%arg20 : memref<!tpu.dma_semaphore, #tpu.memory_space<semaphore_mem>>)
      %dma_start3A_95 = arith.constant 0 : i32
      %dma_start3A_96 = tpu.memref_slice %arg13[%scan3A_83, %dma_start3A_95] : memref<79x128xi32, #tpu.memory_space<vmem>> -> memref<1x128xi32, #tpu.memory_space<vmem>>
      %dma_start3A_97 = tpu.memref_squeeze %dma_start3A_96 : memref<1x128xi32, #tpu.memory_space<vmem>> -> memref<128xi32, #tpu.memory_space<vmem>>
      %dma_start3A_98 = arith.constant 0 : i32
      %dma_start3A_99 = tpu.memref_slice %arg4[%dma_start3A_98] : memref<10000xf32, #tpu.memory_space<hbm>> -> memref<10000xf32, #tpu.memory_space<hbm>>
      tpu.enqueue_indirect_dma source(%dma_start3A_99 : memref<10000xf32, #tpu.memory_space<hbm>>) target(%arg18 : memref<128xf32, #tpu.memory_space<vmem>>) offsets(%dma_start3A_97 : memref<128xi32, #tpu.memory_space<vmem>>) semaphore(%arg21 : memref<!tpu.dma_semaphore, #tpu.memory_space<semaphore_mem>>)
      %dma_wait3A = arith.constant 0 : i32
      %dma_wait3A_100 = tpu.memref_slice %arg12[%scan3A_83, %dma_wait3A] : memref<79x128xi32, #tpu.memory_space<vmem>> -> memref<1x128xi32, #tpu.memory_space<vmem>>
      %dma_wait3A_101 = tpu.memref_squeeze %dma_wait3A_100 : memref<1x128xi32, #tpu.memory_space<vmem>> -> memref<128xi32, #tpu.memory_space<vmem>>
      %dma_wait3A_102 = arith.constant 0 : i32
      %dma_wait3A_103 = tpu.memref_slice %arg3[%dma_wait3A_102] : memref<10000xf32, #tpu.memory_space<hbm>> -> memref<10000xf32, #tpu.memory_space<hbm>>
      tpu.wait_indirect_dma semaphore(%arg20 : memref<!tpu.dma_semaphore, #tpu.memory_space<semaphore_mem>>) src(%dma_wait3A_103 : memref<10000xf32, #tpu.memory_space<hbm>>) dst(%arg17 : memref<128xf32, #tpu.memory_space<vmem>>)
      %dma_wait3A_104 = arith.constant 0 : i32
      %dma_wait3A_105 = tpu.memref_slice %arg13[%scan3A_83, %dma_wait3A_104] : memref<79x128xi32, #tpu.memory_space<vmem>> -> memref<1x128xi32, #tpu.memory_space<vmem>>
      %dma_wait3A_106 = tpu.memref_squeeze %dma_wait3A_105 : memref<1x128xi32, #tpu.memory_space<vmem>> -> memref<128xi32, #tpu.memory_space<vmem>>
      %dma_wait3A_107 = arith.constant 0 : i32
      %dma_wait3A_108 = tpu.memref_slice %arg4[%dma_wait3A_107] : memref<10000xf32, #tpu.memory_space<hbm>> -> memref<10000xf32, #tpu.memory_space<hbm>>
      tpu.wait_indirect_dma semaphore(%arg21 : memref<!tpu.dma_semaphore, #tpu.memory_space<semaphore_mem>>) src(%dma_wait3A_108 : memref<10000xf32, #tpu.memory_space<hbm>>) dst(%arg18 : memref<128xf32, #tpu.memory_space<vmem>>)
      %get3A = arith.constant 0 : index
      %get3A_109 = tpu.vector_load %arg17[%get3A] {strides = array<i32>} : memref<128xf32, #tpu.memory_space<vmem>>, vector<16xf32>,
      %get3A_110 = vector.shape_cast %get3A_109 : vector<16xf32> to vector<16xf32>
      %get3A_111 = arith.constant 0 : index
      %get3A_112 = tpu.vector_load %arg18[%get3A_111] {strides = array<i32>} : memref<128xf32, #tpu.memory_space<vmem>>, vector<16xf32>,
      %get3A_113 = vector.shape_cast %get3A_112 : vector<16xf32> to vector<16xf32>
      %add3A_114 = arith.addf %get3A_110, %get3A_113 : vector<16xf32>
      %get3A_115 = arith.index_cast %scan3A_83 : i32 to index
      %get3A_116 = arith.constant 0 : index
      %get3A_117 = tpu.vector_load %arg14[%get3A_115, %get3A_116] {strides = array<i32>} : memref<79x128xf32, #tpu.memory_space<vmem>>, vector<1x16xf32>,
      %get3A_118 = vector.shape_cast %get3A_117 : vector<1x16xf32> to vector<16xf32>
      %add3A_119 = arith.addf %add3A_114, %get3A_118 : vector<16xf32>
      %gt3A = arith.constant 0.000000e+00 : f32
      %gt3A_120 = vector.broadcast %gt3A : f32 to vector<16xf32>
      %gt3A_121 = arith.cmpf ogt, %add3A_119, %gt3A_120 : vector<16xf32>
      %mul3A_122 = arith.constant 2.000000e-01 : f32
      %mul3A_123 = vector.broadcast %mul3A_122 : f32 to vector<16xf32>
      %mul3A_124 = arith.mulf %mul3A_123, %add3A_119 : vector<16xf32>
      %select_n3A = arith.select %gt3A_121, %add3A_119, %mul3A_124 : vector<16xi1>, vector<16xf32>
      %exp3A = math.exp %select_n3A : vector<16xf32>
      %swap3A_125 = arith.constant 0 : index
      %swap3A_126 = tpu.vector_load %arg16[%swap3A_125] {strides = array<i32>} : memref<128xf32, #tpu.memory_space<vmem>>, vector<16xf32>,
      %swap3A_127 = vector.shape_cast %swap3A_126 : vector<16xf32> to vector<16xf32>
      %swap3A_128 = vector.shape_cast %exp3A : vector<16xf32> to vector<16xf32>
      tpu.vector_store %arg16[%swap3A_125], %swap3A_128 {strides = array<i32>} : memref<128xf32, #tpu.memory_space<vmem>>, vector<16xf32>,
      %get3A_129 = arith.constant 16 : index
      %get3A_130 = tpu.vector_load %arg17[%get3A_129] {strides = array<i32>} : memref<128xf32, #tpu.memory_space<vmem>>, vector<16xf32>,
      %get3A_131 = vector.shape_cast %get3A_130 : vector<16xf32> to vector<16xf32>
      %get3A_132 = arith.constant 16 : index
      %get3A_133 = tpu.vector_load %arg18[%get3A_132] {strides = array<i32>} : memref<128xf32, #tpu.memory_space<vmem>>, vector<16xf32>,
      %get3A_134 = vector.shape_cast %get3A_133 : vector<16xf32> to vector<16xf32>
      %add3A_135 = arith.addf %get3A_131, %get3A_134 : vector<16xf32>
      %get3A_136 = arith.index_cast %scan3A_83 : i32 to index
      %get3A_137 = arith.constant 16 : index
      %get3A_138 = tpu.vector_load %arg14[%get3A_136, %get3A_137] {strides = array<i32>} : memref<79x128xf32, #tpu.memory_space<vmem>>, vector<1x16xf32>,
      %get3A_139 = vector.shape_cast %get3A_138 : vector<1x16xf32> to vector<16xf32>
      %add3A_140 = arith.addf %add3A_135, %get3A_139 : vector<16xf32>
      %gt3A_141 = arith.constant 0.000000e+00 : f32
      %gt3A_142 = vector.broadcast %gt3A_141 : f32 to vector<16xf32>
      %gt3A_143 = arith.cmpf ogt, %add3A_140, %gt3A_142 : vector<16xf32>
      %mul3A_144 = arith.constant 2.000000e-01 : f32
      %mul3A_145 = vector.broadcast %mul3A_144 : f32 to vector<16xf32>
      %mul3A_146 = arith.mulf %mul3A_145, %add3A_140 : vector<16xf32>
      %select_n3A_147 = arith.select %gt3A_143, %add3A_140, %mul3A_146 : vector<16xi1>, vector<16xf32>
      %exp3A_148 = math.exp %select_n3A_147 : vector<16xf32>
      %swap3A_149 = arith.constant 16 : index
      %swap3A_150 = tpu.vector_load %arg16[%swap3A_149] {strides = array<i32>} : memref<128xf32, #tpu.memory_space<vmem>>, vector<16xf32>,
      %swap3A_151 = vector.shape_cast %swap3A_150 : vector<16xf32> to vector<16xf32>
      %swap3A_152 = vector.shape_cast %exp3A_148 : vector<16xf32> to vector<16xf32>
      tpu.vector_store %arg16[%swap3A_149], %swap3A_152 {strides = array<i32>} : memref<128xf32, #tpu.memory_space<vmem>>, vector<16xf32>,
      %get3A_153 = arith.constant 32 : index
      %get3A_154 = tpu.vector_load %arg17[%get3A_153] {strides = array<i32>} : memref<128xf32, #tpu.memory_space<vmem>>, vector<16xf32>,
      %get3A_155 = vector.shape_cast %get3A_154 : vector<16xf32> to vector<16xf32>
      %get3A_156 = arith.constant 32 : index
      %get3A_157 = tpu.vector_load %arg18[%get3A_156] {strides = array<i32>} : memref<128xf32, #tpu.memory_space<vmem>>, vector<16xf32>,
      %get3A_158 = vector.shape_cast %get3A_157 : vector<16xf32> to vector<16xf32>
      %add3A_159 = arith.addf %get3A_155, %get3A_158 : vector<16xf32>
      %get3A_160 = arith.index_cast %scan3A_83 : i32 to index
      %get3A_161 = arith.constant 32 : index
      %get3A_162 = tpu.vector_load %arg14[%get3A_160, %get3A_161] {strides = array<i32>} : memref<79x128xf32, #tpu.memory_space<vmem>>, vector<1x16xf32>,
      %get3A_163 = vector.shape_cast %get3A_162 : vector<1x16xf32> to vector<16xf32>
      %add3A_164 = arith.addf %add3A_159, %get3A_163 : vector<16xf32>
      %gt3A_165 = arith.constant 0.000000e+00 : f32
      %gt3A_166 = vector.broadcast %gt3A_165 : f32 to vector<16xf32>
      %gt3A_167 = arith.cmpf ogt, %add3A_164, %gt3A_166 : vector<16xf32>
      %mul3A_168 = arith.constant 2.000000e-01 : f32
      %mul3A_169 = vector.broadcast %mul3A_168 : f32 to vector<16xf32>
      %mul3A_170 = arith.mulf %mul3A_169, %add3A_164 : vector<16xf32>
      %select_n3A_171 = arith.select %gt3A_167, %add3A_164, %mul3A_170 : vector<16xi1>, vector<16xf32>
      %exp3A_172 = math.exp %select_n3A_171 : vector<16xf32>
      %swap3A_173 = arith.constant 32 : index
      %swap3A_174 = tpu.vector_load %arg16[%swap3A_173] {strides = array<i32>} : memref<128xf32, #tpu.memory_space<vmem>>, vector<16xf32>,
      %swap3A_175 = vector.shape_cast %swap3A_174 : vector<16xf32> to vector<16xf32>
      %swap3A_176 = vector.shape_cast %exp3A_172 : vector<16xf32> to vector<16xf32>
      tpu.vector_store %arg16[%swap3A_173], %swap3A_176 {strides = array<i32>} : memref<128xf32, #tpu.memory_space<vmem>>, vector<16xf32>,
      %get3A_177 = arith.constant 48 : index
      %get3A_178 = tpu.vector_load %arg17[%get3A_177] {strides = array<i32>} : memref<128xf32, #tpu.memory_space<vmem>>, vector<16xf32>,
      %get3A_179 = vector.shape_cast %get3A_178 : vector<16xf32> to vector<16xf32>
      %get3A_180 = arith.constant 48 : index
      %get3A_181 = tpu.vector_load %arg18[%get3A_180] {strides = array<i32>} : memref<128xf32, #tpu.memory_space<vmem>>, vector<16xf32>,
      %get3A_182 = vector.shape_cast %get3A_181 : vector<16xf32> to vector<16xf32>
      %add3A_183 = arith.addf %get3A_179, %get3A_182 : vector<16xf32>
      %get3A_184 = arith.index_cast %scan3A_83 : i32 to index
      %get3A_185 = arith.constant 48 : index
      %get3A_186 = tpu.vector_load %arg14[%get3A_184, %get3A_185] {strides = array<i32>} : memref<79x128xf32, #tpu.memory_space<vmem>>, vector<1x16xf32>,
      %get3A_187 = vector.shape_cast %get3A_186 : vector<1x16xf32> to vector<16xf32>
      %add3A_188 = arith.addf %add3A_183, %get3A_187 : vector<16xf32>
      %gt3A_189 = arith.constant 0.000000e+00 : f32
      %gt3A_190 = vector.broadcast %gt3A_189 : f32 to vector<16xf32>
      %gt3A_191 = arith.cmpf ogt, %add3A_188, %gt3A_190 : vector<16xf32>
      %mul3A_192 = arith.constant 2.000000e-01 : f32
      %mul3A_193 = vector.broadcast %mul3A_192 : f32 to vector<16xf32>
      %mul3A_194 = arith.mulf %mul3A_193, %add3A_188 : vector<16xf32>
      %select_n3A_195 = arith.select %gt3A_191, %add3A_188, %mul3A_194 : vector<16xi1>, vector<16xf32>
      %exp3A_196 = math.exp %select_n3A_195 : vector<16xf32>
      %swap3A_197 = arith.constant 48 : index
      %swap3A_198 = tpu.vector_load %arg16[%swap3A_197] {strides = array<i32>} : memref<128xf32, #tpu.memory_space<vmem>>, vector<16xf32>,
      %swap3A_199 = vector.shape_cast %swap3A_198 : vector<16xf32> to vector<16xf32>
      %swap3A_200 = vector.shape_cast %exp3A_196 : vector<16xf32> to vector<16xf32>
      tpu.vector_store %arg16[%swap3A_197], %swap3A_200 {strides = array<i32>} : memref<128xf32, #tpu.memory_space<vmem>>, vector<16xf32>,
      %get3A_201 = arith.constant 64 : index
      %get3A_202 = tpu.vector_load %arg17[%get3A_201] {strides = array<i32>} : memref<128xf32, #tpu.memory_space<vmem>>, vector<16xf32>,
      %get3A_203 = vector.shape_cast %get3A_202 : vector<16xf32> to vector<16xf32>
      %get3A_204 = arith.constant 64 : index
      %get3A_205 = tpu.vector_load %arg18[%get3A_204] {strides = array<i32>} : memref<128xf32, #tpu.memory_space<vmem>>, vector<16xf32>,
      %get3A_206 = vector.shape_cast %get3A_205 : vector<16xf32> to vector<16xf32>
      %add3A_207 = arith.addf %get3A_203, %get3A_206 : vector<16xf32>
      %get3A_208 = arith.index_cast %scan3A_83 : i32 to index
      %get3A_209 = arith.constant 64 : index
      %get3A_210 = tpu.vector_load %arg14[%get3A_208, %get3A_209] {strides = array<i32>} : memref<79x128xf32, #tpu.memory_space<vmem>>, vector<1x16xf32>,
      %get3A_211 = vector.shape_cast %get3A_210 : vector<1x16xf32> to vector<16xf32>
      %add3A_212 = arith.addf %add3A_207, %get3A_211 : vector<16xf32>
      %gt3A_213 = arith.constant 0.000000e+00 : f32
      %gt3A_214 = vector.broadcast %gt3A_213 : f32 to vector<16xf32>
      %gt3A_215 = arith.cmpf ogt, %add3A_212, %gt3A_214 : vector<16xf32>
      %mul3A_216 = arith.constant 2.000000e-01 : f32
      %mul3A_217 = vector.broadcast %mul3A_216 : f32 to vector<16xf32>
      %mul3A_218 = arith.mulf %mul3A_217, %add3A_212 : vector<16xf32>
      %select_n3A_219 = arith.select %gt3A_215, %add3A_212, %mul3A_218 : vector<16xi1>, vector<16xf32>
      %exp3A_220 = math.exp %select_n3A_219 : vector<16xf32>
      %swap3A_221 = arith.constant 64 : index
      %swap3A_222 = tpu.vector_load %arg16[%swap3A_221] {strides = array<i32>} : memref<128xf32, #tpu.memory_space<vmem>>, vector<16xf32>,
      %swap3A_223 = vector.shape_cast %swap3A_222 : vector<16xf32> to vector<16xf32>
      %swap3A_224 = vector.shape_cast %exp3A_220 : vector<16xf32> to vector<16xf32>
      tpu.vector_store %arg16[%swap3A_221], %swap3A_224 {strides = array<i32>} : memref<128xf32, #tpu.memory_space<vmem>>, vector<16xf32>,
      %get3A_225 = arith.constant 80 : index
      %get3A_226 = tpu.vector_load %arg17[%get3A_225] {strides = array<i32>} : memref<128xf32, #tpu.memory_space<vmem>>, vector<16xf32>,
      %get3A_227 = vector.shape_cast %get3A_226 : vector<16xf32> to vector<16xf32>
      %get3A_228 = arith.constant 80 : index
      %get3A_229 = tpu.vector_load %arg18[%get3A_228] {strides = array<i32>} : memref<128xf32, #tpu.memory_space<vmem>>, vector<16xf32>,
      %get3A_230 = vector.shape_cast %get3A_229 : vector<16xf32> to vector<16xf32>
      %add3A_231 = arith.addf %get3A_227, %get3A_230 : vector<16xf32>
      %get3A_232 = arith.index_cast %scan3A_83 : i32 to index
      %get3A_233 = arith.constant 80 : index
      %get3A_234 = tpu.vector_load %arg14[%get3A_232, %get3A_233] {strides = array<i32>} : memref<79x128xf32, #tpu.memory_space<vmem>>, vector<1x16xf32>,
      %get3A_235 = vector.shape_cast %get3A_234 : vector<1x16xf32> to vector<16xf32>
      %add3A_236 = arith.addf %add3A_231, %get3A_235 : vector<16xf32>
      %gt3A_237 = arith.constant 0.000000e+00 : f32
      %gt3A_238 = vector.broadcast %gt3A_237 : f32 to vector<16xf32>
      %gt3A_239 = arith.cmpf ogt, %add3A_236, %gt3A_238 : vector<16xf32>
      %mul3A_240 = arith.constant 2.000000e-01 : f32
      %mul3A_241 = vector.broadcast %mul3A_240 : f32 to vector<16xf32>
      %mul3A_242 = arith.mulf %mul3A_241, %add3A_236 : vector<16xf32>
      %select_n3A_243 = arith.select %gt3A_239, %add3A_236, %mul3A_242 : vector<16xi1>, vector<16xf32>
      %exp3A_244 = math.exp %select_n3A_243 : vector<16xf32>
      %swap3A_245 = arith.constant 80 : index
      %swap3A_246 = tpu.vector_load %arg16[%swap3A_245] {strides = array<i32>} : memref<128xf32, #tpu.memory_space<vmem>>, vector<16xf32>,
      %swap3A_247 = vector.shape_cast %swap3A_246 : vector<16xf32> to vector<16xf32>
      %swap3A_248 = vector.shape_cast %exp3A_244 : vector<16xf32> to vector<16xf32>
      tpu.vector_store %arg16[%swap3A_245], %swap3A_248 {strides = array<i32>} : memref<128xf32, #tpu.memory_space<vmem>>, vector<16xf32>,
      %get3A_249 = arith.constant 96 : index
      %get3A_250 = tpu.vector_load %arg17[%get3A_249] {strides = array<i32>} : memref<128xf32, #tpu.memory_space<vmem>>, vector<16xf32>,
      %get3A_251 = vector.shape_cast %get3A_250 : vector<16xf32> to vector<16xf32>
      %get3A_252 = arith.constant 96 : index
      %get3A_253 = tpu.vector_load %arg18[%get3A_252] {strides = array<i32>} : memref<128xf32, #tpu.memory_space<vmem>>, vector<16xf32>,
      %get3A_254 = vector.shape_cast %get3A_253 : vector<16xf32> to vector<16xf32>
      %add3A_255 = arith.addf %get3A_251, %get3A_254 : vector<16xf32>
      %get3A_256 = arith.index_cast %scan3A_83 : i32 to index
      %get3A_257 = arith.constant 96 : index
      %get3A_258 = tpu.vector_load %arg14[%get3A_256, %get3A_257] {strides = array<i32>} : memref<79x128xf32, #tpu.memory_space<vmem>>, vector<1x16xf32>,
      %get3A_259 = vector.shape_cast %get3A_258 : vector<1x16xf32> to vector<16xf32>
      %add3A_260 = arith.addf %add3A_255, %get3A_259 : vector<16xf32>
      %gt3A_261 = arith.constant 0.000000e+00 : f32
      %gt3A_262 = vector.broadcast %gt3A_261 : f32 to vector<16xf32>
      %gt3A_263 = arith.cmpf ogt, %add3A_260, %gt3A_262 : vector<16xf32>
      %mul3A_264 = arith.constant 2.000000e-01 : f32
      %mul3A_265 = vector.broadcast %mul3A_264 : f32 to vector<16xf32>
      %mul3A_266 = arith.mulf %mul3A_265, %add3A_260 : vector<16xf32>
      %select_n3A_267 = arith.select %gt3A_263, %add3A_260, %mul3A_266 : vector<16xi1>, vector<16xf32>
      %exp3A_268 = math.exp %select_n3A_267 : vector<16xf32>
      %swap3A_269 = arith.constant 96 : index
      %swap3A_270 = tpu.vector_load %arg16[%swap3A_269] {strides = array<i32>} : memref<128xf32, #tpu.memory_space<vmem>>, vector<16xf32>,
      %swap3A_271 = vector.shape_cast %swap3A_270 : vector<16xf32> to vector<16xf32>
      %swap3A_272 = vector.shape_cast %exp3A_268 : vector<16xf32> to vector<16xf32>
      tpu.vector_store %arg16[%swap3A_269], %swap3A_272 {strides = array<i32>} : memref<128xf32, #tpu.memory_space<vmem>>, vector<16xf32>,
      %get3A_273 = arith.constant 112 : index
      %get3A_274 = tpu.vector_load %arg17[%get3A_273] {strides = array<i32>} : memref<128xf32, #tpu.memory_space<vmem>>, vector<16xf32>,
      %get3A_275 = vector.shape_cast %get3A_274 : vector<16xf32> to vector<16xf32>
      %get3A_276 = arith.constant 112 : index
      %get3A_277 = tpu.vector_load %arg18[%get3A_276] {strides = array<i32>} : memref<128xf32, #tpu.memory_space<vmem>>, vector<16xf32>,
      %get3A_278 = vector.shape_cast %get3A_277 : vector<16xf32> to vector<16xf32>
      %add3A_279 = arith.addf %get3A_275, %get3A_278 : vector<16xf32>
      %get3A_280 = arith.index_cast %scan3A_83 : i32 to index
      %get3A_281 = arith.constant 112 : index
      %get3A_282 = tpu.vector_load %arg14[%get3A_280, %get3A_281] {strides = array<i32>} : memref<79x128xf32, #tpu.memory_space<vmem>>, vector<1x16xf32>,
      %get3A_283 = vector.shape_cast %get3A_282 : vector<1x16xf32> to vector<16xf32>
      %add3A_284 = arith.addf %add3A_279, %get3A_283 : vector<16xf32>
      %gt3A_285 = arith.constant 0.000000e+00 : f32
      %gt3A_286 = vector.broadcast %gt3A_285 : f32 to vector<16xf32>
      %gt3A_287 = arith.cmpf ogt, %add3A_284, %gt3A_286 : vector<16xf32>
      %mul3A_288 = arith.constant 2.000000e-01 : f32
      %mul3A_289 = vector.broadcast %mul3A_288 : f32 to vector<16xf32>
      %mul3A_290 = arith.mulf %mul3A_289, %add3A_284 : vector<16xf32>
      %select_n3A_291 = arith.select %gt3A_287, %add3A_284, %mul3A_290 : vector<16xi1>, vector<16xf32>
      %exp3A_292 = math.exp %select_n3A_291 : vector<16xf32>
      %swap3A_293 = arith.constant 112 : index
      %swap3A_294 = tpu.vector_load %arg16[%swap3A_293] {strides = array<i32>} : memref<128xf32, #tpu.memory_space<vmem>>, vector<16xf32>,
      %swap3A_295 = vector.shape_cast %swap3A_294 : vector<16xf32> to vector<16xf32>
      %swap3A_296 = vector.shape_cast %exp3A_292 : vector<16xf32> to vector<16xf32>
      tpu.vector_store %arg16[%swap3A_293], %swap3A_296 {strides = array<i32>} : memref<128xf32, #tpu.memory_space<vmem>>, vector<16xf32>,
      %dma_wait3A_297 = arith.constant 0 : i32
      %dma_wait3A_298 = tpu.memref_slice %arg12[%scan3A_83, %dma_wait3A_297] : memref<79x128xi32, #tpu.memory_space<vmem>> -> memref<1x128xi32, #tpu.memory_space<vmem>>
      %dma_wait3A_299 = tpu.memref_squeeze %dma_wait3A_298 : memref<1x128xi32, #tpu.memory_space<vmem>> -> memref<128xi32, #tpu.memory_space<vmem>>
      %dma_wait3A_300 = arith.constant 0 : i32
      %dma_wait3A_301 = arith.constant 0 : i32
      %dma_wait3A_302 = tpu.memref_slice %arg2[%dma_wait3A_300, %dma_wait3A_301] : memref<10000x128xf32, #tpu.memory_space<hbm>> -> memref<10000x128xf32, #tpu.memory_space<hbm>>
      tpu.wait_indirect_dma semaphore(%arg19 : memref<!tpu.dma_semaphore, #tpu.memory_space<semaphore_mem>>) src(%dma_wait3A_302 : memref<10000x128xf32, #tpu.memory_space<hbm>>) dst(%arg15 : memref<128x128xf32, #tpu.memory_space<vmem>>)
      %scan3A_303 = arith.constant 0 : i32
      %scan3A_304 = arith.constant 0 : i32
      %scan3A_305 = arith.constant 8 : i32
      %scan3A_306 = arith.addi %scan3A_304, %scan3A_305 : i32
      %scan3A_307 = arith.constant 1 : i32
      %scan3A_308 = scf.for %scan3A_311 = %scan3A_304 to %scan3A_306 step %scan3A_307 iter_args(%scan3A_312 = %scan3A_303) -> (i32)  : i32 {
        %mul3A_313 = arith.constant 16 : i32
        %mul3A_314 = arith.muli %scan3A_311, %mul3A_313 : i32
        %get3A_315 = arith.index_cast %mul3A_314 : i32 to index
        %get3A_316 = tpu.vector_load %arg16[%get3A_315] {strides = array<i32>} : memref<128xf32, #tpu.memory_space<vmem>>, vector<16xf32>,
        %get3A_317 = vector.shape_cast %get3A_316 : vector<16xf32> to vector<16xf32>
        %slice3A = vector.extract_strided_slice %get3A_317 {offsets = [0], sizes = [1], strides = [1]} : vector<16xf32> to vector<1xf32>
        %squeeze3A = vector.extract %slice3A[0] : f32 from vector<1xf32>
        %mul3A_318 = arith.constant 16 : i32
        %mul3A_319 = arith.muli %scan3A_311, %mul3A_318 : i32
        %add3A_320 = arith.constant 0 : i32
        %add3A_321 = arith.addi %mul3A_319, %add3A_320 : i32
        %get3A_322 = arith.index_cast %add3A_321 : i32 to index
        %get3A_323 = arith.constant 0 : index
        %get3A_324 = tpu.vector_load %arg15[%get3A_322, %get3A_323] {strides = array<i32>} : memref<128x128xf32, #tpu.memory_space<vmem>>, vector<1x16xf32>,
        %get3A_325 = vector.shape_cast %get3A_324 : vector<1x16xf32> to vector<16xf32>
        %mul3A_326 = vector.broadcast %squeeze3A : f32 to vector<16xf32>
        %mul3A_327 = arith.mulf %get3A_325, %mul3A_326 : vector<16xf32>
        %swap3A_328 = arith.index_cast %add3A_321 : i32 to index
        %swap3A_329 = arith.constant 0 : index
        %swap3A_330 = tpu.vector_load %arg15[%swap3A_328, %swap3A_329] {strides = array<i32>} : memref<128x128xf32, #tpu.memory_space<vmem>>, vector<1x16xf32>,
        %swap3A_331 = vector.shape_cast %swap3A_330 : vector<1x16xf32> to vector<16xf32>
        %swap3A_332 = vector.shape_cast %mul3A_327 : vector<16xf32> to vector<1x16xf32>
        tpu.vector_store %arg15[%swap3A_328, %swap3A_329], %swap3A_332 {strides = array<i32>} : memref<128x128xf32, #tpu.memory_space<vmem>>, vector<1x16xf32>,
        %get3A_333 = arith.index_cast %add3A_321 : i32 to index
        %get3A_334 = arith.constant 16 : index
        %get3A_335 = tpu.vector_load %arg15[%get3A_333, %get3A_334] {strides = array<i32>} : memref<128x128xf32, #tpu.memory_space<vmem>>, vector<1x16xf32>,
        %get3A_336 = vector.shape_cast %get3A_335 : vector<1x16xf32> to vector<16xf32>
        %mul3A_337 = vector.broadcast %squeeze3A : f32 to vector<16xf32>
        %mul3A_338 = arith.mulf %get3A_336, %mul3A_337 : vector<16xf32>
        %swap3A_339 = arith.index_cast %add3A_321 : i32 to index
        %swap3A_340 = arith.constant 16 : index
        %swap3A_341 = tpu.vector_load %arg15[%swap3A_339, %swap3A_340] {strides = array<i32>} : memref<128x128xf32, #tpu.memory_space<vmem>>, vector<1x16xf32>,
        %swap3A_342 = vector.shape_cast %swap3A_341 : vector<1x16xf32> to vector<16xf32>
        %swap3A_343 = vector.shape_cast %mul3A_338 : vector<16xf32> to vector<1x16xf32>
        tpu.vector_store %arg15[%swap3A_339, %swap3A_340], %swap3A_343 {strides = array<i32>} : memref<128x128xf32, #tpu.memory_space<vmem>>, vector<1x16xf32>,
        %get3A_344 = arith.index_cast %add3A_321 : i32 to index
        %get3A_345 = arith.constant 32 : index
        %get3A_346 = tpu.vector_load %arg15[%get3A_344, %get3A_345] {strides = array<i32>} : memref<128x128xf32, #tpu.memory_space<vmem>>, vector<1x16xf32>,
        %get3A_347 = vector.shape_cast %get3A_346 : vector<1x16xf32> to vector<16xf32>
        %mul3A_348 = vector.broadcast %squeeze3A : f32 to vector<16xf32>
        %mul3A_349 = arith.mulf %get3A_347, %mul3A_348 : vector<16xf32>
        %swap3A_350 = arith.index_cast %add3A_321 : i32 to index
        %swap3A_351 = arith.constant 32 : index
        %swap3A_352 = tpu.vector_load %arg15[%swap3A_350, %swap3A_351] {strides = array<i32>} : memref<128x128xf32, #tpu.memory_space<vmem>>, vector<1x16xf32>,
        %swap3A_353 = vector.shape_cast %swap3A_352 : vector<1x16xf32> to vector<16xf32>
        %swap3A_354 = vector.shape_cast %mul3A_349 : vector<16xf32> to vector<1x16xf32>
        tpu.vector_store %arg15[%swap3A_350, %swap3A_351], %swap3A_354 {strides = array<i32>} : memref<128x128xf32, #tpu.memory_space<vmem>>, vector<1x16xf32>,
        %get3A_355 = arith.index_cast %add3A_321 : i32 to index
        %get3A_356 = arith.constant 48 : index
        %get3A_357 = tpu.vector_load %arg15[%get3A_355, %get3A_356] {strides = array<i32>} : memref<128x128xf32, #tpu.memory_space<vmem>>, vector<1x16xf32>,
        %get3A_358 = vector.shape_cast %get3A_357 : vector<1x16xf32> to vector<16xf32>
        %mul3A_359 = vector.broadcast %squeeze3A : f32 to vector<16xf32>
        %mul3A_360 = arith.mulf %get3A_358, %mul3A_359 : vector<16xf32>
        %swap3A_361 = arith.index_cast %add3A_321 : i32 to index
        %swap3A_362 = arith.constant 48 : index
        %swap3A_363 = tpu.vector_load %arg15[%swap3A_361, %swap3A_362] {strides = array<i32>} : memref<128x128xf32, #tpu.memory_space<vmem>>, vector<1x16xf32>,
        %swap3A_364 = vector.shape_cast %swap3A_363 : vector<1x16xf32> to vector<16xf32>
        %swap3A_365 = vector.shape_cast %mul3A_360 : vector<16xf32> to vector<1x16xf32>
        tpu.vector_store %arg15[%swap3A_361, %swap3A_362], %swap3A_365 {strides = array<i32>} : memref<128x128xf32, #tpu.memory_space<vmem>>, vector<1x16xf32>,
        %get3A_366 = arith.index_cast %add3A_321 : i32 to index
        %get3A_367 = arith.constant 64 : index
        %get3A_368 = tpu.vector_load %arg15[%get3A_366, %get3A_367] {strides = array<i32>} : memref<128x128xf32, #tpu.memory_space<vmem>>, vector<1x16xf32>,
        %get3A_369 = vector.shape_cast %get3A_368 : vector<1x16xf32> to vector<16xf32>
        %mul3A_370 = vector.broadcast %squeeze3A : f32 to vector<16xf32>
        %mul3A_371 = arith.mulf %get3A_369, %mul3A_370 : vector<16xf32>
        %swap3A_372 = arith.index_cast %add3A_321 : i32 to index
        %swap3A_373 = arith.constant 64 : index
        %swap3A_374 = tpu.vector_load %arg15[%swap3A_372, %swap3A_373] {strides = array<i32>} : memref<128x128xf32, #tpu.memory_space<vmem>>, vector<1x16xf32>,
        %swap3A_375 = vector.shape_cast %swap3A_374 : vector<1x16xf32> to vector<16xf32>
        %swap3A_376 = vector.shape_cast %mul3A_371 : vector<16xf32> to vector<1x16xf32>
        tpu.vector_store %arg15[%swap3A_372, %swap3A_373], %swap3A_376 {strides = array<i32>} : memref<128x128xf32, #tpu.memory_space<vmem>>, vector<1x16xf32>,
        %get3A_377 = arith.index_cast %add3A_321 : i32 to index
        %get3A_378 = arith.constant 80 : index
        %get3A_379 = tpu.vector_load %arg15[%get3A_377, %get3A_378] {strides = array<i32>} : memref<128x128xf32, #tpu.memory_space<vmem>>, vector<1x16xf32>,
        %get3A_380 = vector.shape_cast %get3A_379 : vector<1x16xf32> to vector<16xf32>
        %mul3A_381 = vector.broadcast %squeeze3A : f32 to vector<16xf32>
        %mul3A_382 = arith.mulf %get3A_380, %mul3A_381 : vector<16xf32>
        %swap3A_383 = arith.index_cast %add3A_321 : i32 to index
        %swap3A_384 = arith.constant 80 : index
        %swap3A_385 = tpu.vector_load %arg15[%swap3A_383, %swap3A_384] {strides = array<i32>} : memref<128x128xf32, #tpu.memory_space<vmem>>, vector<1x16xf32>,
        %swap3A_386 = vector.shape_cast %swap3A_385 : vector<1x16xf32> to vector<16xf32>
        %swap3A_387 = vector.shape_cast %mul3A_382 : vector<16xf32> to vector<1x16xf32>
        tpu.vector_store %arg15[%swap3A_383, %swap3A_384], %swap3A_387 {strides = array<i32>} : memref<128x128xf32, #tpu.memory_space<vmem>>, vector<1x16xf32>,
        %get3A_388 = arith.index_cast %add3A_321 : i32 to index
        %get3A_389 = arith.constant 96 : index
        %get3A_390 = tpu.vector_load %arg15[%get3A_388, %get3A_389] {strides = array<i32>} : memref<128x128xf32, #tpu.memory_space<vmem>>, vector<1x16xf32>,
        %get3A_391 = vector.shape_cast %get3A_390 : vector<1x16xf32> to vector<16xf32>
        %mul3A_392 = vector.broadcast %squeeze3A : f32 to vector<16xf32>
        %mul3A_393 = arith.mulf %get3A_391, %mul3A_392 : vector<16xf32>
        %swap3A_394 = arith.index_cast %add3A_321 : i32 to index
        %swap3A_395 = arith.constant 96 : index
        %swap3A_396 = tpu.vector_load %arg15[%swap3A_394, %swap3A_395] {strides = array<i32>} : memref<128x128xf32, #tpu.memory_space<vmem>>, vector<1x16xf32>,
        %swap3A_397 = vector.shape_cast %swap3A_396 : vector<1x16xf32> to vector<16xf32>
        %swap3A_398 = vector.shape_cast %mul3A_393 : vector<16xf32> to vector<1x16xf32>
        tpu.vector_store %arg15[%swap3A_394, %swap3A_395], %swap3A_398 {strides = array<i32>} : memref<128x128xf32, #tpu.memory_space<vmem>>, vector<1x16xf32>,
        %get3A_399 = arith.index_cast %add3A_321 : i32 to index
        %get3A_400 = arith.constant 112 : index
        %get3A_401 = tpu.vector_load %arg15[%get3A_399, %get3A_400] {strides = array<i32>} : memref<128x128xf32, #tpu.memory_space<vmem>>, vector<1x16xf32>,
        %get3A_402 = vector.shape_cast %get3A_401 : vector<1x16xf32> to vector<16xf32>
        %mul3A_403 = vector.broadcast %squeeze3A : f32 to vector<16xf32>
        %mul3A_404 = arith.mulf %get3A_402, %mul3A_403 : vector<16xf32>
        %swap3A_405 = arith.index_cast %add3A_321 : i32 to index
        %swap3A_406 = arith.constant 112 : index
        %swap3A_407 = tpu.vector_load %arg15[%swap3A_405, %swap3A_406] {strides = array<i32>} : memref<128x128xf32, #tpu.memory_space<vmem>>, vector<1x16xf32>,
        %swap3A_408 = vector.shape_cast %swap3A_407 : vector<1x16xf32> to vector<16xf32>
        %swap3A_409 = vector.shape_cast %mul3A_404 : vector<16xf32> to vector<1x16xf32>
        tpu.vector_store %arg15[%swap3A_405, %swap3A_406], %swap3A_409 {strides = array<i32>} : memref<128x128xf32, #tpu.memory_space<vmem>>, vector<1x16xf32>,
        %slice3A_410 = vector.extract_strided_slice %get3A_317 {offsets = [1], sizes = [1], strides = [1]} : vector<16xf32> to vector<1xf32>
        %squeeze3A_411 = vector.extract %slice3A_410[0] : f32 from vector<1xf32>
        %mul3A_412 = arith.constant 16 : i32
        %mul3A_413 = arith.muli %scan3A_311, %mul3A_412 : i32
        %add3A_414 = arith.constant 1 : i32
        %add3A_415 = arith.addi %mul3A_413, %add3A_414 : i32
        %get3A_416 = arith.index_cast %add3A_415 : i32 to index
        %get3A_417 = arith.constant 0 : index
        %get3A_418 = tpu.vector_load %arg15[%get3A_416, %get3A_417] {strides = array<i32>} : memref<128x128xf32, #tpu.memory_space<vmem>>, vector<1x16xf32>,
        %get3A_419 = vector.shape_cast %get3A_418 : vector<1x16xf32> to vector<16xf32>
        %mul3A_420 = vector.broadcast %squeeze3A_411 : f32 to vector<16xf32>
        %mul3A_421 = arith.mulf %get3A_419, %mul3A_420 : vector<16xf32>
        %swap3A_422 = arith.index_cast %add3A_415 : i32 to index
        %swap3A_423 = arith.constant 0 : index
        %swap3A_424 = tpu.vector_load %arg15[%swap3A_422, %swap3A_423] {strides = array<i32>} : memref<128x128xf32, #tpu.memory_space<vmem>>, vector<1x16xf32>,
        %swap3A_425 = vector.shape_cast %swap3A_424 : vector<1x16xf32> to vector<16xf32>
        %swap3A_426 = vector.shape_cast %mul3A_421 : vector<16xf32> to vector<1x16xf32>
        tpu.vector_store %arg15[%swap3A_422, %swap3A_423], %swap3A_426 {strides = array<i32>} : memref<128x128xf32, #tpu.memory_space<vmem>>, vector<1x16xf32>,
        %get3A_427 = arith.index_cast %add3A_415 : i32 to index
        %get3A_428 = arith.constant 16 : index
        %get3A_429 = tpu.vector_load %arg15[%get3A_427, %get3A_428] {strides = array<i32>} : memref<128x128xf32, #tpu.memory_space<vmem>>, vector<1x16xf32>,
        %get3A_430 = vector.shape_cast %get3A_429 : vector<1x16xf32> to vector<16xf32>
        %mul3A_431 = vector.broadcast %squeeze3A_411 : f32 to vector<16xf32>
        %mul3A_432 = arith.mulf %get3A_430, %mul3A_431 : vector<16xf32>
        %swap3A_433 = arith.index_cast %add3A_415 : i32 to index
        %swap3A_434 = arith.constant 16 : index
        %swap3A_435 = tpu.vector_load %arg15[%swap3A_433, %swap3A_434] {strides = array<i32>} : memref<128x128xf32, #tpu.memory_space<vmem>>, vector<1x16xf32>,
        %swap3A_436 = vector.shape_cast %swap3A_435 : vector<1x16xf32> to vector<16xf32>
        %swap3A_437 = vector.shape_cast %mul3A_432 : vector<16xf32> to vector<1x16xf32>
        tpu.vector_store %arg15[%swap3A_433, %swap3A_434], %swap3A_437 {strides = array<i32>} : memref<128x128xf32, #tpu.memory_space<vmem>>, vector<1x16xf32>,
        %get3A_438 = arith.index_cast %add3A_415 : i32 to index
        %get3A_439 = arith.constant 32 : index
        %get3A_440 = tpu.vector_load %arg15[%get3A_438, %get3A_439] {strides = array<i32>} : memref<128x128xf32, #tpu.memory_space<vmem>>, vector<1x16xf32>,
        %get3A_441 = vector.shape_cast %get3A_440 : vector<1x16xf32> to vector<16xf32>
        %mul3A_442 = vector.broadcast %squeeze3A_411 : f32 to vector<16xf32>
        %mul3A_443 = arith.mulf %get3A_441, %mul3A_442 : vector<16xf32>
        %swap3A_444 = arith.index_cast %add3A_415 : i32 to index
        %swap3A_445 = arith.constant 32 : index
        %swap3A_446 = tpu.vector_load %arg15[%swap3A_444, %swap3A_445] {strides = array<i32>} : memref<128x128xf32, #tpu.memory_space<vmem>>, vector<1x16xf32>,
        %swap3A_447 = vector.shape_cast %swap3A_446 : vector<1x16xf32> to vector<16xf32>
        %swap3A_448 = vector.shape_cast %mul3A_443 : vector<16xf32> to vector<1x16xf32>
        tpu.vector_store %arg15[%swap3A_444, %swap3A_445], %swap3A_448 {strides = array<i32>} : memref<128x128xf32, #tpu.memory_space<vmem>>, vector<1x16xf32>,
        %get3A_449 = arith.index_cast %add3A_415 : i32 to index
        %get3A_450 = arith.constant 48 : index
        %get3A_451 = tpu.vector_load %arg15[%get3A_449, %get3A_450] {strides = array<i32>} : memref<128x128xf32, #tpu.memory_space<vmem>>, vector<1x16xf32>,
        %get3A_452 = vector.shape_cast %get3A_451 : vector<1x16xf32> to vector<16xf32>
        %mul3A_453 = vector.broadcast %squeeze3A_411 : f32 to vector<16xf32>
        %mul3A_454 = arith.mulf %get3A_452, %mul3A_453 : vector<16xf32>
        %swap3A_455 = arith.index_cast %add3A_415 : i32 to index
        %swap3A_456 = arith.constant 48 : index
        %swap3A_457 = tpu.vector_load %arg15[%swap3A_455, %swap3A_456] {strides = array<i32>} : memref<128x128xf32, #tpu.memory_space<vmem>>, vector<1x16xf32>,
        %swap3A_458 = vector.shape_cast %swap3A_457 : vector<1x16xf32> to vector<16xf32>
        %swap3A_459 = vector.shape_cast %mul3A_454 : vector<16xf32> to vector<1x16xf32>
        tpu.vector_store %arg15[%swap3A_455, %swap3A_456], %swap3A_459 {strides = array<i32>} : memref<128x128xf32, #tpu.memory_space<vmem>>, vector<1x16xf32>,
        %get3A_460 = arith.index_cast %add3A_415 : i32 to index
        %get3A_461 = arith.constant 64 : index
        %get3A_462 = tpu.vector_load %arg15[%get3A_460, %get3A_461] {strides = array<i32>} : memref<128x128xf32, #tpu.memory_space<vmem>>, vector<1x16xf32>,
        %get3A_463 = vector.shape_cast %get3A_462 : vector<1x16xf32> to vector<16xf32>
        %mul3A_464 = vector.broadcast %squeeze3A_411 : f32 to vector<16xf32>
        %mul3A_465 = arith.mulf %get3A_463, %mul3A_464 : vector<16xf32>
        %swap3A_466 = arith.index_cast %add3A_415 : i32 to index
        %swap3A_467 = arith.constant 64 : index
        %swap3A_468 = tpu.vector_load %arg15[%swap3A_466, %swap3A_467] {strides = array<i32>} : memref<128x128xf32, #tpu.memory_space<vmem>>, vector<1x16xf32>,
        %swap3A_469 = vector.shape_cast %swap3A_468 : vector<1x16xf32> to vector<16xf32>
        %swap3A_470 = vector.shape_cast %mul3A_465 : vector<16xf32> to vector<1x16xf32>
        tpu.vector_store %arg15[%swap3A_466, %swap3A_467], %swap3A_470 {strides = array<i32>} : memref<128x128xf32, #tpu.memory_space<vmem>>, vector<1x16xf32>,
        %get3A_471 = arith.index_cast %add3A_415 : i32 to index
        %get3A_472 = arith.constant 80 : index
        %get3A_473 = tpu.vector_load %arg15[%get3A_471, %get3A_472] {strides = array<i32>} : memref<128x128xf32, #tpu.memory_space<vmem>>, vector<1x16xf32>,
        %get3A_474 = vector.shape_cast %get3A_473 : vector<1x16xf32> to vector<16xf32>
        %mul3A_475 = vector.broadcast %squeeze3A_411 : f32 to vector<16xf32>
        %mul3A_476 = arith.mulf %get3A_474, %mul3A_475 : vector<16xf32>
        %swap3A_477 = arith.index_cast %add3A_415 : i32 to index
        %swap3A_478 = arith.constant 80 : index
        %swap3A_479 = tpu.vector_load %arg15[%swap3A_477, %swap3A_478] {strides = array<i32>} : memref<128x128xf32, #tpu.memory_space<vmem>>, vector<1x16xf32>,
        %swap3A_480 = vector.shape_cast %swap3A_479 : vector<1x16xf32> to vector<16xf32>
        %swap3A_481 = vector.shape_cast %mul3A_476 : vector<16xf32> to vector<1x16xf32>
        tpu.vector_store %arg15[%swap3A_477, %swap3A_478], %swap3A_481 {strides = array<i32>} : memref<128x128xf32, #tpu.memory_space<vmem>>, vector<1x16xf32>,
        %get3A_482 = arith.index_cast %add3A_415 : i32 to index
        %get3A_483 = arith.constant 96 : index
        %get3A_484 = tpu.vector_load %arg15[%get3A_482, %get3A_483] {strides = array<i32>} : memref<128x128xf32, #tpu.memory_space<vmem>>, vector<1x16xf32>,
        %get3A_485 = vector.shape_cast %get3A_484 : vector<1x16xf32> to vector<16xf32>
        %mul3A_486 = vector.broadcast %squeeze3A_411 : f32 to vector<16xf32>
        %mul3A_487 = arith.mulf %get3A_485, %mul3A_486 : vector<16xf32>
        %swap3A_488 = arith.index_cast %add3A_415 : i32 to index
        %swap3A_489 = arith.constant 96 : index
        %swap3A_490 = tpu.vector_load %arg15[%swap3A_488, %swap3A_489] {strides = array<i32>} : memref<128x128xf32, #tpu.memory_space<vmem>>, vector<1x16xf32>,
        %swap3A_491 = vector.shape_cast %swap3A_490 : vector<1x16xf32> to vector<16xf32>
        %swap3A_492 = vector.shape_cast %mul3A_487 : vector<16xf32> to vector<1x16xf32>
        tpu.vector_store %arg15[%swap3A_488, %swap3A_489], %swap3A_492 {strides = array<i32>} : memref<128x128xf32, #tpu.memory_space<vmem>>, vector<1x16xf32>,
        %get3A_493 = arith.index_cast %add3A_415 : i32 to index
        %get3A_494 = arith.constant 112 : index
        %get3A_495 = tpu.vector_load %arg15[%get3A_493, %get3A_494] {strides = array<i32>} : memref<128x128xf32, #tpu.memory_space<vmem>>, vector<1x16xf32>,
        %get3A_496 = vector.shape_cast %get3A_495 : vector<1x16xf32> to vector<16xf32>
        %mul3A_497 = vector.broadcast %squeeze3A_411 : f32 to vector<16xf32>
        %mul3A_498 = arith.mulf %get3A_496, %mul3A_497 : vector<16xf32>
        %swap3A_499 = arith.index_cast %add3A_415 : i32 to index
        %swap3A_500 = arith.constant 112 : index
        %swap3A_501 = tpu.vector_load %arg15[%swap3A_499, %swap3A_500] {strides = array<i32>} : memref<128x128xf32, #tpu.memory_space<vmem>>, vector<1x16xf32>,
        %swap3A_502 = vector.shape_cast %swap3A_501 : vector<1x16xf32> to vector<16xf32>
        %swap3A_503 = vector.shape_cast %mul3A_498 : vector<16xf32> to vector<1x16xf32>
        tpu.vector_store %arg15[%swap3A_499, %swap3A_500], %swap3A_503 {strides = array<i32>} : memref<128x128xf32, #tpu.memory_space<vmem>>, vector<1x16xf32>,
        %slice3A_504 = vector.extract_strided_slice %get3A_317 {offsets = [2], sizes = [1], strides = [1]} : vector<16xf32> to vector<1xf32>
        %squeeze3A_505 = vector.extract %slice3A_504[0] : f32 from vector<1xf32>
        %mul3A_506 = arith.constant 16 : i32
        %mul3A_507 = arith.muli %scan3A_311, %mul3A_506 : i32
        %add3A_508 = arith.constant 2 : i32
        %add3A_509 = arith.addi %mul3A_507, %add3A_508 : i32
        %get3A_510 = arith.index_cast %add3A_509 : i32 to index
        %get3A_511 = arith.constant 0 : index
        %get3A_512 = tpu.vector_load %arg15[%get3A_510, %get3A_511] {strides = array<i32>} : memref<128x128xf32, #tpu.memory_space<vmem>>, vector<1x16xf32>,
        %get3A_513 = vector.shape_cast %get3A_512 : vector<1x16xf32> to vector<16xf32>
        %mul3A_514 = vector.broadcast %squeeze3A_505 : f32 to vector<16xf32>
        %mul3A_515 = arith.mulf %get3A_513, %mul3A_514 : vector<16xf32>
        %swap3A_516 = arith.index_cast %add3A_509 : i32 to index
        %swap3A_517 = arith.constant 0 : index
        %swap3A_518 = tpu.vector_load %arg15[%swap3A_516, %swap3A_517] {strides = array<i32>} : memref<128x128xf32, #tpu.memory_space<vmem>>, vector<1x16xf32>,
        %swap3A_519 = vector.shape_cast %swap3A_518 : vector<1x16xf32> to vector<16xf32>
        %swap3A_520 = vector.shape_cast %mul3A_515 : vector<16xf32> to vector<1x16xf32>
        tpu.vector_store %arg15[%swap3A_516, %swap3A_517], %swap3A_520 {strides = array<i32>} : memref<128x128xf32, #tpu.memory_space<vmem>>, vector<1x16xf32>,
        %get3A_521 = arith.index_cast %add3A_509 : i32 to index
        %get3A_522 = arith.constant 16 : index
        %get3A_523 = tpu.vector_load %arg15[%get3A_521, %get3A_522] {strides = array<i32>} : memref<128x128xf32, #tpu.memory_space<vmem>>, vector<1x16xf32>,
        %get3A_524 = vector.shape_cast %get3A_523 : vector<1x16xf32> to vector<16xf32>
        %mul3A_525 = vector.broadcast %squeeze3A_505 : f32 to vector<16xf32>
        %mul3A_526 = arith.mulf %get3A_524, %mul3A_525 : vector<16xf32>
        %swap3A_527 = arith.index_cast %add3A_509 : i32 to index
        %swap3A_528 = arith.constant 16 : index
        %swap3A_529 = tpu.vector_load %arg15[%swap3A_527, %swap3A_528] {strides = array<i32>} : memref<128x128xf32, #tpu.memory_space<vmem>>, vector<1x16xf32>,
        %swap3A_530 = vector.shape_cast %swap3A_529 : vector<1x16xf32> to vector<16xf32>
        %swap3A_531 = vector.shape_cast %mul3A_526 : vector<16xf32> to vector<1x16xf32>
        tpu.vector_store %arg15[%swap3A_527, %swap3A_528], %swap3A_531 {strides = array<i32>} : memref<128x128xf32, #tpu.memory_space<vmem>>, vector<1x16xf32>,
        %get3A_532 = arith.index_cast %add3A_509 : i32 to index
        %get3A_533 = arith.constant 32 : index
        %get3A_534 = tpu.vector_load %arg15[%get3A_532, %get3A_533] {strides = array<i32>} : memref<128x128xf32, #tpu.memory_space<vmem>>, vector<1x16xf32>,
        %get3A_535 = vector.shape_cast %get3A_534 : vector<1x16xf32> to vector<16xf32>
        %mul3A_536 = vector.broadcast %squeeze3A_505 : f32 to vector<16xf32>
        %mul3A_537 = arith.mulf %get3A_535, %mul3A_536 : vector<16xf32>
        %swap3A_538 = arith.index_cast %add3A_509 : i32 to index
        %swap3A_539 = arith.constant 32 : index
        %swap3A_540 = tpu.vector_load %arg15[%swap3A_538, %swap3A_539] {strides = array<i32>} : memref<128x128xf32, #tpu.memory_space<vmem>>, vector<1x16xf32>,
        %swap3A_541 = vector.shape_cast %swap3A_540 : vector<1x16xf32> to vector<16xf32>
        %swap3A_542 = vector.shape_cast %mul3A_537 : vector<16xf32> to vector<1x16xf32>
        tpu.vector_store %arg15[%swap3A_538, %swap3A_539], %swap3A_542 {strides = array<i32>} : memref<128x128xf32, #tpu.memory_space<vmem>>, vector<1x16xf32>,
        %get3A_543 = arith.index_cast %add3A_509 : i32 to index
        %get3A_544 = arith.constant 48 : index
        %get3A_545 = tpu.vector_load %arg15[%get3A_543, %get3A_544] {strides = array<i32>} : memref<128x128xf32, #tpu.memory_space<vmem>>, vector<1x16xf32>,
        %get3A_546 = vector.shape_cast %get3A_545 : vector<1x16xf32> to vector<16xf32>
        %mul3A_547 = vector.broadcast %squeeze3A_505 : f32 to vector<16xf32>
        %mul3A_548 = arith.mulf %get3A_546, %mul3A_547 : vector<16xf32>
        %swap3A_549 = arith.index_cast %add3A_509 : i32 to index
        %swap3A_550 = arith.constant 48 : index
        %swap3A_551 = tpu.vector_load %arg15[%swap3A_549, %swap3A_550] {strides = array<i32>} : memref<128x128xf32, #tpu.memory_space<vmem>>, vector<1x16xf32>,
        %swap3A_552 = vector.shape_cast %swap3A_551 : vector<1x16xf32> to vector<16xf32>
        %swap3A_553 = vector.shape_cast %mul3A_548 : vector<16xf32> to vector<1x16xf32>
        tpu.vector_store %arg15[%swap3A_549, %swap3A_550], %swap3A_553 {strides = array<i32>} : memref<128x128xf32, #tpu.memory_space<vmem>>, vector<1x16xf32>,
        %get3A_554 = arith.index_cast %add3A_509 : i32 to index
        %get3A_555 = arith.constant 64 : index
        %get3A_556 = tpu.vector_load %arg15[%get3A_554, %get3A_555] {strides = array<i32>} : memref<128x128xf32, #tpu.memory_space<vmem>>, vector<1x16xf32>,
        %get3A_557 = vector.shape_cast %get3A_556 : vector<1x16xf32> to vector<16xf32>
        %mul3A_558 = vector.broadcast %squeeze3A_505 : f32 to vector<16xf32>
        %mul3A_559 = arith.mulf %get3A_557, %mul3A_558 : vector<16xf32>
        %swap3A_560 = arith.index_cast %add3A_509 : i32 to index
        %swap3A_561 = arith.constant 64 : index
        %swap3A_562 = tpu.vector_load %arg15[%swap3A_560, %swap3A_561] {strides = array<i32>} : memref<128x128xf32, #tpu.memory_space<vmem>>, vector<1x16xf32>,
        %swap3A_563 = vector.shape_cast %swap3A_562 : vector<1x16xf32> to vector<16xf32>
        %swap3A_564 = vector.shape_cast %mul3A_559 : vector<16xf32> to vector<1x16xf32>
        tpu.vector_store %arg15[%swap3A_560, %swap3A_561], %swap3A_564 {strides = array<i32>} : memref<128x128xf32, #tpu.memory_space<vmem>>, vector<1x16xf32>,
        %get3A_565 = arith.index_cast %add3A_509 : i32 to index
        %get3A_566 = arith.constant 80 : index
        %get3A_567 = tpu.vector_load %arg15[%get3A_565, %get3A_566] {strides = array<i32>} : memref<128x128xf32, #tpu.memory_space<vmem>>, vector<1x16xf32>,
        %get3A_568 = vector.shape_cast %get3A_567 : vector<1x16xf32> to vector<16xf32>
        %mul3A_569 = vector.broadcast %squeeze3A_505 : f32 to vector<16xf32>
        %mul3A_570 = arith.mulf %get3A_568, %mul3A_569 : vector<16xf32>
        %swap3A_571 = arith.index_cast %add3A_509 : i32 to index
        %swap3A_572 = arith.constant 80 : index
        %swap3A_573 = tpu.vector_load %arg15[%swap3A_571, %swap3A_572] {strides = array<i32>} : memref<128x128xf32, #tpu.memory_space<vmem>>, vector<1x16xf32>,
        %swap3A_574 = vector.shape_cast %swap3A_573 : vector<1x16xf32> to vector<16xf32>
        %swap3A_575 = vector.shape_cast %mul3A_570 : vector<16xf32> to vector<1x16xf32>
        tpu.vector_store %arg15[%swap3A_571, %swap3A_572], %swap3A_575 {strides = array<i32>} : memref<128x128xf32, #tpu.memory_space<vmem>>, vector<1x16xf32>,
        %get3A_576 = arith.index_cast %add3A_509 : i32 to index
        %get3A_577 = arith.constant 96 : index
        %get3A_578 = tpu.vector_load %arg15[%get3A_576, %get3A_577] {strides = array<i32>} : memref<128x128xf32, #tpu.memory_space<vmem>>, vector<1x16xf32>,
        %get3A_579 = vector.shape_cast %get3A_578 : vector<1x16xf32> to vector<16xf32>
        %mul3A_580 = vector.broadcast %squeeze3A_505 : f32 to vector<16xf32>
        %mul3A_581 = arith.mulf %get3A_579, %mul3A_580 : vector<16xf32>
        %swap3A_582 = arith.index_cast %add3A_509 : i32 to index
        %swap3A_583 = arith.constant 96 : index
        %swap3A_584 = tpu.vector_load %arg15[%swap3A_582, %swap3A_583] {strides = array<i32>} : memref<128x128xf32, #tpu.memory_space<vmem>>, vector<1x16xf32>,
        %swap3A_585 = vector.shape_cast %swap3A_584 : vector<1x16xf32> to vector<16xf32>
        %swap3A_586 = vector.shape_cast %mul3A_581 : vector<16xf32> to vector<1x16xf32>
        tpu.vector_store %arg15[%swap3A_582, %swap3A_583], %swap3A_586 {strides = array<i32>} : memref<128x128xf32, #tpu.memory_space<vmem>>, vector<1x16xf32>,
        %get3A_587 = arith.index_cast %add3A_509 : i32 to index
        %get3A_588 = arith.constant 112 : index
        %get3A_589 = tpu.vector_load %arg15[%get3A_587, %get3A_588] {strides = array<i32>} : memref<128x128xf32, #tpu.memory_space<vmem>>, vector<1x16xf32>,
        %get3A_590 = vector.shape_cast %get3A_589 : vector<1x16xf32> to vector<16xf32>
        %mul3A_591 = vector.broadcast %squeeze3A_505 : f32 to vector<16xf32>
        %mul3A_592 = arith.mulf %get3A_590, %mul3A_591 : vector<16xf32>
        %swap3A_593 = arith.index_cast %add3A_509 : i32 to index
        %swap3A_594 = arith.constant 112 : index
        %swap3A_595 = tpu.vector_load %arg15[%swap3A_593, %swap3A_594] {strides = array<i32>} : memref<128x128xf32, #tpu.memory_space<vmem>>, vector<1x16xf32>,
        %swap3A_596 = vector.shape_cast %swap3A_595 : vector<1x16xf32> to vector<16xf32>
        %swap3A_597 = vector.shape_cast %mul3A_592 : vector<16xf32> to vector<1x16xf32>
        tpu.vector_store %arg15[%swap3A_593, %swap3A_594], %swap3A_597 {strides = array<i32>} : memref<128x128xf32, #tpu.memory_space<vmem>>, vector<1x16xf32>,
        %slice3A_598 = vector.extract_strided_slice %get3A_317 {offsets = [3], sizes = [1], strides = [1]} : vector<16xf32> to vector<1xf32>
        %squeeze3A_599 = vector.extract %slice3A_598[0] : f32 from vector<1xf32>
        %mul3A_600 = arith.constant 16 : i32
        %mul3A_601 = arith.muli %scan3A_311, %mul3A_600 : i32
        %add3A_602 = arith.constant 3 : i32
        %add3A_603 = arith.addi %mul3A_601, %add3A_602 : i32
        %get3A_604 = arith.index_cast %add3A_603 : i32 to index
        %get3A_605 = arith.constant 0 : index
        %get3A_606 = tpu.vector_load %arg15[%get3A_604, %get3A_605] {strides = array<i32>} : memref<128x128xf32, #tpu.memory_space<vmem>>, vector<1x16xf32>,
        %get3A_607 = vector.shape_cast %get3A_606 : vector<1x16xf32> to vector<16xf32>
        %mul3A_608 = vector.broadcast %squeeze3A_599 : f32 to vector<16xf32>
        %mul3A_609 = arith.mulf %get3A_607, %mul3A_608 : vector<16xf32>
        %swap3A_610 = arith.index_cast %add3A_603 : i32 to index
        %swap3A_611 = arith.constant 0 : index
        %swap3A_612 = tpu.vector_load %arg15[%swap3A_610, %swap3A_611] {strides = array<i32>} : memref<128x128xf32, #tpu.memory_space<vmem>>, vector<1x16xf32>,
        %swap3A_613 = vector.shape_cast %swap3A_612 : vector<1x16xf32> to vector<16xf32>
        %swap3A_614 = vector.shape_cast %mul3A_609 : vector<16xf32> to vector<1x16xf32>
        tpu.vector_store %arg15[%swap3A_610, %swap3A_611], %swap3A_614 {strides = array<i32>} : memref<128x128xf32, #tpu.memory_space<vmem>>, vector<1x16xf32>,
        %get3A_615 = arith.index_cast %add3A_603 : i32 to index
        %get3A_616 = arith.constant 16 : index
        %get3A_617 = tpu.vector_load %arg15[%get3A_615, %get3A_616] {strides = array<i32>} : memref<128x128xf32, #tpu.memory_space<vmem>>, vector<1x16xf32>,
        %get3A_618 = vector.shape_cast %get3A_617 : vector<1x16xf32> to vector<16xf32>
        %mul3A_619 = vector.broadcast %squeeze3A_599 : f32 to vector<16xf32>
        %mul3A_620 = arith.mulf %get3A_618, %mul3A_619 : vector<16xf32>
        %swap3A_621 = arith.index_cast %add3A_603 : i32 to index
        %swap3A_622 = arith.constant 16 : index
        %swap3A_623 = tpu.vector_load %arg15[%swap3A_621, %swap3A_622] {strides = array<i32>} : memref<128x128xf32, #tpu.memory_space<vmem>>, vector<1x16xf32>,
        %swap3A_624 = vector.shape_cast %swap3A_623 : vector<1x16xf32> to vector<16xf32>
        %swap3A_625 = vector.shape_cast %mul3A_620 : vector<16xf32> to vector<1x16xf32>
        tpu.vector_store %arg15[%swap3A_621, %swap3A_622], %swap3A_625 {strides = array<i32>} : memref<128x128xf32, #tpu.memory_space<vmem>>, vector<1x16xf32>,
        %get3A_626 = arith.index_cast %add3A_603 : i32 to index
        %get3A_627 = arith.constant 32 : index
        %get3A_628 = tpu.vector_load %arg15[%get3A_626, %get3A_627] {strides = array<i32>} : memref<128x128xf32, #tpu.memory_space<vmem>>, vector<1x16xf32>,
        %get3A_629 = vector.shape_cast %get3A_628 : vector<1x16xf32> to vector<16xf32>
        %mul3A_630 = vector.broadcast %squeeze3A_599 : f32 to vector<16xf32>
        %mul3A_631 = arith.mulf %get3A_629, %mul3A_630 : vector<16xf32>
        %swap3A_632 = arith.index_cast %add3A_603 : i32 to index
        %swap3A_633 = arith.constant 32 : index
        %swap3A_634 = tpu.vector_load %arg15[%swap3A_632, %swap3A_633] {strides = array<i32>} : memref<128x128xf32, #tpu.memory_space<vmem>>, vector<1x16xf32>,
        %swap3A_635 = vector.shape_cast %swap3A_634 : vector<1x16xf32> to vector<16xf32>
        %swap3A_636 = vector.shape_cast %mul3A_631 : vector<16xf32> to vector<1x16xf32>
        tpu.vector_store %arg15[%swap3A_632, %swap3A_633], %swap3A_636 {strides = array<i32>} : memref<128x128xf32, #tpu.memory_space<vmem>>, vector<1x16xf32>,
        %get3A_637 = arith.index_cast %add3A_603 : i32 to index
        %get3A_638 = arith.constant 48 : index
        %get3A_639 = tpu.vector_load %arg15[%get3A_637, %get3A_638] {strides = array<i32>} : memref<128x128xf32, #tpu.memory_space<vmem>>, vector<1x16xf32>,
        %get3A_640 = vector.shape_cast %get3A_639 : vector<1x16xf32> to vector<16xf32>
        %mul3A_641 = vector.broadcast %squeeze3A_599 : f32 to vector<16xf32>
        %mul3A_642 = arith.mulf %get3A_640, %mul3A_641 : vector<16xf32>
        %swap3A_643 = arith.index_cast %add3A_603 : i32 to index
        %swap3A_644 = arith.constant 48 : index
        %swap3A_645 = tpu.vector_load %arg15[%swap3A_643, %swap3A_644] {strides = array<i32>} : memref<128x128xf32, #tpu.memory_space<vmem>>, vector<1x16xf32>,
        %swap3A_646 = vector.shape_cast %swap3A_645 : vector<1x16xf32> to vector<16xf32>
        %swap3A_647 = vector.shape_cast %mul3A_642 : vector<16xf32> to vector<1x16xf32>
        tpu.vector_store %arg15[%swap3A_643, %swap3A_644], %swap3A_647 {strides = array<i32>} : memref<128x128xf32, #tpu.memory_space<vmem>>, vector<1x16xf32>,
        %get3A_648 = arith.index_cast %add3A_603 : i32 to index
        %get3A_649 = arith.constant 64 : index
        %get3A_650 = tpu.vector_load %arg15[%get3A_648, %get3A_649] {strides = array<i32>} : memref<128x128xf32, #tpu.memory_space<vmem>>, vector<1x16xf32>,
        %get3A_651 = vector.shape_cast %get3A_650 : vector<1x16xf32> to vector<16xf32>
        %mul3A_652 = vector.broadcast %squeeze3A_599 : f32 to vector<16xf32>
        %mul3A_653 = arith.mulf %get3A_651, %mul3A_652 : vector<16xf32>
        %swap3A_654 = arith.index_cast %add3A_603 : i32 to index
        %swap3A_655 = arith.constant 64 : index
        %swap3A_656 = tpu.vector_load %arg15[%swap3A_654, %swap3A_655] {strides = array<i32>} : memref<128x128xf32, #tpu.memory_space<vmem>>, vector<1x16xf32>,
        %swap3A_657 = vector.shape_cast %swap3A_656 : vector<1x16xf32> to vector<16xf32>
        %swap3A_658 = vector.shape_cast %mul3A_653 : vector<16xf32> to vector<1x16xf32>
        tpu.vector_store %arg15[%swap3A_654, %swap3A_655], %swap3A_658 {strides = array<i32>} : memref<128x128xf32, #tpu.memory_space<vmem>>, vector<1x16xf32>,
        %get3A_659 = arith.index_cast %add3A_603 : i32 to index
        %get3A_660 = arith.constant 80 : index
        %get3A_661 = tpu.vector_load %arg15[%get3A_659, %get3A_660] {strides = array<i32>} : memref<128x128xf32, #tpu.memory_space<vmem>>, vector<1x16xf32>,
        %get3A_662 = vector.shape_cast %get3A_661 : vector<1x16xf32> to vector<16xf32>
        %mul3A_663 = vector.broadcast %squeeze3A_599 : f32 to vector<16xf32>
        %mul3A_664 = arith.mulf %get3A_662, %mul3A_663 : vector<16xf32>
        %swap3A_665 = arith.index_cast %add3A_603 : i32 to index
        %swap3A_666 = arith.constant 80 : index
        %swap3A_667 = tpu.vector_load %arg15[%swap3A_665, %swap3A_666] {strides = array<i32>} : memref<128x128xf32, #tpu.memory_space<vmem>>, vector<1x16xf32>,
        %swap3A_668 = vector.shape_cast %swap3A_667 : vector<1x16xf32> to vector<16xf32>
        %swap3A_669 = vector.shape_cast %mul3A_664 : vector<16xf32> to vector<1x16xf32>
        tpu.vector_store %arg15[%swap3A_665, %swap3A_666], %swap3A_669 {strides = array<i32>} : memref<128x128xf32, #tpu.memory_space<vmem>>, vector<1x16xf32>,
        %get3A_670 = arith.index_cast %add3A_603 : i32 to index
        %get3A_671 = arith.constant 96 : index
        %get3A_672 = tpu.vector_load %arg15[%get3A_670, %get3A_671] {strides = array<i32>} : memref<128x128xf32, #tpu.memory_space<vmem>>, vector<1x16xf32>,
        %get3A_673 = vector.shape_cast %get3A_672 : vector<1x16xf32> to vector<16xf32>
        %mul3A_674 = vector.broadcast %squeeze3A_599 : f32 to vector<16xf32>
        %mul3A_675 = arith.mulf %get3A_673, %mul3A_674 : vector<16xf32>
        %swap3A_676 = arith.index_cast %add3A_603 : i32 to index
        %swap3A_677 = arith.constant 96 : index
        %swap3A_678 = tpu.vector_load %arg15[%swap3A_676, %swap3A_677] {strides = array<i32>} : memref<128x128xf32, #tpu.memory_space<vmem>>, vector<1x16xf32>,
        %swap3A_679 = vector.shape_cast %swap3A_678 : vector<1x16xf32> to vector<16xf32>
        %swap3A_680 = vector.shape_cast %mul3A_675 : vector<16xf32> to vector<1x16xf32>
        tpu.vector_store %arg15[%swap3A_676, %swap3A_677], %swap3A_680 {strides = array<i32>} : memref<128x128xf32, #tpu.memory_space<vmem>>, vector<1x16xf32>,
        %get3A_681 = arith.index_cast %add3A_603 : i32 to index
        %get3A_682 = arith.constant 112 : index
        %get3A_683 = tpu.vector_load %arg15[%get3A_681, %get3A_682] {strides = array<i32>} : memref<128x128xf32, #tpu.memory_space<vmem>>, vector<1x16xf32>,
        %get3A_684 = vector.shape_cast %get3A_683 : vector<1x16xf32> to vector<16xf32>
        %mul3A_685 = vector.broadcast %squeeze3A_599 : f32 to vector<16xf32>
        %mul3A_686 = arith.mulf %get3A_684, %mul3A_685 : vector<16xf32>
        %swap3A_687 = arith.index_cast %add3A_603 : i32 to index
        %swap3A_688 = arith.constant 112 : index
        %swap3A_689 = tpu.vector_load %arg15[%swap3A_687, %swap3A_688] {strides = array<i32>} : memref<128x128xf32, #tpu.memory_space<vmem>>, vector<1x16xf32>,
        %swap3A_690 = vector.shape_cast %swap3A_689 : vector<1x16xf32> to vector<16xf32>
        %swap3A_691 = vector.shape_cast %mul3A_686 : vector<16xf32> to vector<1x16xf32>
        tpu.vector_store %arg15[%swap3A_687, %swap3A_688], %swap3A_691 {strides = array<i32>} : memref<128x128xf32, #tpu.memory_space<vmem>>, vector<1x16xf32>,
        %slice3A_692 = vector.extract_strided_slice %get3A_317 {offsets = [4], sizes = [1], strides = [1]} : vector<16xf32> to vector<1xf32>
        %squeeze3A_693 = vector.extract %slice3A_692[0] : f32 from vector<1xf32>
        %mul3A_694 = arith.constant 16 : i32
        %mul3A_695 = arith.muli %scan3A_311, %mul3A_694 : i32
        %add3A_696 = arith.constant 4 : i32
        %add3A_697 = arith.addi %mul3A_695, %add3A_696 : i32
        %get3A_698 = arith.index_cast %add3A_697 : i32 to index
        %get3A_699 = arith.constant 0 : index
        %get3A_700 = tpu.vector_load %arg15[%get3A_698, %get3A_699] {strides = array<i32>} : memref<128x128xf32, #tpu.memory_space<vmem>>, vector<1x16xf32>,
        %get3A_701 = vector.shape_cast %get3A_700 : vector<1x16xf32> to vector<16xf32>
        %mul3A_702 = vector.broadcast %squeeze3A_693 : f32 to vector<16xf32>
        %mul3A_703 = arith.mulf %get3A_701, %mul3A_702 : vector<16xf32>
        %swap3A_704 = arith.index_cast %add3A_697 : i32 to index
        %swap3A_705 = arith.constant 0 : index
        %swap3A_706 = tpu.vector_load %arg15[%swap3A_704, %swap3A_705] {strides = array<i32>} : memref<128x128xf32, #tpu.memory_space<vmem>>, vector<1x16xf32>,
        %swap3A_707 = vector.shape_cast %swap3A_706 : vector<1x16xf32> to vector<16xf32>
        %swap3A_708 = vector.shape_cast %mul3A_703 : vector<16xf32> to vector<1x16xf32>
        tpu.vector_store %arg15[%swap3A_704, %swap3A_705], %swap3A_708 {strides = array<i32>} : memref<128x128xf32, #tpu.memory_space<vmem>>, vector<1x16xf32>,
        %get3A_709 = arith.index_cast %add3A_697 : i32 to index
        %get3A_710 = arith.constant 16 : index
        %get3A_711 = tpu.vector_load %arg15[%get3A_709, %get3A_710] {strides = array<i32>} : memref<128x128xf32, #tpu.memory_space<vmem>>, vector<1x16xf32>,
        %get3A_712 = vector.shape_cast %get3A_711 : vector<1x16xf32> to vector<16xf32>
        %mul3A_713 = vector.broadcast %squeeze3A_693 : f32 to vector<16xf32>
        %mul3A_714 = arith.mulf %get3A_712, %mul3A_713 : vector<16xf32>
        %swap3A_715 = arith.index_cast %add3A_697 : i32 to index
        %swap3A_716 = arith.constant 16 : index
        %swap3A_717 = tpu.vector_load %arg15[%swap3A_715, %swap3A_716] {strides = array<i32>} : memref<128x128xf32, #tpu.memory_space<vmem>>, vector<1x16xf32>,
        %swap3A_718 = vector.shape_cast %swap3A_717 : vector<1x16xf32> to vector<16xf32>
        %swap3A_719 = vector.shape_cast %mul3A_714 : vector<16xf32> to vector<1x16xf32>
        tpu.vector_store %arg15[%swap3A_715, %swap3A_716], %swap3A_719 {strides = array<i32>} : memref<128x128xf32, #tpu.memory_space<vmem>>, vector<1x16xf32>,
        %get3A_720 = arith.index_cast %add3A_697 : i32 to index
        %get3A_721 = arith.constant 32 : index
        %get3A_722 = tpu.vector_load %arg15[%get3A_720, %get3A_721] {strides = array<i32>} : memref<128x128xf32, #tpu.memory_space<vmem>>, vector<1x16xf32>,
        %get3A_723 = vector.shape_cast %get3A_722 : vector<1x16xf32> to vector<16xf32>
        %mul3A_724 = vector.broadcast %squeeze3A_693 : f32 to vector<16xf32>
        %mul3A_725 = arith.mulf %get3A_723, %mul3A_724 : vector<16xf32>
        %swap3A_726 = arith.index_cast %add3A_697 : i32 to index
        %swap3A_727 = arith.constant 32 : index
        %swap3A_728 = tpu.vector_load %arg15[%swap3A_726, %swap3A_727] {strides = array<i32>} : memref<128x128xf32, #tpu.memory_space<vmem>>, vector<1x16xf32>,
        %swap3A_729 = vector.shape_cast %swap3A_728 : vector<1x16xf32> to vector<16xf32>
        %swap3A_730 = vector.shape_cast %mul3A_725 : vector<16xf32> to vector<1x16xf32>
        tpu.vector_store %arg15[%swap3A_726, %swap3A_727], %swap3A_730 {strides = array<i32>} : memref<128x128xf32, #tpu.memory_space<vmem>>, vector<1x16xf32>,
        %get3A_731 = arith.index_cast %add3A_697 : i32 to index
        %get3A_732 = arith.constant 48 : index
        %get3A_733 = tpu.vector_load %arg15[%get3A_731, %get3A_732] {strides = array<i32>} : memref<128x128xf32, #tpu.memory_space<vmem>>, vector<1x16xf32>,
        %get3A_734 = vector.shape_cast %get3A_733 : vector<1x16xf32> to vector<16xf32>
        %mul3A_735 = vector.broadcast %squeeze3A_693 : f32 to vector<16xf32>
        %mul3A_736 = arith.mulf %get3A_734, %mul3A_735 : vector<16xf32>
        %swap3A_737 = arith.index_cast %add3A_697 : i32 to index
        %swap3A_738 = arith.constant 48 : index
        %swap3A_739 = tpu.vector_load %arg15[%swap3A_737, %swap3A_738] {strides = array<i32>} : memref<128x128xf32, #tpu.memory_space<vmem>>, vector<1x16xf32>,
        %swap3A_740 = vector.shape_cast %swap3A_739 : vector<1x16xf32> to vector<16xf32>
        %swap3A_741 = vector.shape_cast %mul3A_736 : vector<16xf32> to vector<1x16xf32>
        tpu.vector_store %arg15[%swap3A_737, %swap3A_738], %swap3A_741 {strides = array<i32>} : memref<128x128xf32, #tpu.memory_space<vmem>>, vector<1x16xf32>,
        %get3A_742 = arith.index_cast %add3A_697 : i32 to index
        %get3A_743 = arith.constant 64 : index
        %get3A_744 = tpu.vector_load %arg15[%get3A_742, %get3A_743] {strides = array<i32>} : memref<128x128xf32, #tpu.memory_space<vmem>>, vector<1x16xf32>,
        %get3A_745 = vector.shape_cast %get3A_744 : vector<1x16xf32> to vector<16xf32>
        %mul3A_746 = vector.broadcast %squeeze3A_693 : f32 to vector<16xf32>
        %mul3A_747 = arith.mulf %get3A_745, %mul3A_746 : vector<16xf32>
        %swap3A_748 = arith.index_cast %add3A_697 : i32 to index
        %swap3A_749 = arith.constant 64 : index
        %swap3A_750 = tpu.vector_load %arg15[%swap3A_748, %swap3A_749] {strides = array<i32>} : memref<128x128xf32, #tpu.memory_space<vmem>>, vector<1x16xf32>,
        %swap3A_751 = vector.shape_cast %swap3A_750 : vector<1x16xf32> to vector<16xf32>
        %swap3A_752 = vector.shape_cast %mul3A_747 : vector<16xf32> to vector<1x16xf32>
        tpu.vector_store %arg15[%swap3A_748, %swap3A_749], %swap3A_752 {strides = array<i32>} : memref<128x128xf32, #tpu.memory_space<vmem>>, vector<1x16xf32>,
        %get3A_753 = arith.index_cast %add3A_697 : i32 to index
        %get3A_754 = arith.constant 80 : index
        %get3A_755 = tpu.vector_load %arg15[%get3A_753, %get3A_754] {strides = array<i32>} : memref<128x128xf32, #tpu.memory_space<vmem>>, vector<1x16xf32>,
        %get3A_756 = vector.shape_cast %get3A_755 : vector<1x16xf32> to vector<16xf32>
        %mul3A_757 = vector.broadcast %squeeze3A_693 : f32 to vector<16xf32>
        %mul3A_758 = arith.mulf %get3A_756, %mul3A_757 : vector<16xf32>
        %swap3A_759 = arith.index_cast %add3A_697 : i32 to index
        %swap3A_760 = arith.constant 80 : index
        %swap3A_761 = tpu.vector_load %arg15[%swap3A_759, %swap3A_760] {strides = array<i32>} : memref<128x128xf32, #tpu.memory_space<vmem>>, vector<1x16xf32>,
        %swap3A_762 = vector.shape_cast %swap3A_761 : vector<1x16xf32> to vector<16xf32>
        %swap3A_763 = vector.shape_cast %mul3A_758 : vector<16xf32> to vector<1x16xf32>
        tpu.vector_store %arg15[%swap3A_759, %swap3A_760], %swap3A_763 {strides = array<i32>} : memref<128x128xf32, #tpu.memory_space<vmem>>, vector<1x16xf32>,
        %get3A_764 = arith.index_cast %add3A_697 : i32 to index
        %get3A_765 = arith.constant 96 : index
        %get3A_766 = tpu.vector_load %arg15[%get3A_764, %get3A_765] {strides = array<i32>} : memref<128x128xf32, #tpu.memory_space<vmem>>, vector<1x16xf32>,
        %get3A_767 = vector.shape_cast %get3A_766 : vector<1x16xf32> to vector<16xf32>
        %mul3A_768 = vector.broadcast %squeeze3A_693 : f32 to vector<16xf32>
        %mul3A_769 = arith.mulf %get3A_767, %mul3A_768 : vector<16xf32>
        %swap3A_770 = arith.index_cast %add3A_697 : i32 to index
        %swap3A_771 = arith.constant 96 : index
        %swap3A_772 = tpu.vector_load %arg15[%swap3A_770, %swap3A_771] {strides = array<i32>} : memref<128x128xf32, #tpu.memory_space<vmem>>, vector<1x16xf32>,
        %swap3A_773 = vector.shape_cast %swap3A_772 : vector<1x16xf32> to vector<16xf32>
        %swap3A_774 = vector.shape_cast %mul3A_769 : vector<16xf32> to vector<1x16xf32>
        tpu.vector_store %arg15[%swap3A_770, %swap3A_771], %swap3A_774 {strides = array<i32>} : memref<128x128xf32, #tpu.memory_space<vmem>>, vector<1x16xf32>,
        %get3A_775 = arith.index_cast %add3A_697 : i32 to index
        %get3A_776 = arith.constant 112 : index
        %get3A_777 = tpu.vector_load %arg15[%get3A_775, %get3A_776] {strides = array<i32>} : memref<128x128xf32, #tpu.memory_space<vmem>>, vector<1x16xf32>,
        %get3A_778 = vector.shape_cast %get3A_777 : vector<1x16xf32> to vector<16xf32>
        %mul3A_779 = vector.broadcast %squeeze3A_693 : f32 to vector<16xf32>
        %mul3A_780 = arith.mulf %get3A_778, %mul3A_779 : vector<16xf32>
        %swap3A_781 = arith.index_cast %add3A_697 : i32 to index
        %swap3A_782 = arith.constant 112 : index
        %swap3A_783 = tpu.vector_load %arg15[%swap3A_781, %swap3A_782] {strides = array<i32>} : memref<128x128xf32, #tpu.memory_space<vmem>>, vector<1x16xf32>,
        %swap3A_784 = vector.shape_cast %swap3A_783 : vector<1x16xf32> to vector<16xf32>
        %swap3A_785 = vector.shape_cast %mul3A_780 : vector<16xf32> to vector<1x16xf32>
        tpu.vector_store %arg15[%swap3A_781, %swap3A_782], %swap3A_785 {strides = array<i32>} : memref<128x128xf32, #tpu.memory_space<vmem>>, vector<1x16xf32>,
        %slice3A_786 = vector.extract_strided_slice %get3A_317 {offsets = [5], sizes = [1], strides = [1]} : vector<16xf32> to vector<1xf32>
        %squeeze3A_787 = vector.extract %slice3A_786[0] : f32 from vector<1xf32>
        %mul3A_788 = arith.constant 16 : i32
        %mul3A_789 = arith.muli %scan3A_311, %mul3A_788 : i32
        %add3A_790 = arith.constant 5 : i32
        %add3A_791 = arith.addi %mul3A_789, %add3A_790 : i32
        %get3A_792 = arith.index_cast %add3A_791 : i32 to index
        %get3A_793 = arith.constant 0 : index
        %get3A_794 = tpu.vector_load %arg15[%get3A_792, %get3A_793] {strides = array<i32>} : memref<128x128xf32, #tpu.memory_space<vmem>>, vector<1x16xf32>,
        %get3A_795 = vector.shape_cast %get3A_794 : vector<1x16xf32> to vector<16xf32>
        %mul3A_796 = vector.broadcast %squeeze3A_787 : f32 to vector<16xf32>
        %mul3A_797 = arith.mulf %get3A_795, %mul3A_796 : vector<16xf32>
        %swap3A_798 = arith.index_cast %add3A_791 : i32 to index
        %swap3A_799 = arith.constant 0 : index
        %swap3A_800 = tpu.vector_load %arg15[%swap3A_798, %swap3A_799] {strides = array<i32>} : memref<128x128xf32, #tpu.memory_space<vmem>>, vector<1x16xf32>,
        %swap3A_801 = vector.shape_cast %swap3A_800 : vector<1x16xf32> to vector<16xf32>
        %swap3A_802 = vector.shape_cast %mul3A_797 : vector<16xf32> to vector<1x16xf32>
        tpu.vector_store %arg15[%swap3A_798, %swap3A_799], %swap3A_802 {strides = array<i32>} : memref<128x128xf32, #tpu.memory_space<vmem>>, vector<1x16xf32>,
        %get3A_803 = arith.index_cast %add3A_791 : i32 to index
        %get3A_804 = arith.constant 16 : index
        %get3A_805 = tpu.vector_load %arg15[%get3A_803, %get3A_804] {strides = array<i32>} : memref<128x128xf32, #tpu.memory_space<vmem>>, vector<1x16xf32>,
        %get3A_806 = vector.shape_cast %get3A_805 : vector<1x16xf32> to vector<16xf32>
        %mul3A_807 = vector.broadcast %squeeze3A_787 : f32 to vector<16xf32>
        %mul3A_808 = arith.mulf %get3A_806, %mul3A_807 : vector<16xf32>
        %swap3A_809 = arith.index_cast %add3A_791 : i32 to index
        %swap3A_810 = arith.constant 16 : index
        %swap3A_811 = tpu.vector_load %arg15[%swap3A_809, %swap3A_810] {strides = array<i32>} : memref<128x128xf32, #tpu.memory_space<vmem>>, vector<1x16xf32>,
        %swap3A_812 = vector.shape_cast %swap3A_811 : vector<1x16xf32> to vector<16xf32>
        %swap3A_813 = vector.shape_cast %mul3A_808 : vector<16xf32> to vector<1x16xf32>
        tpu.vector_store %arg15[%swap3A_809, %swap3A_810], %swap3A_813 {strides = array<i32>} : memref<128x128xf32, #tpu.memory_space<vmem>>, vector<1x16xf32>,
        %get3A_814 = arith.index_cast %add3A_791 : i32 to index
        %get3A_815 = arith.constant 32 : index
        %get3A_816 = tpu.vector_load %arg15[%get3A_814, %get3A_815] {strides = array<i32>} : memref<128x128xf32, #tpu.memory_space<vmem>>, vector<1x16xf32>,
        %get3A_817 = vector.shape_cast %get3A_816 : vector<1x16xf32> to vector<16xf32>
        %mul3A_818 = vector.broadcast %squeeze3A_787 : f32 to vector<16xf32>
        %mul3A_819 = arith.mulf %get3A_817, %mul3A_818 : vector<16xf32>
        %swap3A_820 = arith.index_cast %add3A_791 : i32 to index
        %swap3A_821 = arith.constant 32 : index
        %swap3A_822 = tpu.vector_load %arg15[%swap3A_820, %swap3A_821] {strides = array<i32>} : memref<128x128xf32, #tpu.memory_space<vmem>>, vector<1x16xf32>,
        %swap3A_823 = vector.shape_cast %swap3A_822 : vector<1x16xf32> to vector<16xf32>
        %swap3A_824 = vector.shape_cast %mul3A_819 : vector<16xf32> to vector<1x16xf32>
        tpu.vector_store %arg15[%swap3A_820, %swap3A_821], %swap3A_824 {strides = array<i32>} : memref<128x128xf32, #tpu.memory_space<vmem>>, vector<1x16xf32>,
        %get3A_825 = arith.index_cast %add3A_791 : i32 to index
        %get3A_826 = arith.constant 48 : index
        %get3A_827 = tpu.vector_load %arg15[%get3A_825, %get3A_826] {strides = array<i32>} : memref<128x128xf32, #tpu.memory_space<vmem>>, vector<1x16xf32>,
        %get3A_828 = vector.shape_cast %get3A_827 : vector<1x16xf32> to vector<16xf32>
        %mul3A_829 = vector.broadcast %squeeze3A_787 : f32 to vector<16xf32>
        %mul3A_830 = arith.mulf %get3A_828, %mul3A_829 : vector<16xf32>
        %swap3A_831 = arith.index_cast %add3A_791 : i32 to index
        %swap3A_832 = arith.constant 48 : index
        %swap3A_833 = tpu.vector_load %arg15[%swap3A_831, %swap3A_832] {strides = array<i32>} : memref<128x128xf32, #tpu.memory_space<vmem>>, vector<1x16xf32>,
        %swap3A_834 = vector.shape_cast %swap3A_833 : vector<1x16xf32> to vector<16xf32>
        %swap3A_835 = vector.shape_cast %mul3A_830 : vector<16xf32> to vector<1x16xf32>
        tpu.vector_store %arg15[%swap3A_831, %swap3A_832], %swap3A_835 {strides = array<i32>} : memref<128x128xf32, #tpu.memory_space<vmem>>, vector<1x16xf32>,
        %get3A_836 = arith.index_cast %add3A_791 : i32 to index
        %get3A_837 = arith.constant 64 : index
        %get3A_838 = tpu.vector_load %arg15[%get3A_836, %get3A_837] {strides = array<i32>} : memref<128x128xf32, #tpu.memory_space<vmem>>, vector<1x16xf32>,
        %get3A_839 = vector.shape_cast %get3A_838 : vector<1x16xf32> to vector<16xf32>
        %mul3A_840 = vector.broadcast %squeeze3A_787 : f32 to vector<16xf32>
        %mul3A_841 = arith.mulf %get3A_839, %mul3A_840 : vector<16xf32>
        %swap3A_842 = arith.index_cast %add3A_791 : i32 to index
        %swap3A_843 = arith.constant 64 : index
        %swap3A_844 = tpu.vector_load %arg15[%swap3A_842, %swap3A_843] {strides = array<i32>} : memref<128x128xf32, #tpu.memory_space<vmem>>, vector<1x16xf32>,
        %swap3A_845 = vector.shape_cast %swap3A_844 : vector<1x16xf32> to vector<16xf32>
        %swap3A_846 = vector.shape_cast %mul3A_841 : vector<16xf32> to vector<1x16xf32>
        tpu.vector_store %arg15[%swap3A_842, %swap3A_843], %swap3A_846 {strides = array<i32>} : memref<128x128xf32, #tpu.memory_space<vmem>>, vector<1x16xf32>,
        %get3A_847 = arith.index_cast %add3A_791 : i32 to index
        %get3A_848 = arith.constant 80 : index
        %get3A_849 = tpu.vector_load %arg15[%get3A_847, %get3A_848] {strides = array<i32>} : memref<128x128xf32, #tpu.memory_space<vmem>>, vector<1x16xf32>,
        %get3A_850 = vector.shape_cast %get3A_849 : vector<1x16xf32> to vector<16xf32>
        %mul3A_851 = vector.broadcast %squeeze3A_787 : f32 to vector<16xf32>
        %mul3A_852 = arith.mulf %get3A_850, %mul3A_851 : vector<16xf32>
        %swap3A_853 = arith.index_cast %add3A_791 : i32 to index
        %swap3A_854 = arith.constant 80 : index
        %swap3A_855 = tpu.vector_load %arg15[%swap3A_853, %swap3A_854] {strides = array<i32>} : memref<128x128xf32, #tpu.memory_space<vmem>>, vector<1x16xf32>,
        %swap3A_856 = vector.shape_cast %swap3A_855 : vector<1x16xf32> to vector<16xf32>
        %swap3A_857 = vector.shape_cast %mul3A_852 : vector<16xf32> to vector<1x16xf32>
        tpu.vector_store %arg15[%swap3A_853, %swap3A_854], %swap3A_857 {strides = array<i32>} : memref<128x128xf32, #tpu.memory_space<vmem>>, vector<1x16xf32>,
        %get3A_858 = arith.index_cast %add3A_791 : i32 to index
        %get3A_859 = arith.constant 96 : index
        %get3A_860 = tpu.vector_load %arg15[%get3A_858, %get3A_859] {strides = array<i32>} : memref<128x128xf32, #tpu.memory_space<vmem>>, vector<1x16xf32>,
        %get3A_861 = vector.shape_cast %get3A_860 : vector<1x16xf32> to vector<16xf32>
        %mul3A_862 = vector.broadcast %squeeze3A_787 : f32 to vector<16xf32>
        %mul3A_863 = arith.mulf %get3A_861, %mul3A_862 : vector<16xf32>
        %swap3A_864 = arith.index_cast %add3A_791 : i32 to index
        %swap3A_865 = arith.constant 96 : index
        %swap3A_866 = tpu.vector_load %arg15[%swap3A_864, %swap3A_865] {strides = array<i32>} : memref<128x128xf32, #tpu.memory_space<vmem>>, vector<1x16xf32>,
        %swap3A_867 = vector.shape_cast %swap3A_866 : vector<1x16xf32> to vector<16xf32>
        %swap3A_868 = vector.shape_cast %mul3A_863 : vector<16xf32> to vector<1x16xf32>
        tpu.vector_store %arg15[%swap3A_864, %swap3A_865], %swap3A_868 {strides = array<i32>} : memref<128x128xf32, #tpu.memory_space<vmem>>, vector<1x16xf32>,
        %get3A_869 = arith.index_cast %add3A_791 : i32 to index
        %get3A_870 = arith.constant 112 : index
        %get3A_871 = tpu.vector_load %arg15[%get3A_869, %get3A_870] {strides = array<i32>} : memref<128x128xf32, #tpu.memory_space<vmem>>, vector<1x16xf32>,
        %get3A_872 = vector.shape_cast %get3A_871 : vector<1x16xf32> to vector<16xf32>
        %mul3A_873 = vector.broadcast %squeeze3A_787 : f32 to vector<16xf32>
        %mul3A_874 = arith.mulf %get3A_872, %mul3A_873 : vector<16xf32>
        %swap3A_875 = arith.index_cast %add3A_791 : i32 to index
        %swap3A_876 = arith.constant 112 : index
        %swap3A_877 = tpu.vector_load %arg15[%swap3A_875, %swap3A_876] {strides = array<i32>} : memref<128x128xf32, #tpu.memory_space<vmem>>, vector<1x16xf32>,
        %swap3A_878 = vector.shape_cast %swap3A_877 : vector<1x16xf32> to vector<16xf32>
        %swap3A_879 = vector.shape_cast %mul3A_874 : vector<16xf32> to vector<1x16xf32>
        tpu.vector_store %arg15[%swap3A_875, %swap3A_876], %swap3A_879 {strides = array<i32>} : memref<128x128xf32, #tpu.memory_space<vmem>>, vector<1x16xf32>,
        %slice3A_880 = vector.extract_strided_slice %get3A_317 {offsets = [6], sizes = [1], strides = [1]} : vector<16xf32> to vector<1xf32>
        %squeeze3A_881 = vector.extract %slice3A_880[0] : f32 from vector<1xf32>
        %mul3A_882 = arith.constant 16 : i32
        %mul3A_883 = arith.muli %scan3A_311, %mul3A_882 : i32
        %add3A_884 = arith.constant 6 : i32
        %add3A_885 = arith.addi %mul3A_883, %add3A_884 : i32
        %get3A_886 = arith.index_cast %add3A_885 : i32 to index
        %get3A_887 = arith.constant 0 : index
        %get3A_888 = tpu.vector_load %arg15[%get3A_886, %get3A_887] {strides = array<i32>} : memref<128x128xf32, #tpu.memory_space<vmem>>, vector<1x16xf32>,
        %get3A_889 = vector.shape_cast %get3A_888 : vector<1x16xf32> to vector<16xf32>
        %mul3A_890 = vector.broadcast %squeeze3A_881 : f32 to vector<16xf32>
        %mul3A_891 = arith.mulf %get3A_889, %mul3A_890 : vector<16xf32>
        %swap3A_892 = arith.index_cast %add3A_885 : i32 to index
        %swap3A_893 = arith.constant 0 : index
        %swap3A_894 = tpu.vector_load %arg15[%swap3A_892, %swap3A_893] {strides = array<i32>} : memref<128x128xf32, #tpu.memory_space<vmem>>, vector<1x16xf32>,
        %swap3A_895 = vector.shape_cast %swap3A_894 : vector<1x16xf32> to vector<16xf32>
        %swap3A_896 = vector.shape_cast %mul3A_891 : vector<16xf32> to vector<1x16xf32>
        tpu.vector_store %arg15[%swap3A_892, %swap3A_893], %swap3A_896 {strides = array<i32>} : memref<128x128xf32, #tpu.memory_space<vmem>>, vector<1x16xf32>,
        %get3A_897 = arith.index_cast %add3A_885 : i32 to index
        %get3A_898 = arith.constant 16 : index
        %get3A_899 = tpu.vector_load %arg15[%get3A_897, %get3A_898] {strides = array<i32>} : memref<128x128xf32, #tpu.memory_space<vmem>>, vector<1x16xf32>,
        %get3A_900 = vector.shape_cast %get3A_899 : vector<1x16xf32> to vector<16xf32>
        %mul3A_901 = vector.broadcast %squeeze3A_881 : f32 to vector<16xf32>
        %mul3A_902 = arith.mulf %get3A_900, %mul3A_901 : vector<16xf32>
        %swap3A_903 = arith.index_cast %add3A_885 : i32 to index
        %swap3A_904 = arith.constant 16 : index
        %swap3A_905 = tpu.vector_load %arg15[%swap3A_903, %swap3A_904] {strides = array<i32>} : memref<128x128xf32, #tpu.memory_space<vmem>>, vector<1x16xf32>,
        %swap3A_906 = vector.shape_cast %swap3A_905 : vector<1x16xf32> to vector<16xf32>
        %swap3A_907 = vector.shape_cast %mul3A_902 : vector<16xf32> to vector<1x16xf32>
        tpu.vector_store %arg15[%swap3A_903, %swap3A_904], %swap3A_907 {strides = array<i32>} : memref<128x128xf32, #tpu.memory_space<vmem>>, vector<1x16xf32>,
        %get3A_908 = arith.index_cast %add3A_885 : i32 to index
        %get3A_909 = arith.constant 32 : index
        %get3A_910 = tpu.vector_load %arg15[%get3A_908, %get3A_909] {strides = array<i32>} : memref<128x128xf32, #tpu.memory_space<vmem>>, vector<1x16xf32>,
        %get3A_911 = vector.shape_cast %get3A_910 : vector<1x16xf32> to vector<16xf32>
        %mul3A_912 = vector.broadcast %squeeze3A_881 : f32 to vector<16xf32>
        %mul3A_913 = arith.mulf %get3A_911, %mul3A_912 : vector<16xf32>
        %swap3A_914 = arith.index_cast %add3A_885 : i32 to index
        %swap3A_915 = arith.constant 32 : index
        %swap3A_916 = tpu.vector_load %arg15[%swap3A_914, %swap3A_915] {strides = array<i32>} : memref<128x128xf32, #tpu.memory_space<vmem>>, vector<1x16xf32>,
        %swap3A_917 = vector.shape_cast %swap3A_916 : vector<1x16xf32> to vector<16xf32>
        %swap3A_918 = vector.shape_cast %mul3A_913 : vector<16xf32> to vector<1x16xf32>
        tpu.vector_store %arg15[%swap3A_914, %swap3A_915], %swap3A_918 {strides = array<i32>} : memref<128x128xf32, #tpu.memory_space<vmem>>, vector<1x16xf32>,
        %get3A_919 = arith.index_cast %add3A_885 : i32 to index
        %get3A_920 = arith.constant 48 : index
        %get3A_921 = tpu.vector_load %arg15[%get3A_919, %get3A_920] {strides = array<i32>} : memref<128x128xf32, #tpu.memory_space<vmem>>, vector<1x16xf32>,
        %get3A_922 = vector.shape_cast %get3A_921 : vector<1x16xf32> to vector<16xf32>
        %mul3A_923 = vector.broadcast %squeeze3A_881 : f32 to vector<16xf32>
        %mul3A_924 = arith.mulf %get3A_922, %mul3A_923 : vector<16xf32>
        %swap3A_925 = arith.index_cast %add3A_885 : i32 to index
        %swap3A_926 = arith.constant 48 : index
        %swap3A_927 = tpu.vector_load %arg15[%swap3A_925, %swap3A_926] {strides = array<i32>} : memref<128x128xf32, #tpu.memory_space<vmem>>, vector<1x16xf32>,
        %swap3A_928 = vector.shape_cast %swap3A_927 : vector<1x16xf32> to vector<16xf32>
        %swap3A_929 = vector.shape_cast %mul3A_924 : vector<16xf32> to vector<1x16xf32>
        tpu.vector_store %arg15[%swap3A_925, %swap3A_926], %swap3A_929 {strides = array<i32>} : memref<128x128xf32, #tpu.memory_space<vmem>>, vector<1x16xf32>,
        %get3A_930 = arith.index_cast %add3A_885 : i32 to index
        %get3A_931 = arith.constant 64 : index
        %get3A_932 = tpu.vector_load %arg15[%get3A_930, %get3A_931] {strides = array<i32>} : memref<128x128xf32, #tpu.memory_space<vmem>>, vector<1x16xf32>,
        %get3A_933 = vector.shape_cast %get3A_932 : vector<1x16xf32> to vector<16xf32>
        %mul3A_934 = vector.broadcast %squeeze3A_881 : f32 to vector<16xf32>
        %mul3A_935 = arith.mulf %get3A_933, %mul3A_934 : vector<16xf32>
        %swap3A_936 = arith.index_cast %add3A_885 : i32 to index
        %swap3A_937 = arith.constant 64 : index
        %swap3A_938 = tpu.vector_load %arg15[%swap3A_936, %swap3A_937] {strides = array<i32>} : memref<128x128xf32, #tpu.memory_space<vmem>>, vector<1x16xf32>,
        %swap3A_939 = vector.shape_cast %swap3A_938 : vector<1x16xf32> to vector<16xf32>
        %swap3A_940 = vector.shape_cast %mul3A_935 : vector<16xf32> to vector<1x16xf32>
        tpu.vector_store %arg15[%swap3A_936, %swap3A_937], %swap3A_940 {strides = array<i32>} : memref<128x128xf32, #tpu.memory_space<vmem>>, vector<1x16xf32>,
        %get3A_941 = arith.index_cast %add3A_885 : i32 to index
        %get3A_942 = arith.constant 80 : index
        %get3A_943 = tpu.vector_load %arg15[%get3A_941, %get3A_942] {strides = array<i32>} : memref<128x128xf32, #tpu.memory_space<vmem>>, vector<1x16xf32>,
        %get3A_944 = vector.shape_cast %get3A_943 : vector<1x16xf32> to vector<16xf32>
        %mul3A_945 = vector.broadcast %squeeze3A_881 : f32 to vector<16xf32>
        %mul3A_946 = arith.mulf %get3A_944, %mul3A_945 : vector<16xf32>
        %swap3A_947 = arith.index_cast %add3A_885 : i32 to index
        %swap3A_948 = arith.constant 80 : index
        %swap3A_949 = tpu.vector_load %arg15[%swap3A_947, %swap3A_948] {strides = array<i32>} : memref<128x128xf32, #tpu.memory_space<vmem>>, vector<1x16xf32>,
        %swap3A_950 = vector.shape_cast %swap3A_949 : vector<1x16xf32> to vector<16xf32>
        %swap3A_951 = vector.shape_cast %mul3A_946 : vector<16xf32> to vector<1x16xf32>
        tpu.vector_store %arg15[%swap3A_947, %swap3A_948], %swap3A_951 {strides = array<i32>} : memref<128x128xf32, #tpu.memory_space<vmem>>, vector<1x16xf32>,
        %get3A_952 = arith.index_cast %add3A_885 : i32 to index
        %get3A_953 = arith.constant 96 : index
        %get3A_954 = tpu.vector_load %arg15[%get3A_952, %get3A_953] {strides = array<i32>} : memref<128x128xf32, #tpu.memory_space<vmem>>, vector<1x16xf32>,
        %get3A_955 = vector.shape_cast %get3A_954 : vector<1x16xf32> to vector<16xf32>
        %mul3A_956 = vector.broadcast %squeeze3A_881 : f32 to vector<16xf32>
        %mul3A_957 = arith.mulf %get3A_955, %mul3A_956 : vector<16xf32>
        %swap3A_958 = arith.index_cast %add3A_885 : i32 to index
        %swap3A_959 = arith.constant 96 : index
        %swap3A_960 = tpu.vector_load %arg15[%swap3A_958, %swap3A_959] {strides = array<i32>} : memref<128x128xf32, #tpu.memory_space<vmem>>, vector<1x16xf32>,
        %swap3A_961 = vector.shape_cast %swap3A_960 : vector<1x16xf32> to vector<16xf32>
        %swap3A_962 = vector.shape_cast %mul3A_957 : vector<16xf32> to vector<1x16xf32>
        tpu.vector_store %arg15[%swap3A_958, %swap3A_959], %swap3A_962 {strides = array<i32>} : memref<128x128xf32, #tpu.memory_space<vmem>>, vector<1x16xf32>,
        %get3A_963 = arith.index_cast %add3A_885 : i32 to index
        %get3A_964 = arith.constant 112 : index
        %get3A_965 = tpu.vector_load %arg15[%get3A_963, %get3A_964] {strides = array<i32>} : memref<128x128xf32, #tpu.memory_space<vmem>>, vector<1x16xf32>,
        %get3A_966 = vector.shape_cast %get3A_965 : vector<1x16xf32> to vector<16xf32>
        %mul3A_967 = vector.broadcast %squeeze3A_881 : f32 to vector<16xf32>
        %mul3A_968 = arith.mulf %get3A_966, %mul3A_967 : vector<16xf32>
        %swap3A_969 = arith.index_cast %add3A_885 : i32 to index
        %swap3A_970 = arith.constant 112 : index
        %swap3A_971 = tpu.vector_load %arg15[%swap3A_969, %swap3A_970] {strides = array<i32>} : memref<128x128xf32, #tpu.memory_space<vmem>>, vector<1x16xf32>,
        %swap3A_972 = vector.shape_cast %swap3A_971 : vector<1x16xf32> to vector<16xf32>
        %swap3A_973 = vector.shape_cast %mul3A_968 : vector<16xf32> to vector<1x16xf32>
        tpu.vector_store %arg15[%swap3A_969, %swap3A_970], %swap3A_973 {strides = array<i32>} : memref<128x128xf32, #tpu.memory_space<vmem>>, vector<1x16xf32>,
        %slice3A_974 = vector.extract_strided_slice %get3A_317 {offsets = [7], sizes = [1], strides = [1]} : vector<16xf32> to vector<1xf32>
        %squeeze3A_975 = vector.extract %slice3A_974[0] : f32 from vector<1xf32>
        %mul3A_976 = arith.constant 16 : i32
        %mul3A_977 = arith.muli %scan3A_311, %mul3A_976 : i32
        %add3A_978 = arith.constant 7 : i32
        %add3A_979 = arith.addi %mul3A_977, %add3A_978 : i32
        %get3A_980 = arith.index_cast %add3A_979 : i32 to index
        %get3A_981 = arith.constant 0 : index
        %get3A_982 = tpu.vector_load %arg15[%get3A_980, %get3A_981] {strides = array<i32>} : memref<128x128xf32, #tpu.memory_space<vmem>>, vector<1x16xf32>,
        %get3A_983 = vector.shape_cast %get3A_982 : vector<1x16xf32> to vector<16xf32>
        %mul3A_984 = vector.broadcast %squeeze3A_975 : f32 to vector<16xf32>
        %mul3A_985 = arith.mulf %get3A_983, %mul3A_984 : vector<16xf32>
        %swap3A_986 = arith.index_cast %add3A_979 : i32 to index
        %swap3A_987 = arith.constant 0 : index
        %swap3A_988 = tpu.vector_load %arg15[%swap3A_986, %swap3A_987] {strides = array<i32>} : memref<128x128xf32, #tpu.memory_space<vmem>>, vector<1x16xf32>,
        %swap3A_989 = vector.shape_cast %swap3A_988 : vector<1x16xf32> to vector<16xf32>
        %swap3A_990 = vector.shape_cast %mul3A_985 : vector<16xf32> to vector<1x16xf32>
        tpu.vector_store %arg15[%swap3A_986, %swap3A_987], %swap3A_990 {strides = array<i32>} : memref<128x128xf32, #tpu.memory_space<vmem>>, vector<1x16xf32>,
        %get3A_991 = arith.index_cast %add3A_979 : i32 to index
        %get3A_992 = arith.constant 16 : index
        %get3A_993 = tpu.vector_load %arg15[%get3A_991, %get3A_992] {strides = array<i32>} : memref<128x128xf32, #tpu.memory_space<vmem>>, vector<1x16xf32>,
        %get3A_994 = vector.shape_cast %get3A_993 : vector<1x16xf32> to vector<16xf32>
        %mul3A_995 = vector.broadcast %squeeze3A_975 : f32 to vector<16xf32>
        %mul3A_996 = arith.mulf %get3A_994, %mul3A_995 : vector<16xf32>
        %swap3A_997 = arith.index_cast %add3A_979 : i32 to index
        %swap3A_998 = arith.constant 16 : index
        %swap3A_999 = tpu.vector_load %arg15[%swap3A_997, %swap3A_998] {strides = array<i32>} : memref<128x128xf32, #tpu.memory_space<vmem>>, vector<1x16xf32>,
        %swap3A_1000 = vector.shape_cast %swap3A_999 : vector<1x16xf32> to vector<16xf32>
        %swap3A_1001 = vector.shape_cast %mul3A_996 : vector<16xf32> to vector<1x16xf32>
        tpu.vector_store %arg15[%swap3A_997, %swap3A_998], %swap3A_1001 {strides = array<i32>} : memref<128x128xf32, #tpu.memory_space<vmem>>, vector<1x16xf32>,
        %get3A_1002 = arith.index_cast %add3A_979 : i32 to index
        %get3A_1003 = arith.constant 32 : index
        %get3A_1004 = tpu.vector_load %arg15[%get3A_1002, %get3A_1003] {strides = array<i32>} : memref<128x128xf32, #tpu.memory_space<vmem>>, vector<1x16xf32>,
        %get3A_1005 = vector.shape_cast %get3A_1004 : vector<1x16xf32> to vector<16xf32>
        %mul3A_1006 = vector.broadcast %squeeze3A_975 : f32 to vector<16xf32>
        %mul3A_1007 = arith.mulf %get3A_1005, %mul3A_1006 : vector<16xf32>
        %swap3A_1008 = arith.index_cast %add3A_979 : i32 to index
        %swap3A_1009 = arith.constant 32 : index
        %swap3A_1010 = tpu.vector_load %arg15[%swap3A_1008, %swap3A_1009] {strides = array<i32>} : memref<128x128xf32, #tpu.memory_space<vmem>>, vector<1x16xf32>,
        %swap3A_1011 = vector.shape_cast %swap3A_1010 : vector<1x16xf32> to vector<16xf32>
        %swap3A_1012 = vector.shape_cast %mul3A_1007 : vector<16xf32> to vector<1x16xf32>
        tpu.vector_store %arg15[%swap3A_1008, %swap3A_1009], %swap3A_1012 {strides = array<i32>} : memref<128x128xf32, #tpu.memory_space<vmem>>, vector<1x16xf32>,
        %get3A_1013 = arith.index_cast %add3A_979 : i32 to index
        %get3A_1014 = arith.constant 48 : index
        %get3A_1015 = tpu.vector_load %arg15[%get3A_1013, %get3A_1014] {strides = array<i32>} : memref<128x128xf32, #tpu.memory_space<vmem>>, vector<1x16xf32>,
        %get3A_1016 = vector.shape_cast %get3A_1015 : vector<1x16xf32> to vector<16xf32>
        %mul3A_1017 = vector.broadcast %squeeze3A_975 : f32 to vector<16xf32>
        %mul3A_1018 = arith.mulf %get3A_1016, %mul3A_1017 : vector<16xf32>
        %swap3A_1019 = arith.index_cast %add3A_979 : i32 to index
        %swap3A_1020 = arith.constant 48 : index
        %swap3A_1021 = tpu.vector_load %arg15[%swap3A_1019, %swap3A_1020] {strides = array<i32>} : memref<128x128xf32, #tpu.memory_space<vmem>>, vector<1x16xf32>,
        %swap3A_1022 = vector.shape_cast %swap3A_1021 : vector<1x16xf32> to vector<16xf32>
        %swap3A_1023 = vector.shape_cast %mul3A_1018 : vector<16xf32> to vector<1x16xf32>
        tpu.vector_store %arg15[%swap3A_1019, %swap3A_1020], %swap3A_1023 {strides = array<i32>} : memref<128x128xf32, #tpu.memory_space<vmem>>, vector<1x16xf32>,
        %get3A_1024 = arith.index_cast %add3A_979 : i32 to index
        %get3A_1025 = arith.constant 64 : index
        %get3A_1026 = tpu.vector_load %arg15[%get3A_1024, %get3A_1025] {strides = array<i32>} : memref<128x128xf32, #tpu.memory_space<vmem>>, vector<1x16xf32>,
        %get3A_1027 = vector.shape_cast %get3A_1026 : vector<1x16xf32> to vector<16xf32>
        %mul3A_1028 = vector.broadcast %squeeze3A_975 : f32 to vector<16xf32>
        %mul3A_1029 = arith.mulf %get3A_1027, %mul3A_1028 : vector<16xf32>
        %swap3A_1030 = arith.index_cast %add3A_979 : i32 to index
        %swap3A_1031 = arith.constant 64 : index
        %swap3A_1032 = tpu.vector_load %arg15[%swap3A_1030, %swap3A_1031] {strides = array<i32>} : memref<128x128xf32, #tpu.memory_space<vmem>>, vector<1x16xf32>,
        %swap3A_1033 = vector.shape_cast %swap3A_1032 : vector<1x16xf32> to vector<16xf32>
        %swap3A_1034 = vector.shape_cast %mul3A_1029 : vector<16xf32> to vector<1x16xf32>
        tpu.vector_store %arg15[%swap3A_1030, %swap3A_1031], %swap3A_1034 {strides = array<i32>} : memref<128x128xf32, #tpu.memory_space<vmem>>, vector<1x16xf32>,
        %get3A_1035 = arith.index_cast %add3A_979 : i32 to index
        %get3A_1036 = arith.constant 80 : index
        %get3A_1037 = tpu.vector_load %arg15[%get3A_1035, %get3A_1036] {strides = array<i32>} : memref<128x128xf32, #tpu.memory_space<vmem>>, vector<1x16xf32>,
        %get3A_1038 = vector.shape_cast %get3A_1037 : vector<1x16xf32> to vector<16xf32>
        %mul3A_1039 = vector.broadcast %squeeze3A_975 : f32 to vector<16xf32>
        %mul3A_1040 = arith.mulf %get3A_1038, %mul3A_1039 : vector<16xf32>
        %swap3A_1041 = arith.index_cast %add3A_979 : i32 to index
        %swap3A_1042 = arith.constant 80 : index
        %swap3A_1043 = tpu.vector_load %arg15[%swap3A_1041, %swap3A_1042] {strides = array<i32>} : memref<128x128xf32, #tpu.memory_space<vmem>>, vector<1x16xf32>,
        %swap3A_1044 = vector.shape_cast %swap3A_1043 : vector<1x16xf32> to vector<16xf32>
        %swap3A_1045 = vector.shape_cast %mul3A_1040 : vector<16xf32> to vector<1x16xf32>
        tpu.vector_store %arg15[%swap3A_1041, %swap3A_1042], %swap3A_1045 {strides = array<i32>} : memref<128x128xf32, #tpu.memory_space<vmem>>, vector<1x16xf32>,
        %get3A_1046 = arith.index_cast %add3A_979 : i32 to index
        %get3A_1047 = arith.constant 96 : index
        %get3A_1048 = tpu.vector_load %arg15[%get3A_1046, %get3A_1047] {strides = array<i32>} : memref<128x128xf32, #tpu.memory_space<vmem>>, vector<1x16xf32>,
        %get3A_1049 = vector.shape_cast %get3A_1048 : vector<1x16xf32> to vector<16xf32>
        %mul3A_1050 = vector.broadcast %squeeze3A_975 : f32 to vector<16xf32>
        %mul3A_1051 = arith.mulf %get3A_1049, %mul3A_1050 : vector<16xf32>
        %swap3A_1052 = arith.index_cast %add3A_979 : i32 to index
        %swap3A_1053 = arith.constant 96 : index
        %swap3A_1054 = tpu.vector_load %arg15[%swap3A_1052, %swap3A_1053] {strides = array<i32>} : memref<128x128xf32, #tpu.memory_space<vmem>>, vector<1x16xf32>,
        %swap3A_1055 = vector.shape_cast %swap3A_1054 : vector<1x16xf32> to vector<16xf32>
        %swap3A_1056 = vector.shape_cast %mul3A_1051 : vector<16xf32> to vector<1x16xf32>
        tpu.vector_store %arg15[%swap3A_1052, %swap3A_1053], %swap3A_1056 {strides = array<i32>} : memref<128x128xf32, #tpu.memory_space<vmem>>, vector<1x16xf32>,
        %get3A_1057 = arith.index_cast %add3A_979 : i32 to index
        %get3A_1058 = arith.constant 112 : index
        %get3A_1059 = tpu.vector_load %arg15[%get3A_1057, %get3A_1058] {strides = array<i32>} : memref<128x128xf32, #tpu.memory_space<vmem>>, vector<1x16xf32>,
        %get3A_1060 = vector.shape_cast %get3A_1059 : vector<1x16xf32> to vector<16xf32>
        %mul3A_1061 = vector.broadcast %squeeze3A_975 : f32 to vector<16xf32>
        %mul3A_1062 = arith.mulf %get3A_1060, %mul3A_1061 : vector<16xf32>
        %swap3A_1063 = arith.index_cast %add3A_979 : i32 to index
        %swap3A_1064 = arith.constant 112 : index
        %swap3A_1065 = tpu.vector_load %arg15[%swap3A_1063, %swap3A_1064] {strides = array<i32>} : memref<128x128xf32, #tpu.memory_space<vmem>>, vector<1x16xf32>,
        %swap3A_1066 = vector.shape_cast %swap3A_1065 : vector<1x16xf32> to vector<16xf32>
        %swap3A_1067 = vector.shape_cast %mul3A_1062 : vector<16xf32> to vector<1x16xf32>
        tpu.vector_store %arg15[%swap3A_1063, %swap3A_1064], %swap3A_1067 {strides = array<i32>} : memref<128x128xf32, #tpu.memory_space<vmem>>, vector<1x16xf32>,
        %slice3A_1068 = vector.extract_strided_slice %get3A_317 {offsets = [8], sizes = [1], strides = [1]} : vector<16xf32> to vector<1xf32>
        %squeeze3A_1069 = vector.extract %slice3A_1068[0] : f32 from vector<1xf32>
        %mul3A_1070 = arith.constant 16 : i32
        %mul3A_1071 = arith.muli %scan3A_311, %mul3A_1070 : i32
        %add3A_1072 = arith.constant 8 : i32
        %add3A_1073 = arith.addi %mul3A_1071, %add3A_1072 : i32
        %get3A_1074 = arith.index_cast %add3A_1073 : i32 to index
        %get3A_1075 = arith.constant 0 : index
        %get3A_1076 = tpu.vector_load %arg15[%get3A_1074, %get3A_1075] {strides = array<i32>} : memref<128x128xf32, #tpu.memory_space<vmem>>, vector<1x16xf32>,
        %get3A_1077 = vector.shape_cast %get3A_1076 : vector<1x16xf32> to vector<16xf32>
        %mul3A_1078 = vector.broadcast %squeeze3A_1069 : f32 to vector<16xf32>
        %mul3A_1079 = arith.mulf %get3A_1077, %mul3A_1078 : vector<16xf32>
        %swap3A_1080 = arith.index_cast %add3A_1073 : i32 to index
        %swap3A_1081 = arith.constant 0 : index
        %swap3A_1082 = tpu.vector_load %arg15[%swap3A_1080, %swap3A_1081] {strides = array<i32>} : memref<128x128xf32, #tpu.memory_space<vmem>>, vector<1x16xf32>,
        %swap3A_1083 = vector.shape_cast %swap3A_1082 : vector<1x16xf32> to vector<16xf32>
        %swap3A_1084 = vector.shape_cast %mul3A_1079 : vector<16xf32> to vector<1x16xf32>
        tpu.vector_store %arg15[%swap3A_1080, %swap3A_1081], %swap3A_1084 {strides = array<i32>} : memref<128x128xf32, #tpu.memory_space<vmem>>, vector<1x16xf32>,
        %get3A_1085 = arith.index_cast %add3A_1073 : i32 to index
        %get3A_1086 = arith.constant 16 : index
        %get3A_1087 = tpu.vector_load %arg15[%get3A_1085, %get3A_1086] {strides = array<i32>} : memref<128x128xf32, #tpu.memory_space<vmem>>, vector<1x16xf32>,
        %get3A_1088 = vector.shape_cast %get3A_1087 : vector<1x16xf32> to vector<16xf32>
        %mul3A_1089 = vector.broadcast %squeeze3A_1069 : f32 to vector<16xf32>
        %mul3A_1090 = arith.mulf %get3A_1088, %mul3A_1089 : vector<16xf32>
        %swap3A_1091 = arith.index_cast %add3A_1073 : i32 to index
        %swap3A_1092 = arith.constant 16 : index
        %swap3A_1093 = tpu.vector_load %arg15[%swap3A_1091, %swap3A_1092] {strides = array<i32>} : memref<128x128xf32, #tpu.memory_space<vmem>>, vector<1x16xf32>,
        %swap3A_1094 = vector.shape_cast %swap3A_1093 : vector<1x16xf32> to vector<16xf32>
        %swap3A_1095 = vector.shape_cast %mul3A_1090 : vector<16xf32> to vector<1x16xf32>
        tpu.vector_store %arg15[%swap3A_1091, %swap3A_1092], %swap3A_1095 {strides = array<i32>} : memref<128x128xf32, #tpu.memory_space<vmem>>, vector<1x16xf32>,
        %get3A_1096 = arith.index_cast %add3A_1073 : i32 to index
        %get3A_1097 = arith.constant 32 : index
        %get3A_1098 = tpu.vector_load %arg15[%get3A_1096, %get3A_1097] {strides = array<i32>} : memref<128x128xf32, #tpu.memory_space<vmem>>, vector<1x16xf32>,
        %get3A_1099 = vector.shape_cast %get3A_1098 : vector<1x16xf32> to vector<16xf32>
        %mul3A_1100 = vector.broadcast %squeeze3A_1069 : f32 to vector<16xf32>
        %mul3A_1101 = arith.mulf %get3A_1099, %mul3A_1100 : vector<16xf32>
        %swap3A_1102 = arith.index_cast %add3A_1073 : i32 to index
        %swap3A_1103 = arith.constant 32 : index
        %swap3A_1104 = tpu.vector_load %arg15[%swap3A_1102, %swap3A_1103] {strides = array<i32>} : memref<128x128xf32, #tpu.memory_space<vmem>>, vector<1x16xf32>,
        %swap3A_1105 = vector.shape_cast %swap3A_1104 : vector<1x16xf32> to vector<16xf32>
        %swap3A_1106 = vector.shape_cast %mul3A_1101 : vector<16xf32> to vector<1x16xf32>
        tpu.vector_store %arg15[%swap3A_1102, %swap3A_1103], %swap3A_1106 {strides = array<i32>} : memref<128x128xf32, #tpu.memory_space<vmem>>, vector<1x16xf32>,
        %get3A_1107 = arith.index_cast %add3A_1073 : i32 to index
        %get3A_1108 = arith.constant 48 : index
        %get3A_1109 = tpu.vector_load %arg15[%get3A_1107, %get3A_1108] {strides = array<i32>} : memref<128x128xf32, #tpu.memory_space<vmem>>, vector<1x16xf32>,
        %get3A_1110 = vector.shape_cast %get3A_1109 : vector<1x16xf32> to vector<16xf32>
        %mul3A_1111 = vector.broadcast %squeeze3A_1069 : f32 to vector<16xf32>
        %mul3A_1112 = arith.mulf %get3A_1110, %mul3A_1111 : vector<16xf32>
        %swap3A_1113 = arith.index_cast %add3A_1073 : i32 to index
        %swap3A_1114 = arith.constant 48 : index
        %swap3A_1115 = tpu.vector_load %arg15[%swap3A_1113, %swap3A_1114] {strides = array<i32>} : memref<128x128xf32, #tpu.memory_space<vmem>>, vector<1x16xf32>,
        %swap3A_1116 = vector.shape_cast %swap3A_1115 : vector<1x16xf32> to vector<16xf32>
        %swap3A_1117 = vector.shape_cast %mul3A_1112 : vector<16xf32> to vector<1x16xf32>
        tpu.vector_store %arg15[%swap3A_1113, %swap3A_1114], %swap3A_1117 {strides = array<i32>} : memref<128x128xf32, #tpu.memory_space<vmem>>, vector<1x16xf32>,
        %get3A_1118 = arith.index_cast %add3A_1073 : i32 to index
        %get3A_1119 = arith.constant 64 : index
        %get3A_1120 = tpu.vector_load %arg15[%get3A_1118, %get3A_1119] {strides = array<i32>} : memref<128x128xf32, #tpu.memory_space<vmem>>, vector<1x16xf32>,
        %get3A_1121 = vector.shape_cast %get3A_1120 : vector<1x16xf32> to vector<16xf32>
        %mul3A_1122 = vector.broadcast %squeeze3A_1069 : f32 to vector<16xf32>
        %mul3A_1123 = arith.mulf %get3A_1121, %mul3A_1122 : vector<16xf32>
        %swap3A_1124 = arith.index_cast %add3A_1073 : i32 to index
        %swap3A_1125 = arith.constant 64 : index
        %swap3A_1126 = tpu.vector_load %arg15[%swap3A_1124, %swap3A_1125] {strides = array<i32>} : memref<128x128xf32, #tpu.memory_space<vmem>>, vector<1x16xf32>,
        %swap3A_1127 = vector.shape_cast %swap3A_1126 : vector<1x16xf32> to vector<16xf32>
        %swap3A_1128 = vector.shape_cast %mul3A_1123 : vector<16xf32> to vector<1x16xf32>
        tpu.vector_store %arg15[%swap3A_1124, %swap3A_1125], %swap3A_1128 {strides = array<i32>} : memref<128x128xf32, #tpu.memory_space<vmem>>, vector<1x16xf32>,
        %get3A_1129 = arith.index_cast %add3A_1073 : i32 to index
        %get3A_1130 = arith.constant 80 : index
        %get3A_1131 = tpu.vector_load %arg15[%get3A_1129, %get3A_1130] {strides = array<i32>} : memref<128x128xf32, #tpu.memory_space<vmem>>, vector<1x16xf32>,
        %get3A_1132 = vector.shape_cast %get3A_1131 : vector<1x16xf32> to vector<16xf32>
        %mul3A_1133 = vector.broadcast %squeeze3A_1069 : f32 to vector<16xf32>
        %mul3A_1134 = arith.mulf %get3A_1132, %mul3A_1133 : vector<16xf32>
        %swap3A_1135 = arith.index_cast %add3A_1073 : i32 to index
        %swap3A_1136 = arith.constant 80 : index
        %swap3A_1137 = tpu.vector_load %arg15[%swap3A_1135, %swap3A_1136] {strides = array<i32>} : memref<128x128xf32, #tpu.memory_space<vmem>>, vector<1x16xf32>,
        %swap3A_1138 = vector.shape_cast %swap3A_1137 : vector<1x16xf32> to vector<16xf32>
        %swap3A_1139 = vector.shape_cast %mul3A_1134 : vector<16xf32> to vector<1x16xf32>
        tpu.vector_store %arg15[%swap3A_1135, %swap3A_1136], %swap3A_1139 {strides = array<i32>} : memref<128x128xf32, #tpu.memory_space<vmem>>, vector<1x16xf32>,
        %get3A_1140 = arith.index_cast %add3A_1073 : i32 to index
        %get3A_1141 = arith.constant 96 : index
        %get3A_1142 = tpu.vector_load %arg15[%get3A_1140, %get3A_1141] {strides = array<i32>} : memref<128x128xf32, #tpu.memory_space<vmem>>, vector<1x16xf32>,
        %get3A_1143 = vector.shape_cast %get3A_1142 : vector<1x16xf32> to vector<16xf32>
        %mul3A_1144 = vector.broadcast %squeeze3A_1069 : f32 to vector<16xf32>
        %mul3A_1145 = arith.mulf %get3A_1143, %mul3A_1144 : vector<16xf32>
        %swap3A_1146 = arith.index_cast %add3A_1073 : i32 to index
        %swap3A_1147 = arith.constant 96 : index
        %swap3A_1148 = tpu.vector_load %arg15[%swap3A_1146, %swap3A_1147] {strides = array<i32>} : memref<128x128xf32, #tpu.memory_space<vmem>>, vector<1x16xf32>,
        %swap3A_1149 = vector.shape_cast %swap3A_1148 : vector<1x16xf32> to vector<16xf32>
        %swap3A_1150 = vector.shape_cast %mul3A_1145 : vector<16xf32> to vector<1x16xf32>
        tpu.vector_store %arg15[%swap3A_1146, %swap3A_1147], %swap3A_1150 {strides = array<i32>} : memref<128x128xf32, #tpu.memory_space<vmem>>, vector<1x16xf32>,
        %get3A_1151 = arith.index_cast %add3A_1073 : i32 to index
        %get3A_1152 = arith.constant 112 : index
        %get3A_1153 = tpu.vector_load %arg15[%get3A_1151, %get3A_1152] {strides = array<i32>} : memref<128x128xf32, #tpu.memory_space<vmem>>, vector<1x16xf32>,
        %get3A_1154 = vector.shape_cast %get3A_1153 : vector<1x16xf32> to vector<16xf32>
        %mul3A_1155 = vector.broadcast %squeeze3A_1069 : f32 to vector<16xf32>
        %mul3A_1156 = arith.mulf %get3A_1154, %mul3A_1155 : vector<16xf32>
        %swap3A_1157 = arith.index_cast %add3A_1073 : i32 to index
        %swap3A_1158 = arith.constant 112 : index
        %swap3A_1159 = tpu.vector_load %arg15[%swap3A_1157, %swap3A_1158] {strides = array<i32>} : memref<128x128xf32, #tpu.memory_space<vmem>>, vector<1x16xf32>,
        %swap3A_1160 = vector.shape_cast %swap3A_1159 : vector<1x16xf32> to vector<16xf32>
        %swap3A_1161 = vector.shape_cast %mul3A_1156 : vector<16xf32> to vector<1x16xf32>
        tpu.vector_store %arg15[%swap3A_1157, %swap3A_1158], %swap3A_1161 {strides = array<i32>} : memref<128x128xf32, #tpu.memory_space<vmem>>, vector<1x16xf32>,
        %slice3A_1162 = vector.extract_strided_slice %get3A_317 {offsets = [9], sizes = [1], strides = [1]} : vector<16xf32> to vector<1xf32>
        %squeeze3A_1163 = vector.extract %slice3A_1162[0] : f32 from vector<1xf32>
        %mul3A_1164 = arith.constant 16 : i32
        %mul3A_1165 = arith.muli %scan3A_311, %mul3A_1164 : i32
        %add3A_1166 = arith.constant 9 : i32
        %add3A_1167 = arith.addi %mul3A_1165, %add3A_1166 : i32
        %get3A_1168 = arith.index_cast %add3A_1167 : i32 to index
        %get3A_1169 = arith.constant 0 : index
        %get3A_1170 = tpu.vector_load %arg15[%get3A_1168, %get3A_1169] {strides = array<i32>} : memref<128x128xf32, #tpu.memory_space<vmem>>, vector<1x16xf32>,
        %get3A_1171 = vector.shape_cast %get3A_1170 : vector<1x16xf32> to vector<16xf32>
        %mul3A_1172 = vector.broadcast %squeeze3A_1163 : f32 to vector<16xf32>
        %mul3A_1173 = arith.mulf %get3A_1171, %mul3A_1172 : vector<16xf32>
        %swap3A_1174 = arith.index_cast %add3A_1167 : i32 to index
        %swap3A_1175 = arith.constant 0 : index
        %swap3A_1176 = tpu.vector_load %arg15[%swap3A_1174, %swap3A_1175] {strides = array<i32>} : memref<128x128xf32, #tpu.memory_space<vmem>>, vector<1x16xf32>,
        %swap3A_1177 = vector.shape_cast %swap3A_1176 : vector<1x16xf32> to vector<16xf32>
        %swap3A_1178 = vector.shape_cast %mul3A_1173 : vector<16xf32> to vector<1x16xf32>
        tpu.vector_store %arg15[%swap3A_1174, %swap3A_1175], %swap3A_1178 {strides = array<i32>} : memref<128x128xf32, #tpu.memory_space<vmem>>, vector<1x16xf32>,
        %get3A_1179 = arith.index_cast %add3A_1167 : i32 to index
        %get3A_1180 = arith.constant 16 : index
        %get3A_1181 = tpu.vector_load %arg15[%get3A_1179, %get3A_1180] {strides = array<i32>} : memref<128x128xf32, #tpu.memory_space<vmem>>, vector<1x16xf32>,
        %get3A_1182 = vector.shape_cast %get3A_1181 : vector<1x16xf32> to vector<16xf32>
        %mul3A_1183 = vector.broadcast %squeeze3A_1163 : f32 to vector<16xf32>
        %mul3A_1184 = arith.mulf %get3A_1182, %mul3A_1183 : vector<16xf32>
        %swap3A_1185 = arith.index_cast %add3A_1167 : i32 to index
        %swap3A_1186 = arith.constant 16 : index
        %swap3A_1187 = tpu.vector_load %arg15[%swap3A_1185, %swap3A_1186] {strides = array<i32>} : memref<128x128xf32, #tpu.memory_space<vmem>>, vector<1x16xf32>,
        %swap3A_1188 = vector.shape_cast %swap3A_1187 : vector<1x16xf32> to vector<16xf32>
        %swap3A_1189 = vector.shape_cast %mul3A_1184 : vector<16xf32> to vector<1x16xf32>
        tpu.vector_store %arg15[%swap3A_1185, %swap3A_1186], %swap3A_1189 {strides = array<i32>} : memref<128x128xf32, #tpu.memory_space<vmem>>, vector<1x16xf32>,
        %get3A_1190 = arith.index_cast %add3A_1167 : i32 to index
        %get3A_1191 = arith.constant 32 : index
        %get3A_1192 = tpu.vector_load %arg15[%get3A_1190, %get3A_1191] {strides = array<i32>} : memref<128x128xf32, #tpu.memory_space<vmem>>, vector<1x16xf32>,
        %get3A_1193 = vector.shape_cast %get3A_1192 : vector<1x16xf32> to vector<16xf32>
        %mul3A_1194 = vector.broadcast %squeeze3A_1163 : f32 to vector<16xf32>
        %mul3A_1195 = arith.mulf %get3A_1193, %mul3A_1194 : vector<16xf32>
        %swap3A_1196 = arith.index_cast %add3A_1167 : i32 to index
        %swap3A_1197 = arith.constant 32 : index
        %swap3A_1198 = tpu.vector_load %arg15[%swap3A_1196, %swap3A_1197] {strides = array<i32>} : memref<128x128xf32, #tpu.memory_space<vmem>>, vector<1x16xf32>,
        %swap3A_1199 = vector.shape_cast %swap3A_1198 : vector<1x16xf32> to vector<16xf32>
        %swap3A_1200 = vector.shape_cast %mul3A_1195 : vector<16xf32> to vector<1x16xf32>
        tpu.vector_store %arg15[%swap3A_1196, %swap3A_1197], %swap3A_1200 {strides = array<i32>} : memref<128x128xf32, #tpu.memory_space<vmem>>, vector<1x16xf32>,
        %get3A_1201 = arith.index_cast %add3A_1167 : i32 to index
        %get3A_1202 = arith.constant 48 : index
        %get3A_1203 = tpu.vector_load %arg15[%get3A_1201, %get3A_1202] {strides = array<i32>} : memref<128x128xf32, #tpu.memory_space<vmem>>, vector<1x16xf32>,
        %get3A_1204 = vector.shape_cast %get3A_1203 : vector<1x16xf32> to vector<16xf32>
        %mul3A_1205 = vector.broadcast %squeeze3A_1163 : f32 to vector<16xf32>
        %mul3A_1206 = arith.mulf %get3A_1204, %mul3A_1205 : vector<16xf32>
        %swap3A_1207 = arith.index_cast %add3A_1167 : i32 to index
        %swap3A_1208 = arith.constant 48 : index
        %swap3A_1209 = tpu.vector_load %arg15[%swap3A_1207, %swap3A_1208] {strides = array<i32>} : memref<128x128xf32, #tpu.memory_space<vmem>>, vector<1x16xf32>,
        %swap3A_1210 = vector.shape_cast %swap3A_1209 : vector<1x16xf32> to vector<16xf32>
        %swap3A_1211 = vector.shape_cast %mul3A_1206 : vector<16xf32> to vector<1x16xf32>
        tpu.vector_store %arg15[%swap3A_1207, %swap3A_1208], %swap3A_1211 {strides = array<i32>} : memref<128x128xf32, #tpu.memory_space<vmem>>, vector<1x16xf32>,
        %get3A_1212 = arith.index_cast %add3A_1167 : i32 to index
        %get3A_1213 = arith.constant 64 : index
        %get3A_1214 = tpu.vector_load %arg15[%get3A_1212, %get3A_1213] {strides = array<i32>} : memref<128x128xf32, #tpu.memory_space<vmem>>, vector<1x16xf32>,
        %get3A_1215 = vector.shape_cast %get3A_1214 : vector<1x16xf32> to vector<16xf32>
        %mul3A_1216 = vector.broadcast %squeeze3A_1163 : f32 to vector<16xf32>
        %mul3A_1217 = arith.mulf %get3A_1215, %mul3A_1216 : vector<16xf32>
        %swap3A_1218 = arith.index_cast %add3A_1167 : i32 to index
        %swap3A_1219 = arith.constant 64 : index
        %swap3A_1220 = tpu.vector_load %arg15[%swap3A_1218, %swap3A_1219] {strides = array<i32>} : memref<128x128xf32, #tpu.memory_space<vmem>>, vector<1x16xf32>,
        %swap3A_1221 = vector.shape_cast %swap3A_1220 : vector<1x16xf32> to vector<16xf32>
        %swap3A_1222 = vector.shape_cast %mul3A_1217 : vector<16xf32> to vector<1x16xf32>
        tpu.vector_store %arg15[%swap3A_1218, %swap3A_1219], %swap3A_1222 {strides = array<i32>} : memref<128x128xf32, #tpu.memory_space<vmem>>, vector<1x16xf32>,
        %get3A_1223 = arith.index_cast %add3A_1167 : i32 to index
        %get3A_1224 = arith.constant 80 : index
        %get3A_1225 = tpu.vector_load %arg15[%get3A_1223, %get3A_1224] {strides = array<i32>} : memref<128x128xf32, #tpu.memory_space<vmem>>, vector<1x16xf32>,
        %get3A_1226 = vector.shape_cast %get3A_1225 : vector<1x16xf32> to vector<16xf32>
        %mul3A_1227 = vector.broadcast %squeeze3A_1163 : f32 to vector<16xf32>
        %mul3A_1228 = arith.mulf %get3A_1226, %mul3A_1227 : vector<16xf32>
        %swap3A_1229 = arith.index_cast %add3A_1167 : i32 to index
        %swap3A_1230 = arith.constant 80 : index
        %swap3A_1231 = tpu.vector_load %arg15[%swap3A_1229, %swap3A_1230] {strides = array<i32>} : memref<128x128xf32, #tpu.memory_space<vmem>>, vector<1x16xf32>,
        %swap3A_1232 = vector.shape_cast %swap3A_1231 : vector<1x16xf32> to vector<16xf32>
        %swap3A_1233 = vector.shape_cast %mul3A_1228 : vector<16xf32> to vector<1x16xf32>
        tpu.vector_store %arg15[%swap3A_1229, %swap3A_1230], %swap3A_1233 {strides = array<i32>} : memref<128x128xf32, #tpu.memory_space<vmem>>, vector<1x16xf32>,
        %get3A_1234 = arith.index_cast %add3A_1167 : i32 to index
        %get3A_1235 = arith.constant 96 : index
        %get3A_1236 = tpu.vector_load %arg15[%get3A_1234, %get3A_1235] {strides = array<i32>} : memref<128x128xf32, #tpu.memory_space<vmem>>, vector<1x16xf32>,
        %get3A_1237 = vector.shape_cast %get3A_1236 : vector<1x16xf32> to vector<16xf32>
        %mul3A_1238 = vector.broadcast %squeeze3A_1163 : f32 to vector<16xf32>
        %mul3A_1239 = arith.mulf %get3A_1237, %mul3A_1238 : vector<16xf32>
        %swap3A_1240 = arith.index_cast %add3A_1167 : i32 to index
        %swap3A_1241 = arith.constant 96 : index
        %swap3A_1242 = tpu.vector_load %arg15[%swap3A_1240, %swap3A_1241] {strides = array<i32>} : memref<128x128xf32, #tpu.memory_space<vmem>>, vector<1x16xf32>,
        %swap3A_1243 = vector.shape_cast %swap3A_1242 : vector<1x16xf32> to vector<16xf32>
        %swap3A_1244 = vector.shape_cast %mul3A_1239 : vector<16xf32> to vector<1x16xf32>
        tpu.vector_store %arg15[%swap3A_1240, %swap3A_1241], %swap3A_1244 {strides = array<i32>} : memref<128x128xf32, #tpu.memory_space<vmem>>, vector<1x16xf32>,
        %get3A_1245 = arith.index_cast %add3A_1167 : i32 to index
        %get3A_1246 = arith.constant 112 : index
        %get3A_1247 = tpu.vector_load %arg15[%get3A_1245, %get3A_1246] {strides = array<i32>} : memref<128x128xf32, #tpu.memory_space<vmem>>, vector<1x16xf32>,
        %get3A_1248 = vector.shape_cast %get3A_1247 : vector<1x16xf32> to vector<16xf32>
        %mul3A_1249 = vector.broadcast %squeeze3A_1163 : f32 to vector<16xf32>
        %mul3A_1250 = arith.mulf %get3A_1248, %mul3A_1249 : vector<16xf32>
        %swap3A_1251 = arith.index_cast %add3A_1167 : i32 to index
        %swap3A_1252 = arith.constant 112 : index
        %swap3A_1253 = tpu.vector_load %arg15[%swap3A_1251, %swap3A_1252] {strides = array<i32>} : memref<128x128xf32, #tpu.memory_space<vmem>>, vector<1x16xf32>,
        %swap3A_1254 = vector.shape_cast %swap3A_1253 : vector<1x16xf32> to vector<16xf32>
        %swap3A_1255 = vector.shape_cast %mul3A_1250 : vector<16xf32> to vector<1x16xf32>
        tpu.vector_store %arg15[%swap3A_1251, %swap3A_1252], %swap3A_1255 {strides = array<i32>} : memref<128x128xf32, #tpu.memory_space<vmem>>, vector<1x16xf32>,
        %slice3A_1256 = vector.extract_strided_slice %get3A_317 {offsets = [10], sizes = [1], strides = [1]} : vector<16xf32> to vector<1xf32>
        %squeeze3A_1257 = vector.extract %slice3A_1256[0] : f32 from vector<1xf32>
        %mul3A_1258 = arith.constant 16 : i32
        %mul3A_1259 = arith.muli %scan3A_311, %mul3A_1258 : i32
        %add3A_1260 = arith.constant 10 : i32
        %add3A_1261 = arith.addi %mul3A_1259, %add3A_1260 : i32
        %get3A_1262 = arith.index_cast %add3A_1261 : i32 to index
        %get3A_1263 = arith.constant 0 : index
        %get3A_1264 = tpu.vector_load %arg15[%get3A_1262, %get3A_1263] {strides = array<i32>} : memref<128x128xf32, #tpu.memory_space<vmem>>, vector<1x16xf32>,
        %get3A_1265 = vector.shape_cast %get3A_1264 : vector<1x16xf32> to vector<16xf32>
        %mul3A_1266 = vector.broadcast %squeeze3A_1257 : f32 to vector<16xf32>
        %mul3A_1267 = arith.mulf %get3A_1265, %mul3A_1266 : vector<16xf32>
        %swap3A_1268 = arith.index_cast %add3A_1261 : i32 to index
        %swap3A_1269 = arith.constant 0 : index
        %swap3A_1270 = tpu.vector_load %arg15[%swap3A_1268, %swap3A_1269] {strides = array<i32>} : memref<128x128xf32, #tpu.memory_space<vmem>>, vector<1x16xf32>,
        %swap3A_1271 = vector.shape_cast %swap3A_1270 : vector<1x16xf32> to vector<16xf32>
        %swap3A_1272 = vector.shape_cast %mul3A_1267 : vector<16xf32> to vector<1x16xf32>
        tpu.vector_store %arg15[%swap3A_1268, %swap3A_1269], %swap3A_1272 {strides = array<i32>} : memref<128x128xf32, #tpu.memory_space<vmem>>, vector<1x16xf32>,
        %get3A_1273 = arith.index_cast %add3A_1261 : i32 to index
        %get3A_1274 = arith.constant 16 : index
        %get3A_1275 = tpu.vector_load %arg15[%get3A_1273, %get3A_1274] {strides = array<i32>} : memref<128x128xf32, #tpu.memory_space<vmem>>, vector<1x16xf32>,
        %get3A_1276 = vector.shape_cast %get3A_1275 : vector<1x16xf32> to vector<16xf32>
        %mul3A_1277 = vector.broadcast %squeeze3A_1257 : f32 to vector<16xf32>
        %mul3A_1278 = arith.mulf %get3A_1276, %mul3A_1277 : vector<16xf32>
        %swap3A_1279 = arith.index_cast %add3A_1261 : i32 to index
        %swap3A_1280 = arith.constant 16 : index
        %swap3A_1281 = tpu.vector_load %arg15[%swap3A_1279, %swap3A_1280] {strides = array<i32>} : memref<128x128xf32, #tpu.memory_space<vmem>>, vector<1x16xf32>,
        %swap3A_1282 = vector.shape_cast %swap3A_1281 : vector<1x16xf32> to vector<16xf32>
        %swap3A_1283 = vector.shape_cast %mul3A_1278 : vector<16xf32> to vector<1x16xf32>
        tpu.vector_store %arg15[%swap3A_1279, %swap3A_1280], %swap3A_1283 {strides = array<i32>} : memref<128x128xf32, #tpu.memory_space<vmem>>, vector<1x16xf32>,
        %get3A_1284 = arith.index_cast %add3A_1261 : i32 to index
        %get3A_1285 = arith.constant 32 : index
        %get3A_1286 = tpu.vector_load %arg15[%get3A_1284, %get3A_1285] {strides = array<i32>} : memref<128x128xf32, #tpu.memory_space<vmem>>, vector<1x16xf32>,
        %get3A_1287 = vector.shape_cast %get3A_1286 : vector<1x16xf32> to vector<16xf32>
        %mul3A_1288 = vector.broadcast %squeeze3A_1257 : f32 to vector<16xf32>
        %mul3A_1289 = arith.mulf %get3A_1287, %mul3A_1288 : vector<16xf32>
        %swap3A_1290 = arith.index_cast %add3A_1261 : i32 to index
        %swap3A_1291 = arith.constant 32 : index
        %swap3A_1292 = tpu.vector_load %arg15[%swap3A_1290, %swap3A_1291] {strides = array<i32>} : memref<128x128xf32, #tpu.memory_space<vmem>>, vector<1x16xf32>,
        %swap3A_1293 = vector.shape_cast %swap3A_1292 : vector<1x16xf32> to vector<16xf32>
        %swap3A_1294 = vector.shape_cast %mul3A_1289 : vector<16xf32> to vector<1x16xf32>
        tpu.vector_store %arg15[%swap3A_1290, %swap3A_1291], %swap3A_1294 {strides = array<i32>} : memref<128x128xf32, #tpu.memory_space<vmem>>, vector<1x16xf32>,
        %get3A_1295 = arith.index_cast %add3A_1261 : i32 to index
        %get3A_1296 = arith.constant 48 : index
        %get3A_1297 = tpu.vector_load %arg15[%get3A_1295, %get3A_1296] {strides = array<i32>} : memref<128x128xf32, #tpu.memory_space<vmem>>, vector<1x16xf32>,
        %get3A_1298 = vector.shape_cast %get3A_1297 : vector<1x16xf32> to vector<16xf32>
        %mul3A_1299 = vector.broadcast %squeeze3A_1257 : f32 to vector<16xf32>
        %mul3A_1300 = arith.mulf %get3A_1298, %mul3A_1299 : vector<16xf32>
        %swap3A_1301 = arith.index_cast %add3A_1261 : i32 to index
        %swap3A_1302 = arith.constant 48 : index
        %swap3A_1303 = tpu.vector_load %arg15[%swap3A_1301, %swap3A_1302] {strides = array<i32>} : memref<128x128xf32, #tpu.memory_space<vmem>>, vector<1x16xf32>,
        %swap3A_1304 = vector.shape_cast %swap3A_1303 : vector<1x16xf32> to vector<16xf32>
        %swap3A_1305 = vector.shape_cast %mul3A_1300 : vector<16xf32> to vector<1x16xf32>
        tpu.vector_store %arg15[%swap3A_1301, %swap3A_1302], %swap3A_1305 {strides = array<i32>} : memref<128x128xf32, #tpu.memory_space<vmem>>, vector<1x16xf32>,
        %get3A_1306 = arith.index_cast %add3A_1261 : i32 to index
        %get3A_1307 = arith.constant 64 : index
        %get3A_1308 = tpu.vector_load %arg15[%get3A_1306, %get3A_1307] {strides = array<i32>} : memref<128x128xf32, #tpu.memory_space<vmem>>, vector<1x16xf32>,
        %get3A_1309 = vector.shape_cast %get3A_1308 : vector<1x16xf32> to vector<16xf32>
        %mul3A_1310 = vector.broadcast %squeeze3A_1257 : f32 to vector<16xf32>
        %mul3A_1311 = arith.mulf %get3A_1309, %mul3A_1310 : vector<16xf32>
        %swap3A_1312 = arith.index_cast %add3A_1261 : i32 to index
        %swap3A_1313 = arith.constant 64 : index
        %swap3A_1314 = tpu.vector_load %arg15[%swap3A_1312, %swap3A_1313] {strides = array<i32>} : memref<128x128xf32, #tpu.memory_space<vmem>>, vector<1x16xf32>,
        %swap3A_1315 = vector.shape_cast %swap3A_1314 : vector<1x16xf32> to vector<16xf32>
        %swap3A_1316 = vector.shape_cast %mul3A_1311 : vector<16xf32> to vector<1x16xf32>
        tpu.vector_store %arg15[%swap3A_1312, %swap3A_1313], %swap3A_1316 {strides = array<i32>} : memref<128x128xf32, #tpu.memory_space<vmem>>, vector<1x16xf32>,
        %get3A_1317 = arith.index_cast %add3A_1261 : i32 to index
        %get3A_1318 = arith.constant 80 : index
        %get3A_1319 = tpu.vector_load %arg15[%get3A_1317, %get3A_1318] {strides = array<i32>} : memref<128x128xf32, #tpu.memory_space<vmem>>, vector<1x16xf32>,
        %get3A_1320 = vector.shape_cast %get3A_1319 : vector<1x16xf32> to vector<16xf32>
        %mul3A_1321 = vector.broadcast %squeeze3A_1257 : f32 to vector<16xf32>
        %mul3A_1322 = arith.mulf %get3A_1320, %mul3A_1321 : vector<16xf32>
        %swap3A_1323 = arith.index_cast %add3A_1261 : i32 to index
        %swap3A_1324 = arith.constant 80 : index
        %swap3A_1325 = tpu.vector_load %arg15[%swap3A_1323, %swap3A_1324] {strides = array<i32>} : memref<128x128xf32, #tpu.memory_space<vmem>>, vector<1x16xf32>,
        %swap3A_1326 = vector.shape_cast %swap3A_1325 : vector<1x16xf32> to vector<16xf32>
        %swap3A_1327 = vector.shape_cast %mul3A_1322 : vector<16xf32> to vector<1x16xf32>
        tpu.vector_store %arg15[%swap3A_1323, %swap3A_1324], %swap3A_1327 {strides = array<i32>} : memref<128x128xf32, #tpu.memory_space<vmem>>, vector<1x16xf32>,
        %get3A_1328 = arith.index_cast %add3A_1261 : i32 to index
        %get3A_1329 = arith.constant 96 : index
        %get3A_1330 = tpu.vector_load %arg15[%get3A_1328, %get3A_1329] {strides = array<i32>} : memref<128x128xf32, #tpu.memory_space<vmem>>, vector<1x16xf32>,
        %get3A_1331 = vector.shape_cast %get3A_1330 : vector<1x16xf32> to vector<16xf32>
        %mul3A_1332 = vector.broadcast %squeeze3A_1257 : f32 to vector<16xf32>
        %mul3A_1333 = arith.mulf %get3A_1331, %mul3A_1332 : vector<16xf32>
        %swap3A_1334 = arith.index_cast %add3A_1261 : i32 to index
        %swap3A_1335 = arith.constant 96 : index
        %swap3A_1336 = tpu.vector_load %arg15[%swap3A_1334, %swap3A_1335] {strides = array<i32>} : memref<128x128xf32, #tpu.memory_space<vmem>>, vector<1x16xf32>,
        %swap3A_1337 = vector.shape_cast %swap3A_1336 : vector<1x16xf32> to vector<16xf32>
        %swap3A_1338 = vector.shape_cast %mul3A_1333 : vector<16xf32> to vector<1x16xf32>
        tpu.vector_store %arg15[%swap3A_1334, %swap3A_1335], %swap3A_1338 {strides = array<i32>} : memref<128x128xf32, #tpu.memory_space<vmem>>, vector<1x16xf32>,
        %get3A_1339 = arith.index_cast %add3A_1261 : i32 to index
        %get3A_1340 = arith.constant 112 : index
        %get3A_1341 = tpu.vector_load %arg15[%get3A_1339, %get3A_1340] {strides = array<i32>} : memref<128x128xf32, #tpu.memory_space<vmem>>, vector<1x16xf32>,
        %get3A_1342 = vector.shape_cast %get3A_1341 : vector<1x16xf32> to vector<16xf32>
        %mul3A_1343 = vector.broadcast %squeeze3A_1257 : f32 to vector<16xf32>
        %mul3A_1344 = arith.mulf %get3A_1342, %mul3A_1343 : vector<16xf32>
        %swap3A_1345 = arith.index_cast %add3A_1261 : i32 to index
        %swap3A_1346 = arith.constant 112 : index
        %swap3A_1347 = tpu.vector_load %arg15[%swap3A_1345, %swap3A_1346] {strides = array<i32>} : memref<128x128xf32, #tpu.memory_space<vmem>>, vector<1x16xf32>,
        %swap3A_1348 = vector.shape_cast %swap3A_1347 : vector<1x16xf32> to vector<16xf32>
        %swap3A_1349 = vector.shape_cast %mul3A_1344 : vector<16xf32> to vector<1x16xf32>
        tpu.vector_store %arg15[%swap3A_1345, %swap3A_1346], %swap3A_1349 {strides = array<i32>} : memref<128x128xf32, #tpu.memory_space<vmem>>, vector<1x16xf32>,
        %slice3A_1350 = vector.extract_strided_slice %get3A_317 {offsets = [11], sizes = [1], strides = [1]} : vector<16xf32> to vector<1xf32>
        %squeeze3A_1351 = vector.extract %slice3A_1350[0] : f32 from vector<1xf32>
        %mul3A_1352 = arith.constant 16 : i32
        %mul3A_1353 = arith.muli %scan3A_311, %mul3A_1352 : i32
        %add3A_1354 = arith.constant 11 : i32
        %add3A_1355 = arith.addi %mul3A_1353, %add3A_1354 : i32
        %get3A_1356 = arith.index_cast %add3A_1355 : i32 to index
        %get3A_1357 = arith.constant 0 : index
        %get3A_1358 = tpu.vector_load %arg15[%get3A_1356, %get3A_1357] {strides = array<i32>} : memref<128x128xf32, #tpu.memory_space<vmem>>, vector<1x16xf32>,
        %get3A_1359 = vector.shape_cast %get3A_1358 : vector<1x16xf32> to vector<16xf32>
        %mul3A_1360 = vector.broadcast %squeeze3A_1351 : f32 to vector<16xf32>
        %mul3A_1361 = arith.mulf %get3A_1359, %mul3A_1360 : vector<16xf32>
        %swap3A_1362 = arith.index_cast %add3A_1355 : i32 to index
        %swap3A_1363 = arith.constant 0 : index
        %swap3A_1364 = tpu.vector_load %arg15[%swap3A_1362, %swap3A_1363] {strides = array<i32>} : memref<128x128xf32, #tpu.memory_space<vmem>>, vector<1x16xf32>,
        %swap3A_1365 = vector.shape_cast %swap3A_1364 : vector<1x16xf32> to vector<16xf32>
        %swap3A_1366 = vector.shape_cast %mul3A_1361 : vector<16xf32> to vector<1x16xf32>
        tpu.vector_store %arg15[%swap3A_1362, %swap3A_1363], %swap3A_1366 {strides = array<i32>} : memref<128x128xf32, #tpu.memory_space<vmem>>, vector<1x16xf32>,
        %get3A_1367 = arith.index_cast %add3A_1355 : i32 to index
        %get3A_1368 = arith.constant 16 : index
        %get3A_1369 = tpu.vector_load %arg15[%get3A_1367, %get3A_1368] {strides = array<i32>} : memref<128x128xf32, #tpu.memory_space<vmem>>, vector<1x16xf32>,
        %get3A_1370 = vector.shape_cast %get3A_1369 : vector<1x16xf32> to vector<16xf32>
        %mul3A_1371 = vector.broadcast %squeeze3A_1351 : f32 to vector<16xf32>
        %mul3A_1372 = arith.mulf %get3A_1370, %mul3A_1371 : vector<16xf32>
        %swap3A_1373 = arith.index_cast %add3A_1355 : i32 to index
        %swap3A_1374 = arith.constant 16 : index
        %swap3A_1375 = tpu.vector_load %arg15[%swap3A_1373, %swap3A_1374] {strides = array<i32>} : memref<128x128xf32, #tpu.memory_space<vmem>>, vector<1x16xf32>,
        %swap3A_1376 = vector.shape_cast %swap3A_1375 : vector<1x16xf32> to vector<16xf32>
        %swap3A_1377 = vector.shape_cast %mul3A_1372 : vector<16xf32> to vector<1x16xf32>
        tpu.vector_store %arg15[%swap3A_1373, %swap3A_1374], %swap3A_1377 {strides = array<i32>} : memref<128x128xf32, #tpu.memory_space<vmem>>, vector<1x16xf32>,
        %get3A_1378 = arith.index_cast %add3A_1355 : i32 to index
        %get3A_1379 = arith.constant 32 : index
        %get3A_1380 = tpu.vector_load %arg15[%get3A_1378, %get3A_1379] {strides = array<i32>} : memref<128x128xf32, #tpu.memory_space<vmem>>, vector<1x16xf32>,
        %get3A_1381 = vector.shape_cast %get3A_1380 : vector<1x16xf32> to vector<16xf32>
        %mul3A_1382 = vector.broadcast %squeeze3A_1351 : f32 to vector<16xf32>
        %mul3A_1383 = arith.mulf %get3A_1381, %mul3A_1382 : vector<16xf32>
        %swap3A_1384 = arith.index_cast %add3A_1355 : i32 to index
        %swap3A_1385 = arith.constant 32 : index
        %swap3A_1386 = tpu.vector_load %arg15[%swap3A_1384, %swap3A_1385] {strides = array<i32>} : memref<128x128xf32, #tpu.memory_space<vmem>>, vector<1x16xf32>,
        %swap3A_1387 = vector.shape_cast %swap3A_1386 : vector<1x16xf32> to vector<16xf32>
        %swap3A_1388 = vector.shape_cast %mul3A_1383 : vector<16xf32> to vector<1x16xf32>
        tpu.vector_store %arg15[%swap3A_1384, %swap3A_1385], %swap3A_1388 {strides = array<i32>} : memref<128x128xf32, #tpu.memory_space<vmem>>, vector<1x16xf32>,
        %get3A_1389 = arith.index_cast %add3A_1355 : i32 to index
        %get3A_1390 = arith.constant 48 : index
        %get3A_1391 = tpu.vector_load %arg15[%get3A_1389, %get3A_1390] {strides = array<i32>} : memref<128x128xf32, #tpu.memory_space<vmem>>, vector<1x16xf32>,
        %get3A_1392 = vector.shape_cast %get3A_1391 : vector<1x16xf32> to vector<16xf32>
        %mul3A_1393 = vector.broadcast %squeeze3A_1351 : f32 to vector<16xf32>
        %mul3A_1394 = arith.mulf %get3A_1392, %mul3A_1393 : vector<16xf32>
        %swap3A_1395 = arith.index_cast %add3A_1355 : i32 to index
        %swap3A_1396 = arith.constant 48 : index
        %swap3A_1397 = tpu.vector_load %arg15[%swap3A_1395, %swap3A_1396] {strides = array<i32>} : memref<128x128xf32, #tpu.memory_space<vmem>>, vector<1x16xf32>,
        %swap3A_1398 = vector.shape_cast %swap3A_1397 : vector<1x16xf32> to vector<16xf32>
        %swap3A_1399 = vector.shape_cast %mul3A_1394 : vector<16xf32> to vector<1x16xf32>
        tpu.vector_store %arg15[%swap3A_1395, %swap3A_1396], %swap3A_1399 {strides = array<i32>} : memref<128x128xf32, #tpu.memory_space<vmem>>, vector<1x16xf32>,
        %get3A_1400 = arith.index_cast %add3A_1355 : i32 to index
        %get3A_1401 = arith.constant 64 : index
        %get3A_1402 = tpu.vector_load %arg15[%get3A_1400, %get3A_1401] {strides = array<i32>} : memref<128x128xf32, #tpu.memory_space<vmem>>, vector<1x16xf32>,
        %get3A_1403 = vector.shape_cast %get3A_1402 : vector<1x16xf32> to vector<16xf32>
        %mul3A_1404 = vector.broadcast %squeeze3A_1351 : f32 to vector<16xf32>
        %mul3A_1405 = arith.mulf %get3A_1403, %mul3A_1404 : vector<16xf32>
        %swap3A_1406 = arith.index_cast %add3A_1355 : i32 to index
        %swap3A_1407 = arith.constant 64 : index
        %swap3A_1408 = tpu.vector_load %arg15[%swap3A_1406, %swap3A_1407] {strides = array<i32>} : memref<128x128xf32, #tpu.memory_space<vmem>>, vector<1x16xf32>,
        %swap3A_1409 = vector.shape_cast %swap3A_1408 : vector<1x16xf32> to vector<16xf32>
        %swap3A_1410 = vector.shape_cast %mul3A_1405 : vector<16xf32> to vector<1x16xf32>
        tpu.vector_store %arg15[%swap3A_1406, %swap3A_1407], %swap3A_1410 {strides = array<i32>} : memref<128x128xf32, #tpu.memory_space<vmem>>, vector<1x16xf32>,
        %get3A_1411 = arith.index_cast %add3A_1355 : i32 to index
        %get3A_1412 = arith.constant 80 : index
        %get3A_1413 = tpu.vector_load %arg15[%get3A_1411, %get3A_1412] {strides = array<i32>} : memref<128x128xf32, #tpu.memory_space<vmem>>, vector<1x16xf32>,
        %get3A_1414 = vector.shape_cast %get3A_1413 : vector<1x16xf32> to vector<16xf32>
        %mul3A_1415 = vector.broadcast %squeeze3A_1351 : f32 to vector<16xf32>
        %mul3A_1416 = arith.mulf %get3A_1414, %mul3A_1415 : vector<16xf32>
        %swap3A_1417 = arith.index_cast %add3A_1355 : i32 to index
        %swap3A_1418 = arith.constant 80 : index
        %swap3A_1419 = tpu.vector_load %arg15[%swap3A_1417, %swap3A_1418] {strides = array<i32>} : memref<128x128xf32, #tpu.memory_space<vmem>>, vector<1x16xf32>,
        %swap3A_1420 = vector.shape_cast %swap3A_1419 : vector<1x16xf32> to vector<16xf32>
        %swap3A_1421 = vector.shape_cast %mul3A_1416 : vector<16xf32> to vector<1x16xf32>
        tpu.vector_store %arg15[%swap3A_1417, %swap3A_1418], %swap3A_1421 {strides = array<i32>} : memref<128x128xf32, #tpu.memory_space<vmem>>, vector<1x16xf32>,
        %get3A_1422 = arith.index_cast %add3A_1355 : i32 to index
        %get3A_1423 = arith.constant 96 : index
        %get3A_1424 = tpu.vector_load %arg15[%get3A_1422, %get3A_1423] {strides = array<i32>} : memref<128x128xf32, #tpu.memory_space<vmem>>, vector<1x16xf32>,
        %get3A_1425 = vector.shape_cast %get3A_1424 : vector<1x16xf32> to vector<16xf32>
        %mul3A_1426 = vector.broadcast %squeeze3A_1351 : f32 to vector<16xf32>
        %mul3A_1427 = arith.mulf %get3A_1425, %mul3A_1426 : vector<16xf32>
        %swap3A_1428 = arith.index_cast %add3A_1355 : i32 to index
        %swap3A_1429 = arith.constant 96 : index
        %swap3A_1430 = tpu.vector_load %arg15[%swap3A_1428, %swap3A_1429] {strides = array<i32>} : memref<128x128xf32, #tpu.memory_space<vmem>>, vector<1x16xf32>,
        %swap3A_1431 = vector.shape_cast %swap3A_1430 : vector<1x16xf32> to vector<16xf32>
        %swap3A_1432 = vector.shape_cast %mul3A_1427 : vector<16xf32> to vector<1x16xf32>
        tpu.vector_store %arg15[%swap3A_1428, %swap3A_1429], %swap3A_1432 {strides = array<i32>} : memref<128x128xf32, #tpu.memory_space<vmem>>, vector<1x16xf32>,
        %get3A_1433 = arith.index_cast %add3A_1355 : i32 to index
        %get3A_1434 = arith.constant 112 : index
        %get3A_1435 = tpu.vector_load %arg15[%get3A_1433, %get3A_1434] {strides = array<i32>} : memref<128x128xf32, #tpu.memory_space<vmem>>, vector<1x16xf32>,
        %get3A_1436 = vector.shape_cast %get3A_1435 : vector<1x16xf32> to vector<16xf32>
        %mul3A_1437 = vector.broadcast %squeeze3A_1351 : f32 to vector<16xf32>
        %mul3A_1438 = arith.mulf %get3A_1436, %mul3A_1437 : vector<16xf32>
        %swap3A_1439 = arith.index_cast %add3A_1355 : i32 to index
        %swap3A_1440 = arith.constant 112 : index
        %swap3A_1441 = tpu.vector_load %arg15[%swap3A_1439, %swap3A_1440] {strides = array<i32>} : memref<128x128xf32, #tpu.memory_space<vmem>>, vector<1x16xf32>,
        %swap3A_1442 = vector.shape_cast %swap3A_1441 : vector<1x16xf32> to vector<16xf32>
        %swap3A_1443 = vector.shape_cast %mul3A_1438 : vector<16xf32> to vector<1x16xf32>
        tpu.vector_store %arg15[%swap3A_1439, %swap3A_1440], %swap3A_1443 {strides = array<i32>} : memref<128x128xf32, #tpu.memory_space<vmem>>, vector<1x16xf32>,
        %slice3A_1444 = vector.extract_strided_slice %get3A_317 {offsets = [12], sizes = [1], strides = [1]} : vector<16xf32> to vector<1xf32>
        %squeeze3A_1445 = vector.extract %slice3A_1444[0] : f32 from vector<1xf32>
        %mul3A_1446 = arith.constant 16 : i32
        %mul3A_1447 = arith.muli %scan3A_311, %mul3A_1446 : i32
        %add3A_1448 = arith.constant 12 : i32
        %add3A_1449 = arith.addi %mul3A_1447, %add3A_1448 : i32
        %get3A_1450 = arith.index_cast %add3A_1449 : i32 to index
        %get3A_1451 = arith.constant 0 : index
        %get3A_1452 = tpu.vector_load %arg15[%get3A_1450, %get3A_1451] {strides = array<i32>} : memref<128x128xf32, #tpu.memory_space<vmem>>, vector<1x16xf32>,
        %get3A_1453 = vector.shape_cast %get3A_1452 : vector<1x16xf32> to vector<16xf32>
        %mul3A_1454 = vector.broadcast %squeeze3A_1445 : f32 to vector<16xf32>
        %mul3A_1455 = arith.mulf %get3A_1453, %mul3A_1454 : vector<16xf32>
        %swap3A_1456 = arith.index_cast %add3A_1449 : i32 to index
        %swap3A_1457 = arith.constant 0 : index
        %swap3A_1458 = tpu.vector_load %arg15[%swap3A_1456, %swap3A_1457] {strides = array<i32>} : memref<128x128xf32, #tpu.memory_space<vmem>>, vector<1x16xf32>,
        %swap3A_1459 = vector.shape_cast %swap3A_1458 : vector<1x16xf32> to vector<16xf32>
        %swap3A_1460 = vector.shape_cast %mul3A_1455 : vector<16xf32> to vector<1x16xf32>
        tpu.vector_store %arg15[%swap3A_1456, %swap3A_1457], %swap3A_1460 {strides = array<i32>} : memref<128x128xf32, #tpu.memory_space<vmem>>, vector<1x16xf32>,
        %get3A_1461 = arith.index_cast %add3A_1449 : i32 to index
        %get3A_1462 = arith.constant 16 : index
        %get3A_1463 = tpu.vector_load %arg15[%get3A_1461, %get3A_1462] {strides = array<i32>} : memref<128x128xf32, #tpu.memory_space<vmem>>, vector<1x16xf32>,
        %get3A_1464 = vector.shape_cast %get3A_1463 : vector<1x16xf32> to vector<16xf32>
        %mul3A_1465 = vector.broadcast %squeeze3A_1445 : f32 to vector<16xf32>
        %mul3A_1466 = arith.mulf %get3A_1464, %mul3A_1465 : vector<16xf32>
        %swap3A_1467 = arith.index_cast %add3A_1449 : i32 to index
        %swap3A_1468 = arith.constant 16 : index
        %swap3A_1469 = tpu.vector_load %arg15[%swap3A_1467, %swap3A_1468] {strides = array<i32>} : memref<128x128xf32, #tpu.memory_space<vmem>>, vector<1x16xf32>,
        %swap3A_1470 = vector.shape_cast %swap3A_1469 : vector<1x16xf32> to vector<16xf32>
        %swap3A_1471 = vector.shape_cast %mul3A_1466 : vector<16xf32> to vector<1x16xf32>
        tpu.vector_store %arg15[%swap3A_1467, %swap3A_1468], %swap3A_1471 {strides = array<i32>} : memref<128x128xf32, #tpu.memory_space<vmem>>, vector<1x16xf32>,
        %get3A_1472 = arith.index_cast %add3A_1449 : i32 to index
        %get3A_1473 = arith.constant 32 : index
        %get3A_1474 = tpu.vector_load %arg15[%get3A_1472, %get3A_1473] {strides = array<i32>} : memref<128x128xf32, #tpu.memory_space<vmem>>, vector<1x16xf32>,
        %get3A_1475 = vector.shape_cast %get3A_1474 : vector<1x16xf32> to vector<16xf32>
        %mul3A_1476 = vector.broadcast %squeeze3A_1445 : f32 to vector<16xf32>
        %mul3A_1477 = arith.mulf %get3A_1475, %mul3A_1476 : vector<16xf32>
        %swap3A_1478 = arith.index_cast %add3A_1449 : i32 to index
        %swap3A_1479 = arith.constant 32 : index
        %swap3A_1480 = tpu.vector_load %arg15[%swap3A_1478, %swap3A_1479] {strides = array<i32>} : memref<128x128xf32, #tpu.memory_space<vmem>>, vector<1x16xf32>,
        %swap3A_1481 = vector.shape_cast %swap3A_1480 : vector<1x16xf32> to vector<16xf32>
        %swap3A_1482 = vector.shape_cast %mul3A_1477 : vector<16xf32> to vector<1x16xf32>
        tpu.vector_store %arg15[%swap3A_1478, %swap3A_1479], %swap3A_1482 {strides = array<i32>} : memref<128x128xf32, #tpu.memory_space<vmem>>, vector<1x16xf32>,
        %get3A_1483 = arith.index_cast %add3A_1449 : i32 to index
        %get3A_1484 = arith.constant 48 : index
        %get3A_1485 = tpu.vector_load %arg15[%get3A_1483, %get3A_1484] {strides = array<i32>} : memref<128x128xf32, #tpu.memory_space<vmem>>, vector<1x16xf32>,
        %get3A_1486 = vector.shape_cast %get3A_1485 : vector<1x16xf32> to vector<16xf32>
        %mul3A_1487 = vector.broadcast %squeeze3A_1445 : f32 to vector<16xf32>
        %mul3A_1488 = arith.mulf %get3A_1486, %mul3A_1487 : vector<16xf32>
        %swap3A_1489 = arith.index_cast %add3A_1449 : i32 to index
        %swap3A_1490 = arith.constant 48 : index
        %swap3A_1491 = tpu.vector_load %arg15[%swap3A_1489, %swap3A_1490] {strides = array<i32>} : memref<128x128xf32, #tpu.memory_space<vmem>>, vector<1x16xf32>,
        %swap3A_1492 = vector.shape_cast %swap3A_1491 : vector<1x16xf32> to vector<16xf32>
        %swap3A_1493 = vector.shape_cast %mul3A_1488 : vector<16xf32> to vector<1x16xf32>
        tpu.vector_store %arg15[%swap3A_1489, %swap3A_1490], %swap3A_1493 {strides = array<i32>} : memref<128x128xf32, #tpu.memory_space<vmem>>, vector<1x16xf32>,
        %get3A_1494 = arith.index_cast %add3A_1449 : i32 to index
        %get3A_1495 = arith.constant 64 : index
        %get3A_1496 = tpu.vector_load %arg15[%get3A_1494, %get3A_1495] {strides = array<i32>} : memref<128x128xf32, #tpu.memory_space<vmem>>, vector<1x16xf32>,
        %get3A_1497 = vector.shape_cast %get3A_1496 : vector<1x16xf32> to vector<16xf32>
        %mul3A_1498 = vector.broadcast %squeeze3A_1445 : f32 to vector<16xf32>
        %mul3A_1499 = arith.mulf %get3A_1497, %mul3A_1498 : vector<16xf32>
        %swap3A_1500 = arith.index_cast %add3A_1449 : i32 to index
        %swap3A_1501 = arith.constant 64 : index
        %swap3A_1502 = tpu.vector_load %arg15[%swap3A_1500, %swap3A_1501] {strides = array<i32>} : memref<128x128xf32, #tpu.memory_space<vmem>>, vector<1x16xf32>,
        %swap3A_1503 = vector.shape_cast %swap3A_1502 : vector<1x16xf32> to vector<16xf32>
        %swap3A_1504 = vector.shape_cast %mul3A_1499 : vector<16xf32> to vector<1x16xf32>
        tpu.vector_store %arg15[%swap3A_1500, %swap3A_1501], %swap3A_1504 {strides = array<i32>} : memref<128x128xf32, #tpu.memory_space<vmem>>, vector<1x16xf32>,
        %get3A_1505 = arith.index_cast %add3A_1449 : i32 to index
        %get3A_1506 = arith.constant 80 : index
        %get3A_1507 = tpu.vector_load %arg15[%get3A_1505, %get3A_1506] {strides = array<i32>} : memref<128x128xf32, #tpu.memory_space<vmem>>, vector<1x16xf32>,
        %get3A_1508 = vector.shape_cast %get3A_1507 : vector<1x16xf32> to vector<16xf32>
        %mul3A_1509 = vector.broadcast %squeeze3A_1445 : f32 to vector<16xf32>
        %mul3A_1510 = arith.mulf %get3A_1508, %mul3A_1509 : vector<16xf32>
        %swap3A_1511 = arith.index_cast %add3A_1449 : i32 to index
        %swap3A_1512 = arith.constant 80 : index
        %swap3A_1513 = tpu.vector_load %arg15[%swap3A_1511, %swap3A_1512] {strides = array<i32>} : memref<128x128xf32, #tpu.memory_space<vmem>>, vector<1x16xf32>,
        %swap3A_1514 = vector.shape_cast %swap3A_1513 : vector<1x16xf32> to vector<16xf32>
        %swap3A_1515 = vector.shape_cast %mul3A_1510 : vector<16xf32> to vector<1x16xf32>
        tpu.vector_store %arg15[%swap3A_1511, %swap3A_1512], %swap3A_1515 {strides = array<i32>} : memref<128x128xf32, #tpu.memory_space<vmem>>, vector<1x16xf32>,
        %get3A_1516 = arith.index_cast %add3A_1449 : i32 to index
        %get3A_1517 = arith.constant 96 : index
        %get3A_1518 = tpu.vector_load %arg15[%get3A_1516, %get3A_1517] {strides = array<i32>} : memref<128x128xf32, #tpu.memory_space<vmem>>, vector<1x16xf32>,
        %get3A_1519 = vector.shape_cast %get3A_1518 : vector<1x16xf32> to vector<16xf32>
        %mul3A_1520 = vector.broadcast %squeeze3A_1445 : f32 to vector<16xf32>
        %mul3A_1521 = arith.mulf %get3A_1519, %mul3A_1520 : vector<16xf32>
        %swap3A_1522 = arith.index_cast %add3A_1449 : i32 to index
        %swap3A_1523 = arith.constant 96 : index
        %swap3A_1524 = tpu.vector_load %arg15[%swap3A_1522, %swap3A_1523] {strides = array<i32>} : memref<128x128xf32, #tpu.memory_space<vmem>>, vector<1x16xf32>,
        %swap3A_1525 = vector.shape_cast %swap3A_1524 : vector<1x16xf32> to vector<16xf32>
        %swap3A_1526 = vector.shape_cast %mul3A_1521 : vector<16xf32> to vector<1x16xf32>
        tpu.vector_store %arg15[%swap3A_1522, %swap3A_1523], %swap3A_1526 {strides = array<i32>} : memref<128x128xf32, #tpu.memory_space<vmem>>, vector<1x16xf32>,
        %get3A_1527 = arith.index_cast %add3A_1449 : i32 to index
        %get3A_1528 = arith.constant 112 : index
        %get3A_1529 = tpu.vector_load %arg15[%get3A_1527, %get3A_1528] {strides = array<i32>} : memref<128x128xf32, #tpu.memory_space<vmem>>, vector<1x16xf32>,
        %get3A_1530 = vector.shape_cast %get3A_1529 : vector<1x16xf32> to vector<16xf32>
        %mul3A_1531 = vector.broadcast %squeeze3A_1445 : f32 to vector<16xf32>
        %mul3A_1532 = arith.mulf %get3A_1530, %mul3A_1531 : vector<16xf32>
        %swap3A_1533 = arith.index_cast %add3A_1449 : i32 to index
        %swap3A_1534 = arith.constant 112 : index
        %swap3A_1535 = tpu.vector_load %arg15[%swap3A_1533, %swap3A_1534] {strides = array<i32>} : memref<128x128xf32, #tpu.memory_space<vmem>>, vector<1x16xf32>,
        %swap3A_1536 = vector.shape_cast %swap3A_1535 : vector<1x16xf32> to vector<16xf32>
        %swap3A_1537 = vector.shape_cast %mul3A_1532 : vector<16xf32> to vector<1x16xf32>
        tpu.vector_store %arg15[%swap3A_1533, %swap3A_1534], %swap3A_1537 {strides = array<i32>} : memref<128x128xf32, #tpu.memory_space<vmem>>, vector<1x16xf32>,
        %slice3A_1538 = vector.extract_strided_slice %get3A_317 {offsets = [13], sizes = [1], strides = [1]} : vector<16xf32> to vector<1xf32>
        %squeeze3A_1539 = vector.extract %slice3A_1538[0] : f32 from vector<1xf32>
        %mul3A_1540 = arith.constant 16 : i32
        %mul3A_1541 = arith.muli %scan3A_311, %mul3A_1540 : i32
        %add3A_1542 = arith.constant 13 : i32
        %add3A_1543 = arith.addi %mul3A_1541, %add3A_1542 : i32
        %get3A_1544 = arith.index_cast %add3A_1543 : i32 to index
        %get3A_1545 = arith.constant 0 : index
        %get3A_1546 = tpu.vector_load %arg15[%get3A_1544, %get3A_1545] {strides = array<i32>} : memref<128x128xf32, #tpu.memory_space<vmem>>, vector<1x16xf32>,
        %get3A_1547 = vector.shape_cast %get3A_1546 : vector<1x16xf32> to vector<16xf32>
        %mul3A_1548 = vector.broadcast %squeeze3A_1539 : f32 to vector<16xf32>
        %mul3A_1549 = arith.mulf %get3A_1547, %mul3A_1548 : vector<16xf32>
        %swap3A_1550 = arith.index_cast %add3A_1543 : i32 to index
        %swap3A_1551 = arith.constant 0 : index
        %swap3A_1552 = tpu.vector_load %arg15[%swap3A_1550, %swap3A_1551] {strides = array<i32>} : memref<128x128xf32, #tpu.memory_space<vmem>>, vector<1x16xf32>,
        %swap3A_1553 = vector.shape_cast %swap3A_1552 : vector<1x16xf32> to vector<16xf32>
        %swap3A_1554 = vector.shape_cast %mul3A_1549 : vector<16xf32> to vector<1x16xf32>
        tpu.vector_store %arg15[%swap3A_1550, %swap3A_1551], %swap3A_1554 {strides = array<i32>} : memref<128x128xf32, #tpu.memory_space<vmem>>, vector<1x16xf32>,
        %get3A_1555 = arith.index_cast %add3A_1543 : i32 to index
        %get3A_1556 = arith.constant 16 : index
        %get3A_1557 = tpu.vector_load %arg15[%get3A_1555, %get3A_1556] {strides = array<i32>} : memref<128x128xf32, #tpu.memory_space<vmem>>, vector<1x16xf32>,
        %get3A_1558 = vector.shape_cast %get3A_1557 : vector<1x16xf32> to vector<16xf32>
        %mul3A_1559 = vector.broadcast %squeeze3A_1539 : f32 to vector<16xf32>
        %mul3A_1560 = arith.mulf %get3A_1558, %mul3A_1559 : vector<16xf32>
        %swap3A_1561 = arith.index_cast %add3A_1543 : i32 to index
        %swap3A_1562 = arith.constant 16 : index
        %swap3A_1563 = tpu.vector_load %arg15[%swap3A_1561, %swap3A_1562] {strides = array<i32>} : memref<128x128xf32, #tpu.memory_space<vmem>>, vector<1x16xf32>,
        %swap3A_1564 = vector.shape_cast %swap3A_1563 : vector<1x16xf32> to vector<16xf32>
        %swap3A_1565 = vector.shape_cast %mul3A_1560 : vector<16xf32> to vector<1x16xf32>
        tpu.vector_store %arg15[%swap3A_1561, %swap3A_1562], %swap3A_1565 {strides = array<i32>} : memref<128x128xf32, #tpu.memory_space<vmem>>, vector<1x16xf32>,
        %get3A_1566 = arith.index_cast %add3A_1543 : i32 to index
        %get3A_1567 = arith.constant 32 : index
        %get3A_1568 = tpu.vector_load %arg15[%get3A_1566, %get3A_1567] {strides = array<i32>} : memref<128x128xf32, #tpu.memory_space<vmem>>, vector<1x16xf32>,
        %get3A_1569 = vector.shape_cast %get3A_1568 : vector<1x16xf32> to vector<16xf32>
        %mul3A_1570 = vector.broadcast %squeeze3A_1539 : f32 to vector<16xf32>
        %mul3A_1571 = arith.mulf %get3A_1569, %mul3A_1570 : vector<16xf32>
        %swap3A_1572 = arith.index_cast %add3A_1543 : i32 to index
        %swap3A_1573 = arith.constant 32 : index
        %swap3A_1574 = tpu.vector_load %arg15[%swap3A_1572, %swap3A_1573] {strides = array<i32>} : memref<128x128xf32, #tpu.memory_space<vmem>>, vector<1x16xf32>,
        %swap3A_1575 = vector.shape_cast %swap3A_1574 : vector<1x16xf32> to vector<16xf32>
        %swap3A_1576 = vector.shape_cast %mul3A_1571 : vector<16xf32> to vector<1x16xf32>
        tpu.vector_store %arg15[%swap3A_1572, %swap3A_1573], %swap3A_1576 {strides = array<i32>} : memref<128x128xf32, #tpu.memory_space<vmem>>, vector<1x16xf32>,
        %get3A_1577 = arith.index_cast %add3A_1543 : i32 to index
        %get3A_1578 = arith.constant 48 : index
        %get3A_1579 = tpu.vector_load %arg15[%get3A_1577, %get3A_1578] {strides = array<i32>} : memref<128x128xf32, #tpu.memory_space<vmem>>, vector<1x16xf32>,
        %get3A_1580 = vector.shape_cast %get3A_1579 : vector<1x16xf32> to vector<16xf32>
        %mul3A_1581 = vector.broadcast %squeeze3A_1539 : f32 to vector<16xf32>
        %mul3A_1582 = arith.mulf %get3A_1580, %mul3A_1581 : vector<16xf32>
        %swap3A_1583 = arith.index_cast %add3A_1543 : i32 to index
        %swap3A_1584 = arith.constant 48 : index
        %swap3A_1585 = tpu.vector_load %arg15[%swap3A_1583, %swap3A_1584] {strides = array<i32>} : memref<128x128xf32, #tpu.memory_space<vmem>>, vector<1x16xf32>,
        %swap3A_1586 = vector.shape_cast %swap3A_1585 : vector<1x16xf32> to vector<16xf32>
        %swap3A_1587 = vector.shape_cast %mul3A_1582 : vector<16xf32> to vector<1x16xf32>
        tpu.vector_store %arg15[%swap3A_1583, %swap3A_1584], %swap3A_1587 {strides = array<i32>} : memref<128x128xf32, #tpu.memory_space<vmem>>, vector<1x16xf32>,
        %get3A_1588 = arith.index_cast %add3A_1543 : i32 to index
        %get3A_1589 = arith.constant 64 : index
        %get3A_1590 = tpu.vector_load %arg15[%get3A_1588, %get3A_1589] {strides = array<i32>} : memref<128x128xf32, #tpu.memory_space<vmem>>, vector<1x16xf32>,
        %get3A_1591 = vector.shape_cast %get3A_1590 : vector<1x16xf32> to vector<16xf32>
        %mul3A_1592 = vector.broadcast %squeeze3A_1539 : f32 to vector<16xf32>
        %mul3A_1593 = arith.mulf %get3A_1591, %mul3A_1592 : vector<16xf32>
        %swap3A_1594 = arith.index_cast %add3A_1543 : i32 to index
        %swap3A_1595 = arith.constant 64 : index
        %swap3A_1596 = tpu.vector_load %arg15[%swap3A_1594, %swap3A_1595] {strides = array<i32>} : memref<128x128xf32, #tpu.memory_space<vmem>>, vector<1x16xf32>,
        %swap3A_1597 = vector.shape_cast %swap3A_1596 : vector<1x16xf32> to vector<16xf32>
        %swap3A_1598 = vector.shape_cast %mul3A_1593 : vector<16xf32> to vector<1x16xf32>
        tpu.vector_store %arg15[%swap3A_1594, %swap3A_1595], %swap3A_1598 {strides = array<i32>} : memref<128x128xf32, #tpu.memory_space<vmem>>, vector<1x16xf32>,
        %get3A_1599 = arith.index_cast %add3A_1543 : i32 to index
        %get3A_1600 = arith.constant 80 : index
        %get3A_1601 = tpu.vector_load %arg15[%get3A_1599, %get3A_1600] {strides = array<i32>} : memref<128x128xf32, #tpu.memory_space<vmem>>, vector<1x16xf32>,
        %get3A_1602 = vector.shape_cast %get3A_1601 : vector<1x16xf32> to vector<16xf32>
        %mul3A_1603 = vector.broadcast %squeeze3A_1539 : f32 to vector<16xf32>
        %mul3A_1604 = arith.mulf %get3A_1602, %mul3A_1603 : vector<16xf32>
        %swap3A_1605 = arith.index_cast %add3A_1543 : i32 to index
        %swap3A_1606 = arith.constant 80 : index
        %swap3A_1607 = tpu.vector_load %arg15[%swap3A_1605, %swap3A_1606] {strides = array<i32>} : memref<128x128xf32, #tpu.memory_space<vmem>>, vector<1x16xf32>,
        %swap3A_1608 = vector.shape_cast %swap3A_1607 : vector<1x16xf32> to vector<16xf32>
        %swap3A_1609 = vector.shape_cast %mul3A_1604 : vector<16xf32> to vector<1x16xf32>
        tpu.vector_store %arg15[%swap3A_1605, %swap3A_1606], %swap3A_1609 {strides = array<i32>} : memref<128x128xf32, #tpu.memory_space<vmem>>, vector<1x16xf32>,
        %get3A_1610 = arith.index_cast %add3A_1543 : i32 to index
        %get3A_1611 = arith.constant 96 : index
        %get3A_1612 = tpu.vector_load %arg15[%get3A_1610, %get3A_1611] {strides = array<i32>} : memref<128x128xf32, #tpu.memory_space<vmem>>, vector<1x16xf32>,
        %get3A_1613 = vector.shape_cast %get3A_1612 : vector<1x16xf32> to vector<16xf32>
        %mul3A_1614 = vector.broadcast %squeeze3A_1539 : f32 to vector<16xf32>
        %mul3A_1615 = arith.mulf %get3A_1613, %mul3A_1614 : vector<16xf32>
        %swap3A_1616 = arith.index_cast %add3A_1543 : i32 to index
        %swap3A_1617 = arith.constant 96 : index
        %swap3A_1618 = tpu.vector_load %arg15[%swap3A_1616, %swap3A_1617] {strides = array<i32>} : memref<128x128xf32, #tpu.memory_space<vmem>>, vector<1x16xf32>,
        %swap3A_1619 = vector.shape_cast %swap3A_1618 : vector<1x16xf32> to vector<16xf32>
        %swap3A_1620 = vector.shape_cast %mul3A_1615 : vector<16xf32> to vector<1x16xf32>
        tpu.vector_store %arg15[%swap3A_1616, %swap3A_1617], %swap3A_1620 {strides = array<i32>} : memref<128x128xf32, #tpu.memory_space<vmem>>, vector<1x16xf32>,
        %get3A_1621 = arith.index_cast %add3A_1543 : i32 to index
        %get3A_1622 = arith.constant 112 : index
        %get3A_1623 = tpu.vector_load %arg15[%get3A_1621, %get3A_1622] {strides = array<i32>} : memref<128x128xf32, #tpu.memory_space<vmem>>, vector<1x16xf32>,
        %get3A_1624 = vector.shape_cast %get3A_1623 : vector<1x16xf32> to vector<16xf32>
        %mul3A_1625 = vector.broadcast %squeeze3A_1539 : f32 to vector<16xf32>
        %mul3A_1626 = arith.mulf %get3A_1624, %mul3A_1625 : vector<16xf32>
        %swap3A_1627 = arith.index_cast %add3A_1543 : i32 to index
        %swap3A_1628 = arith.constant 112 : index
        %swap3A_1629 = tpu.vector_load %arg15[%swap3A_1627, %swap3A_1628] {strides = array<i32>} : memref<128x128xf32, #tpu.memory_space<vmem>>, vector<1x16xf32>,
        %swap3A_1630 = vector.shape_cast %swap3A_1629 : vector<1x16xf32> to vector<16xf32>
        %swap3A_1631 = vector.shape_cast %mul3A_1626 : vector<16xf32> to vector<1x16xf32>
        tpu.vector_store %arg15[%swap3A_1627, %swap3A_1628], %swap3A_1631 {strides = array<i32>} : memref<128x128xf32, #tpu.memory_space<vmem>>, vector<1x16xf32>,
        %slice3A_1632 = vector.extract_strided_slice %get3A_317 {offsets = [14], sizes = [1], strides = [1]} : vector<16xf32> to vector<1xf32>
        %squeeze3A_1633 = vector.extract %slice3A_1632[0] : f32 from vector<1xf32>
        %mul3A_1634 = arith.constant 16 : i32
        %mul3A_1635 = arith.muli %scan3A_311, %mul3A_1634 : i32
        %add3A_1636 = arith.constant 14 : i32
        %add3A_1637 = arith.addi %mul3A_1635, %add3A_1636 : i32
        %get3A_1638 = arith.index_cast %add3A_1637 : i32 to index
        %get3A_1639 = arith.constant 0 : index
        %get3A_1640 = tpu.vector_load %arg15[%get3A_1638, %get3A_1639] {strides = array<i32>} : memref<128x128xf32, #tpu.memory_space<vmem>>, vector<1x16xf32>,
        %get3A_1641 = vector.shape_cast %get3A_1640 : vector<1x16xf32> to vector<16xf32>
        %mul3A_1642 = vector.broadcast %squeeze3A_1633 : f32 to vector<16xf32>
        %mul3A_1643 = arith.mulf %get3A_1641, %mul3A_1642 : vector<16xf32>
        %swap3A_1644 = arith.index_cast %add3A_1637 : i32 to index
        %swap3A_1645 = arith.constant 0 : index
        %swap3A_1646 = tpu.vector_load %arg15[%swap3A_1644, %swap3A_1645] {strides = array<i32>} : memref<128x128xf32, #tpu.memory_space<vmem>>, vector<1x16xf32>,
        %swap3A_1647 = vector.shape_cast %swap3A_1646 : vector<1x16xf32> to vector<16xf32>
        %swap3A_1648 = vector.shape_cast %mul3A_1643 : vector<16xf32> to vector<1x16xf32>
        tpu.vector_store %arg15[%swap3A_1644, %swap3A_1645], %swap3A_1648 {strides = array<i32>} : memref<128x128xf32, #tpu.memory_space<vmem>>, vector<1x16xf32>,
        %get3A_1649 = arith.index_cast %add3A_1637 : i32 to index
        %get3A_1650 = arith.constant 16 : index
        %get3A_1651 = tpu.vector_load %arg15[%get3A_1649, %get3A_1650] {strides = array<i32>} : memref<128x128xf32, #tpu.memory_space<vmem>>, vector<1x16xf32>,
        %get3A_1652 = vector.shape_cast %get3A_1651 : vector<1x16xf32> to vector<16xf32>
        %mul3A_1653 = vector.broadcast %squeeze3A_1633 : f32 to vector<16xf32>
        %mul3A_1654 = arith.mulf %get3A_1652, %mul3A_1653 : vector<16xf32>
        %swap3A_1655 = arith.index_cast %add3A_1637 : i32 to index
        %swap3A_1656 = arith.constant 16 : index
        %swap3A_1657 = tpu.vector_load %arg15[%swap3A_1655, %swap3A_1656] {strides = array<i32>} : memref<128x128xf32, #tpu.memory_space<vmem>>, vector<1x16xf32>,
        %swap3A_1658 = vector.shape_cast %swap3A_1657 : vector<1x16xf32> to vector<16xf32>
        %swap3A_1659 = vector.shape_cast %mul3A_1654 : vector<16xf32> to vector<1x16xf32>
        tpu.vector_store %arg15[%swap3A_1655, %swap3A_1656], %swap3A_1659 {strides = array<i32>} : memref<128x128xf32, #tpu.memory_space<vmem>>, vector<1x16xf32>,
        %get3A_1660 = arith.index_cast %add3A_1637 : i32 to index
        %get3A_1661 = arith.constant 32 : index
        %get3A_1662 = tpu.vector_load %arg15[%get3A_1660, %get3A_1661] {strides = array<i32>} : memref<128x128xf32, #tpu.memory_space<vmem>>, vector<1x16xf32>,
        %get3A_1663 = vector.shape_cast %get3A_1662 : vector<1x16xf32> to vector<16xf32>
        %mul3A_1664 = vector.broadcast %squeeze3A_1633 : f32 to vector<16xf32>
        %mul3A_1665 = arith.mulf %get3A_1663, %mul3A_1664 : vector<16xf32>
        %swap3A_1666 = arith.index_cast %add3A_1637 : i32 to index
        %swap3A_1667 = arith.constant 32 : index
        %swap3A_1668 = tpu.vector_load %arg15[%swap3A_1666, %swap3A_1667] {strides = array<i32>} : memref<128x128xf32, #tpu.memory_space<vmem>>, vector<1x16xf32>,
        %swap3A_1669 = vector.shape_cast %swap3A_1668 : vector<1x16xf32> to vector<16xf32>
        %swap3A_1670 = vector.shape_cast %mul3A_1665 : vector<16xf32> to vector<1x16xf32>
        tpu.vector_store %arg15[%swap3A_1666, %swap3A_1667], %swap3A_1670 {strides = array<i32>} : memref<128x128xf32, #tpu.memory_space<vmem>>, vector<1x16xf32>,
        %get3A_1671 = arith.index_cast %add3A_1637 : i32 to index
        %get3A_1672 = arith.constant 48 : index
        %get3A_1673 = tpu.vector_load %arg15[%get3A_1671, %get3A_1672] {strides = array<i32>} : memref<128x128xf32, #tpu.memory_space<vmem>>, vector<1x16xf32>,
        %get3A_1674 = vector.shape_cast %get3A_1673 : vector<1x16xf32> to vector<16xf32>
        %mul3A_1675 = vector.broadcast %squeeze3A_1633 : f32 to vector<16xf32>
        %mul3A_1676 = arith.mulf %get3A_1674, %mul3A_1675 : vector<16xf32>
        %swap3A_1677 = arith.index_cast %add3A_1637 : i32 to index
        %swap3A_1678 = arith.constant 48 : index
        %swap3A_1679 = tpu.vector_load %arg15[%swap3A_1677, %swap3A_1678] {strides = array<i32>} : memref<128x128xf32, #tpu.memory_space<vmem>>, vector<1x16xf32>,
        %swap3A_1680 = vector.shape_cast %swap3A_1679 : vector<1x16xf32> to vector<16xf32>
        %swap3A_1681 = vector.shape_cast %mul3A_1676 : vector<16xf32> to vector<1x16xf32>
        tpu.vector_store %arg15[%swap3A_1677, %swap3A_1678], %swap3A_1681 {strides = array<i32>} : memref<128x128xf32, #tpu.memory_space<vmem>>, vector<1x16xf32>,
        %get3A_1682 = arith.index_cast %add3A_1637 : i32 to index
        %get3A_1683 = arith.constant 64 : index
        %get3A_1684 = tpu.vector_load %arg15[%get3A_1682, %get3A_1683] {strides = array<i32>} : memref<128x128xf32, #tpu.memory_space<vmem>>, vector<1x16xf32>,
        %get3A_1685 = vector.shape_cast %get3A_1684 : vector<1x16xf32> to vector<16xf32>
        %mul3A_1686 = vector.broadcast %squeeze3A_1633 : f32 to vector<16xf32>
        %mul3A_1687 = arith.mulf %get3A_1685, %mul3A_1686 : vector<16xf32>
        %swap3A_1688 = arith.index_cast %add3A_1637 : i32 to index
        %swap3A_1689 = arith.constant 64 : index
        %swap3A_1690 = tpu.vector_load %arg15[%swap3A_1688, %swap3A_1689] {strides = array<i32>} : memref<128x128xf32, #tpu.memory_space<vmem>>, vector<1x16xf32>,
        %swap3A_1691 = vector.shape_cast %swap3A_1690 : vector<1x16xf32> to vector<16xf32>
        %swap3A_1692 = vector.shape_cast %mul3A_1687 : vector<16xf32> to vector<1x16xf32>
        tpu.vector_store %arg15[%swap3A_1688, %swap3A_1689], %swap3A_1692 {strides = array<i32>} : memref<128x128xf32, #tpu.memory_space<vmem>>, vector<1x16xf32>,
        %get3A_1693 = arith.index_cast %add3A_1637 : i32 to index
        %get3A_1694 = arith.constant 80 : index
        %get3A_1695 = tpu.vector_load %arg15[%get3A_1693, %get3A_1694] {strides = array<i32>} : memref<128x128xf32, #tpu.memory_space<vmem>>, vector<1x16xf32>,
        %get3A_1696 = vector.shape_cast %get3A_1695 : vector<1x16xf32> to vector<16xf32>
        %mul3A_1697 = vector.broadcast %squeeze3A_1633 : f32 to vector<16xf32>
        %mul3A_1698 = arith.mulf %get3A_1696, %mul3A_1697 : vector<16xf32>
        %swap3A_1699 = arith.index_cast %add3A_1637 : i32 to index
        %swap3A_1700 = arith.constant 80 : index
        %swap3A_1701 = tpu.vector_load %arg15[%swap3A_1699, %swap3A_1700] {strides = array<i32>} : memref<128x128xf32, #tpu.memory_space<vmem>>, vector<1x16xf32>,
        %swap3A_1702 = vector.shape_cast %swap3A_1701 : vector<1x16xf32> to vector<16xf32>
        %swap3A_1703 = vector.shape_cast %mul3A_1698 : vector<16xf32> to vector<1x16xf32>
        tpu.vector_store %arg15[%swap3A_1699, %swap3A_1700], %swap3A_1703 {strides = array<i32>} : memref<128x128xf32, #tpu.memory_space<vmem>>, vector<1x16xf32>,
        %get3A_1704 = arith.index_cast %add3A_1637 : i32 to index
        %get3A_1705 = arith.constant 96 : index
        %get3A_1706 = tpu.vector_load %arg15[%get3A_1704, %get3A_1705] {strides = array<i32>} : memref<128x128xf32, #tpu.memory_space<vmem>>, vector<1x16xf32>,
        %get3A_1707 = vector.shape_cast %get3A_1706 : vector<1x16xf32> to vector<16xf32>
        %mul3A_1708 = vector.broadcast %squeeze3A_1633 : f32 to vector<16xf32>
        %mul3A_1709 = arith.mulf %get3A_1707, %mul3A_1708 : vector<16xf32>
        %swap3A_1710 = arith.index_cast %add3A_1637 : i32 to index
        %swap3A_1711 = arith.constant 96 : index
        %swap3A_1712 = tpu.vector_load %arg15[%swap3A_1710, %swap3A_1711] {strides = array<i32>} : memref<128x128xf32, #tpu.memory_space<vmem>>, vector<1x16xf32>,
        %swap3A_1713 = vector.shape_cast %swap3A_1712 : vector<1x16xf32> to vector<16xf32>
        %swap3A_1714 = vector.shape_cast %mul3A_1709 : vector<16xf32> to vector<1x16xf32>
        tpu.vector_store %arg15[%swap3A_1710, %swap3A_1711], %swap3A_1714 {strides = array<i32>} : memref<128x128xf32, #tpu.memory_space<vmem>>, vector<1x16xf32>,
        %get3A_1715 = arith.index_cast %add3A_1637 : i32 to index
        %get3A_1716 = arith.constant 112 : index
        %get3A_1717 = tpu.vector_load %arg15[%get3A_1715, %get3A_1716] {strides = array<i32>} : memref<128x128xf32, #tpu.memory_space<vmem>>, vector<1x16xf32>,
        %get3A_1718 = vector.shape_cast %get3A_1717 : vector<1x16xf32> to vector<16xf32>
        %mul3A_1719 = vector.broadcast %squeeze3A_1633 : f32 to vector<16xf32>
        %mul3A_1720 = arith.mulf %get3A_1718, %mul3A_1719 : vector<16xf32>
        %swap3A_1721 = arith.index_cast %add3A_1637 : i32 to index
        %swap3A_1722 = arith.constant 112 : index
        %swap3A_1723 = tpu.vector_load %arg15[%swap3A_1721, %swap3A_1722] {strides = array<i32>} : memref<128x128xf32, #tpu.memory_space<vmem>>, vector<1x16xf32>,
        %swap3A_1724 = vector.shape_cast %swap3A_1723 : vector<1x16xf32> to vector<16xf32>
        %swap3A_1725 = vector.shape_cast %mul3A_1720 : vector<16xf32> to vector<1x16xf32>
        tpu.vector_store %arg15[%swap3A_1721, %swap3A_1722], %swap3A_1725 {strides = array<i32>} : memref<128x128xf32, #tpu.memory_space<vmem>>, vector<1x16xf32>,
        %slice3A_1726 = vector.extract_strided_slice %get3A_317 {offsets = [15], sizes = [1], strides = [1]} : vector<16xf32> to vector<1xf32>
        %squeeze3A_1727 = vector.extract %slice3A_1726[0] : f32 from vector<1xf32>
        %mul3A_1728 = arith.constant 16 : i32
        %mul3A_1729 = arith.muli %scan3A_311, %mul3A_1728 : i32
        %add3A_1730 = arith.constant 15 : i32
        %add3A_1731 = arith.addi %mul3A_1729, %add3A_1730 : i32
        %get3A_1732 = arith.index_cast %add3A_1731 : i32 to index
        %get3A_1733 = arith.constant 0 : index
        %get3A_1734 = tpu.vector_load %arg15[%get3A_1732, %get3A_1733] {strides = array<i32>} : memref<128x128xf32, #tpu.memory_space<vmem>>, vector<1x16xf32>,
        %get3A_1735 = vector.shape_cast %get3A_1734 : vector<1x16xf32> to vector<16xf32>
        %mul3A_1736 = vector.broadcast %squeeze3A_1727 : f32 to vector<16xf32>
        %mul3A_1737 = arith.mulf %get3A_1735, %mul3A_1736 : vector<16xf32>
        %swap3A_1738 = arith.index_cast %add3A_1731 : i32 to index
        %swap3A_1739 = arith.constant 0 : index
        %swap3A_1740 = tpu.vector_load %arg15[%swap3A_1738, %swap3A_1739] {strides = array<i32>} : memref<128x128xf32, #tpu.memory_space<vmem>>, vector<1x16xf32>,
        %swap3A_1741 = vector.shape_cast %swap3A_1740 : vector<1x16xf32> to vector<16xf32>
        %swap3A_1742 = vector.shape_cast %mul3A_1737 : vector<16xf32> to vector<1x16xf32>
        tpu.vector_store %arg15[%swap3A_1738, %swap3A_1739], %swap3A_1742 {strides = array<i32>} : memref<128x128xf32, #tpu.memory_space<vmem>>, vector<1x16xf32>,
        %get3A_1743 = arith.index_cast %add3A_1731 : i32 to index
        %get3A_1744 = arith.constant 16 : index
        %get3A_1745 = tpu.vector_load %arg15[%get3A_1743, %get3A_1744] {strides = array<i32>} : memref<128x128xf32, #tpu.memory_space<vmem>>, vector<1x16xf32>,
        %get3A_1746 = vector.shape_cast %get3A_1745 : vector<1x16xf32> to vector<16xf32>
        %mul3A_1747 = vector.broadcast %squeeze3A_1727 : f32 to vector<16xf32>
        %mul3A_1748 = arith.mulf %get3A_1746, %mul3A_1747 : vector<16xf32>
        %swap3A_1749 = arith.index_cast %add3A_1731 : i32 to index
        %swap3A_1750 = arith.constant 16 : index
        %swap3A_1751 = tpu.vector_load %arg15[%swap3A_1749, %swap3A_1750] {strides = array<i32>} : memref<128x128xf32, #tpu.memory_space<vmem>>, vector<1x16xf32>,
        %swap3A_1752 = vector.shape_cast %swap3A_1751 : vector<1x16xf32> to vector<16xf32>
        %swap3A_1753 = vector.shape_cast %mul3A_1748 : vector<16xf32> to vector<1x16xf32>
        tpu.vector_store %arg15[%swap3A_1749, %swap3A_1750], %swap3A_1753 {strides = array<i32>} : memref<128x128xf32, #tpu.memory_space<vmem>>, vector<1x16xf32>,
        %get3A_1754 = arith.index_cast %add3A_1731 : i32 to index
        %get3A_1755 = arith.constant 32 : index
        %get3A_1756 = tpu.vector_load %arg15[%get3A_1754, %get3A_1755] {strides = array<i32>} : memref<128x128xf32, #tpu.memory_space<vmem>>, vector<1x16xf32>,
        %get3A_1757 = vector.shape_cast %get3A_1756 : vector<1x16xf32> to vector<16xf32>
        %mul3A_1758 = vector.broadcast %squeeze3A_1727 : f32 to vector<16xf32>
        %mul3A_1759 = arith.mulf %get3A_1757, %mul3A_1758 : vector<16xf32>
        %swap3A_1760 = arith.index_cast %add3A_1731 : i32 to index
        %swap3A_1761 = arith.constant 32 : index
        %swap3A_1762 = tpu.vector_load %arg15[%swap3A_1760, %swap3A_1761] {strides = array<i32>} : memref<128x128xf32, #tpu.memory_space<vmem>>, vector<1x16xf32>,
        %swap3A_1763 = vector.shape_cast %swap3A_1762 : vector<1x16xf32> to vector<16xf32>
        %swap3A_1764 = vector.shape_cast %mul3A_1759 : vector<16xf32> to vector<1x16xf32>
        tpu.vector_store %arg15[%swap3A_1760, %swap3A_1761], %swap3A_1764 {strides = array<i32>} : memref<128x128xf32, #tpu.memory_space<vmem>>, vector<1x16xf32>,
        %get3A_1765 = arith.index_cast %add3A_1731 : i32 to index
        %get3A_1766 = arith.constant 48 : index
        %get3A_1767 = tpu.vector_load %arg15[%get3A_1765, %get3A_1766] {strides = array<i32>} : memref<128x128xf32, #tpu.memory_space<vmem>>, vector<1x16xf32>,
        %get3A_1768 = vector.shape_cast %get3A_1767 : vector<1x16xf32> to vector<16xf32>
        %mul3A_1769 = vector.broadcast %squeeze3A_1727 : f32 to vector<16xf32>
        %mul3A_1770 = arith.mulf %get3A_1768, %mul3A_1769 : vector<16xf32>
        %swap3A_1771 = arith.index_cast %add3A_1731 : i32 to index
        %swap3A_1772 = arith.constant 48 : index
        %swap3A_1773 = tpu.vector_load %arg15[%swap3A_1771, %swap3A_1772] {strides = array<i32>} : memref<128x128xf32, #tpu.memory_space<vmem>>, vector<1x16xf32>,
        %swap3A_1774 = vector.shape_cast %swap3A_1773 : vector<1x16xf32> to vector<16xf32>
        %swap3A_1775 = vector.shape_cast %mul3A_1770 : vector<16xf32> to vector<1x16xf32>
        tpu.vector_store %arg15[%swap3A_1771, %swap3A_1772], %swap3A_1775 {strides = array<i32>} : memref<128x128xf32, #tpu.memory_space<vmem>>, vector<1x16xf32>,
        %get3A_1776 = arith.index_cast %add3A_1731 : i32 to index
        %get3A_1777 = arith.constant 64 : index
        %get3A_1778 = tpu.vector_load %arg15[%get3A_1776, %get3A_1777] {strides = array<i32>} : memref<128x128xf32, #tpu.memory_space<vmem>>, vector<1x16xf32>,
        %get3A_1779 = vector.shape_cast %get3A_1778 : vector<1x16xf32> to vector<16xf32>
        %mul3A_1780 = vector.broadcast %squeeze3A_1727 : f32 to vector<16xf32>
        %mul3A_1781 = arith.mulf %get3A_1779, %mul3A_1780 : vector<16xf32>
        %swap3A_1782 = arith.index_cast %add3A_1731 : i32 to index
        %swap3A_1783 = arith.constant 64 : index
        %swap3A_1784 = tpu.vector_load %arg15[%swap3A_1782, %swap3A_1783] {strides = array<i32>} : memref<128x128xf32, #tpu.memory_space<vmem>>, vector<1x16xf32>,
        %swap3A_1785 = vector.shape_cast %swap3A_1784 : vector<1x16xf32> to vector<16xf32>
        %swap3A_1786 = vector.shape_cast %mul3A_1781 : vector<16xf32> to vector<1x16xf32>
        tpu.vector_store %arg15[%swap3A_1782, %swap3A_1783], %swap3A_1786 {strides = array<i32>} : memref<128x128xf32, #tpu.memory_space<vmem>>, vector<1x16xf32>,
        %get3A_1787 = arith.index_cast %add3A_1731 : i32 to index
        %get3A_1788 = arith.constant 80 : index
        %get3A_1789 = tpu.vector_load %arg15[%get3A_1787, %get3A_1788] {strides = array<i32>} : memref<128x128xf32, #tpu.memory_space<vmem>>, vector<1x16xf32>,
        %get3A_1790 = vector.shape_cast %get3A_1789 : vector<1x16xf32> to vector<16xf32>
        %mul3A_1791 = vector.broadcast %squeeze3A_1727 : f32 to vector<16xf32>
        %mul3A_1792 = arith.mulf %get3A_1790, %mul3A_1791 : vector<16xf32>
        %swap3A_1793 = arith.index_cast %add3A_1731 : i32 to index
        %swap3A_1794 = arith.constant 80 : index
        %swap3A_1795 = tpu.vector_load %arg15[%swap3A_1793, %swap3A_1794] {strides = array<i32>} : memref<128x128xf32, #tpu.memory_space<vmem>>, vector<1x16xf32>,
        %swap3A_1796 = vector.shape_cast %swap3A_1795 : vector<1x16xf32> to vector<16xf32>
        %swap3A_1797 = vector.shape_cast %mul3A_1792 : vector<16xf32> to vector<1x16xf32>
        tpu.vector_store %arg15[%swap3A_1793, %swap3A_1794], %swap3A_1797 {strides = array<i32>} : memref<128x128xf32, #tpu.memory_space<vmem>>, vector<1x16xf32>,
        %get3A_1798 = arith.index_cast %add3A_1731 : i32 to index
        %get3A_1799 = arith.constant 96 : index
        %get3A_1800 = tpu.vector_load %arg15[%get3A_1798, %get3A_1799] {strides = array<i32>} : memref<128x128xf32, #tpu.memory_space<vmem>>, vector<1x16xf32>,
        %get3A_1801 = vector.shape_cast %get3A_1800 : vector<1x16xf32> to vector<16xf32>
        %mul3A_1802 = vector.broadcast %squeeze3A_1727 : f32 to vector<16xf32>
        %mul3A_1803 = arith.mulf %get3A_1801, %mul3A_1802 : vector<16xf32>
        %swap3A_1804 = arith.index_cast %add3A_1731 : i32 to index
        %swap3A_1805 = arith.constant 96 : index
        %swap3A_1806 = tpu.vector_load %arg15[%swap3A_1804, %swap3A_1805] {strides = array<i32>} : memref<128x128xf32, #tpu.memory_space<vmem>>, vector<1x16xf32>,
        %swap3A_1807 = vector.shape_cast %swap3A_1806 : vector<1x16xf32> to vector<16xf32>
        %swap3A_1808 = vector.shape_cast %mul3A_1803 : vector<16xf32> to vector<1x16xf32>
        tpu.vector_store %arg15[%swap3A_1804, %swap3A_1805], %swap3A_1808 {strides = array<i32>} : memref<128x128xf32, #tpu.memory_space<vmem>>, vector<1x16xf32>,
        %get3A_1809 = arith.index_cast %add3A_1731 : i32 to index
        %get3A_1810 = arith.constant 112 : index
        %get3A_1811 = tpu.vector_load %arg15[%get3A_1809, %get3A_1810] {strides = array<i32>} : memref<128x128xf32, #tpu.memory_space<vmem>>, vector<1x16xf32>,
        %get3A_1812 = vector.shape_cast %get3A_1811 : vector<1x16xf32> to vector<16xf32>
        %mul3A_1813 = vector.broadcast %squeeze3A_1727 : f32 to vector<16xf32>
        %mul3A_1814 = arith.mulf %get3A_1812, %mul3A_1813 : vector<16xf32>
        %swap3A_1815 = arith.index_cast %add3A_1731 : i32 to index
        %swap3A_1816 = arith.constant 112 : index
        %swap3A_1817 = tpu.vector_load %arg15[%swap3A_1815, %swap3A_1816] {strides = array<i32>} : memref<128x128xf32, #tpu.memory_space<vmem>>, vector<1x16xf32>,
        %swap3A_1818 = vector.shape_cast %swap3A_1817 : vector<1x16xf32> to vector<16xf32>
        %swap3A_1819 = vector.shape_cast %mul3A_1814 : vector<16xf32> to vector<1x16xf32>
        tpu.vector_store %arg15[%swap3A_1815, %swap3A_1816], %swap3A_1819 {strides = array<i32>} : memref<128x128xf32, #tpu.memory_space<vmem>>, vector<1x16xf32>,
        %scan3A_1820 = arith.constant 0 : i32
        scf.yield %scan3A_1820 : i32
      }
      %scan3A_309 = arith.constant 8 : i32
      "tpu.region"() ({
        %run_scoped3A = tpu.sem_alloc : memref<!tpu.dma_semaphore, #tpu.memory_space<semaphore_mem>>
        %dma_start3A_311 = arith.constant 0 : i32
        %dma_start3A_312 = tpu.memref_slice %arg13[%scan3A_83, %dma_start3A_311] : memref<79x128xi32, #tpu.memory_space<vmem>> -> memref<1x128xi32, #tpu.memory_space<vmem>>
        %dma_start3A_313 = tpu.memref_squeeze %dma_start3A_312 : memref<1x128xi32, #tpu.memory_space<vmem>> -> memref<128xi32, #tpu.memory_space<vmem>>
        %dma_start3A_314 = arith.constant 0 : i32
        %dma_start3A_315 = arith.constant 0 : i32
        %dma_start3A_316 = tpu.memref_slice %arg10[%dma_start3A_314, %dma_start3A_315] : memref<10240x128xf32, #tpu.memory_space<vmem_shared>> -> memref<10240x128xf32, #tpu.memory_space<vmem_shared>>
        tpu.enqueue_indirect_dma source(%arg15 : memref<128x128xf32, #tpu.memory_space<vmem>>) target(%dma_start3A_316 : memref<10240x128xf32, #tpu.memory_space<vmem_shared>>) offsets(%dma_start3A_313 : memref<128xi32, #tpu.memory_space<vmem>>) semaphore(%run_scoped3A : memref<!tpu.dma_semaphore, #tpu.memory_space<semaphore_mem>>) {add = true}
        %dma_wait3A_317 = arith.constant 0 : i32
        %dma_wait3A_318 = tpu.memref_slice %arg13[%scan3A_83, %dma_wait3A_317] : memref<79x128xi32, #tpu.memory_space<vmem>> -> memref<1x128xi32, #tpu.memory_space<vmem>>
        %dma_wait3A_319 = tpu.memref_squeeze %dma_wait3A_318 : memref<1x128xi32, #tpu.memory_space<vmem>> -> memref<128xi32, #tpu.memory_space<vmem>>
        %dma_wait3A_320 = arith.constant 0 : i32
        %dma_wait3A_321 = arith.constant 0 : i32
        %dma_wait3A_322 = tpu.memref_slice %arg10[%dma_wait3A_320, %dma_wait3A_321] : memref<10240x128xf32, #tpu.memory_space<vmem_shared>> -> memref<10240x128xf32, #tpu.memory_space<vmem_shared>>
        tpu.wait_indirect_dma semaphore(%run_scoped3A : memref<!tpu.dma_semaphore, #tpu.memory_space<semaphore_mem>>) src(%arg15 : memref<128x128xf32, #tpu.memory_space<vmem>>) dst(%dma_wait3A_322 : memref<10240x128xf32, #tpu.memory_space<vmem_shared>>)
        tpu.yield
      }) : () -> ()
      "tpu.region"() ({
        %run_scoped3A = tpu.sem_alloc : memref<!tpu.dma_semaphore, #tpu.memory_space<semaphore_mem>>
        %dma_start3A_311 = arith.constant 0 : i32
        %dma_start3A_312 = tpu.memref_slice %arg13[%scan3A_83, %dma_start3A_311] : memref<79x128xi32, #tpu.memory_space<vmem>> -> memref<1x128xi32, #tpu.memory_space<vmem>>
        %dma_start3A_313 = tpu.memref_squeeze %dma_start3A_312 : memref<1x128xi32, #tpu.memory_space<vmem>> -> memref<128xi32, #tpu.memory_space<vmem>>
        %dma_start3A_314 = arith.constant 0 : i32
        %dma_start3A_315 = tpu.memref_slice %arg11[%dma_start3A_314] : memref<10240xf32, #tpu.memory_space<vmem_shared>> -> memref<10240xf32, #tpu.memory_space<vmem_shared>>
        tpu.enqueue_indirect_dma source(%arg16 : memref<128xf32, #tpu.memory_space<vmem>>) target(%dma_start3A_315 : memref<10240xf32, #tpu.memory_space<vmem_shared>>) offsets(%dma_start3A_313 : memref<128xi32, #tpu.memory_space<vmem>>) semaphore(%run_scoped3A : memref<!tpu.dma_semaphore, #tpu.memory_space<semaphore_mem>>) {add = true}
        %dma_wait3A_316 = arith.constant 0 : i32
        %dma_wait3A_317 = tpu.memref_slice %arg13[%scan3A_83, %dma_wait3A_316] : memref<79x128xi32, #tpu.memory_space<vmem>> -> memref<1x128xi32, #tpu.memory_space<vmem>>
        %dma_wait3A_318 = tpu.memref_squeeze %dma_wait3A_317 : memref<1x128xi32, #tpu.memory_space<vmem>> -> memref<128xi32, #tpu.memory_space<vmem>>
        %dma_wait3A_319 = arith.constant 0 : i32
        %dma_wait3A_320 = tpu.memref_slice %arg11[%dma_wait3A_319] : memref<10240xf32, #tpu.memory_space<vmem_shared>> -> memref<10240xf32, #tpu.memory_space<vmem_shared>>
        tpu.wait_indirect_dma semaphore(%run_scoped3A : memref<!tpu.dma_semaphore, #tpu.memory_space<semaphore_mem>>) src(%arg16 : memref<128xf32, #tpu.memory_space<vmem>>) dst(%dma_wait3A_320 : memref<10240xf32, #tpu.memory_space<vmem_shared>>)
        tpu.yield
      }) : () -> ()
      %scan3A_310 = arith.constant 0 : i32
      scf.yield %scan3A_310 : i32
    }
    %scan3A_81 = arith.constant 79 : i32
    %barrier3A_82 = arith.constant 0 : index
    tpu.barrier barrier_id(%barrier3A_82)
    "tpu.region"() ({
      %run_scoped3A = tpu.sem_alloc : memref<!tpu.dma_semaphore, #tpu.memory_space<semaphore_mem>>
      %dma_start3A = arith.constant 0 : i32
      %dma_start3A_83 = tpu.memref_slice %arg8[%arg0, %mul3A_2, %dma_start3A] : memref<2x10240x128xf32, #tpu.memory_space<hbm>> -> memref<1x640x128xf32, #tpu.memory_space<hbm>>
      %dma_start3A_84 = tpu.memref_squeeze %dma_start3A_83 : memref<1x640x128xf32, #tpu.memory_space<hbm>> -> memref<640x128xf32, #tpu.memory_space<hbm>>
      %dma_start3A_85 = arith.constant 0 : i32
      %dma_start3A_86 = tpu.memref_slice %arg10[%mul3A_2, %dma_start3A_85] : memref<10240x128xf32, #tpu.memory_space<vmem_shared>> -> memref<640x128xf32, #tpu.memory_space<vmem_shared>>
      tpu.enqueue_dma source(%dma_start3A_86 : memref<640x128xf32, #tpu.memory_space<vmem_shared>>) target(%dma_start3A_84 : memref<640x128xf32, #tpu.memory_space<hbm>>) target_semaphore(%run_scoped3A : memref<!tpu.dma_semaphore, #tpu.memory_space<semaphore_mem>>)
      %dma_wait3A = arith.constant 0 : i32
      %dma_wait3A_87 = tpu.memref_slice %arg8[%arg0, %mul3A_2, %dma_wait3A] : memref<2x10240x128xf32, #tpu.memory_space<hbm>> -> memref<1x640x128xf32, #tpu.memory_space<hbm>>
      %dma_wait3A_88 = tpu.memref_squeeze %dma_wait3A_87 : memref<1x640x128xf32, #tpu.memory_space<hbm>> -> memref<640x128xf32, #tpu.memory_space<hbm>>
      %dma_wait3A_89 = arith.constant 0 : i32
      %dma_wait3A_90 = tpu.memref_slice %arg10[%mul3A_2, %dma_wait3A_89] : memref<10240x128xf32, #tpu.memory_space<vmem_shared>> -> memref<640x128xf32, #tpu.memory_space<vmem_shared>>
      tpu.wait_dma2 semaphore(%run_scoped3A : memref<!tpu.dma_semaphore, #tpu.memory_space<semaphore_mem>>) src(%dma_wait3A_90 : memref<640x128xf32, #tpu.memory_space<vmem_shared>>) dst(%dma_wait3A_88 : memref<640x128xf32, #tpu.memory_space<hbm>>)
      tpu.yield
    }) : () -> ()
    "tpu.region"() ({
      %run_scoped3A = tpu.sem_alloc : memref<!tpu.dma_semaphore, #tpu.memory_space<semaphore_mem>>
      %dma_start3A = tpu.memref_slice %arg9[%arg0, %mul3A_2] : memref<2x10240xf32, #tpu.memory_space<hbm>> -> memref<1x640xf32, #tpu.memory_space<hbm>>
      %dma_start3A_83 = tpu.memref_squeeze %dma_start3A : memref<1x640xf32, #tpu.memory_space<hbm>> -> memref<640xf32, #tpu.memory_space<hbm>>
      %dma_start3A_84 = tpu.memref_slice %arg11[%mul3A_2] : memref<10240xf32, #tpu.memory_space<vmem_shared>> -> memref<640xf32, #tpu.memory_space<vmem_shared>>
      tpu.enqueue_dma source(%dma_start3A_84 : memref<640xf32, #tpu.memory_space<vmem_shared>>) target(%dma_start3A_83 : memref<640xf32, #tpu.memory_space<hbm>>) target_semaphore(%run_scoped3A : memref<!tpu.dma_semaphore, #tpu.memory_space<semaphore_mem>>)
      %dma_wait3A = tpu.memref_slice %arg9[%arg0, %mul3A_2] : memref<2x10240xf32, #tpu.memory_space<hbm>> -> memref<1x640xf32, #tpu.memory_space<hbm>>
      %dma_wait3A_85 = tpu.memref_squeeze %dma_wait3A : memref<1x640xf32, #tpu.memory_space<hbm>> -> memref<640xf32, #tpu.memory_space<hbm>>
      %dma_wait3A_86 = tpu.memref_slice %arg11[%mul3A_2] : memref<10240xf32, #tpu.memory_space<vmem_shared>> -> memref<640xf32, #tpu.memory_space<vmem_shared>>
      tpu.wait_dma2 semaphore(%run_scoped3A : memref<!tpu.dma_semaphore, #tpu.memory_space<semaphore_mem>>) src(%dma_wait3A_86 : memref<640xf32, #tpu.memory_space<vmem_shared>>) dst(%dma_wait3A_85 : memref<640xf32, #tpu.memory_space<hbm>>)
      tpu.yield
    }) : () -> ()
    return
  }
}

module attributes {stable_mosaic.version = 14 : i64} {
  func.func @_edge_body(%arg0: i32, %arg1: memref<2000x16xf32, #tpu.memory_space<vmem>>, %arg2: memref<128x16xf32, #tpu.memory_space<vmem>>, %arg3: memref<1x128xf32, #tpu.memory_space<vmem>>, %arg4: memref<2000x1xf32, #tpu.memory_space<vmem>>) attributes {dimension_semantics = [#tpu.dimension_semantics<arbitrary>], iteration_bounds = array<i64: 160>, scalar_prefetch = 0 : i64, scratch_operands = 0 : i64, tpu.core_type = #tpu.core_type<tc>, window_params = [{transform_indices = @transform_0, window_bounds = array<i64: 2000, 16>}, {pipeline_mode = #tpu.pipeline_mode<synchronous>, transform_indices = @transform_1, window_bounds = array<i64: 128, 16>}, {pipeline_mode = #tpu.pipeline_mode<synchronous>, transform_indices = @transform_2, window_bounds = array<i64: 1, 128>}, {transform_indices = @transform_3, window_bounds = array<i64: 2000, 1>}]} {
    %get3A = arith.constant 0 : index
    %get3A_0 = arith.constant 0 : index
    %get3A_1 = vector.load %arg2[%get3A, %get3A_0] : memref<128x16xf32, #tpu.memory_space<vmem>>, vector<128x16xf32>
    %get3A_2 = arith.constant 0 : index
    %get3A_3 = arith.constant 0 : index
    %get3A_4 = vector.load %arg3[%get3A_2, %get3A_3] : memref<1x128xf32, #tpu.memory_space<vmem>>, vector<1x128xf32>
    %transpose3A = tpu.transpose %get3A_4, [1, 0] : vector<1x128xf32> -> vector<128x1xf32>
    %mul3A = vector.broadcast %transpose3A : vector<128x1xf32> to vector<128x16xf32>
    %mul3A_5 = arith.mulf %get3A_1, %mul3A : vector<128x16xf32>
    %reduce_sum3A = arith.constant dense<0.000000e+00> : vector<16xf32>
    %reduce_sum3A_6 = vector.multi_reduction <add>, %mul3A_5, %reduce_sum3A [0] : vector<128x16xf32> to vector<16xf32>
    %get3A_7 = arith.constant 0 : index
    %get3A_8 = arith.constant 0 : index
    %get3A_9 = vector.load %arg1[%get3A_7, %get3A_8] : memref<2000x16xf32, #tpu.memory_space<vmem>>, vector<2000x16xf32>
    %broadcast_in_dim3A = vector.shape_cast %reduce_sum3A_6 : vector<16xf32> to vector<1x16xf32>
    %mul3A_10 = vector.broadcast %broadcast_in_dim3A : vector<1x16xf32> to vector<2000x16xf32>
    %mul3A_11 = arith.mulf %get3A_9, %mul3A_10 : vector<2000x16xf32>
    %reduce_sum3A_12 = arith.constant dense<0.000000e+00> : vector<2000xf32>
    %reduce_sum3A_13 = vector.multi_reduction <add>, %mul3A_11, %reduce_sum3A_12 [1] : vector<2000x16xf32> to vector<2000xf32>
    %broadcast_in_dim3A_14 = vector.shape_cast %reduce_sum3A_13 : vector<2000xf32> to vector<2000x1xf32>
    %swap3A = arith.constant 0 : index
    %swap3A_15 = arith.constant 0 : index
    %swap3A_16 = vector.load %arg4[%swap3A, %swap3A_15] : memref<2000x1xf32, #tpu.memory_space<vmem>>, vector<2000x1xf32>
    tpu.vector_store %arg4[%swap3A, %swap3A_15], %broadcast_in_dim3A_14 {strides = array<i32>} : memref<2000x1xf32, #tpu.memory_space<vmem>>, vector<2000x1xf32>,
    return
  }
  func.func @transform_0(%arg0: i32) -> (i32, i32) {
    %c0_i32 = arith.constant 0 : i32
    %c0_i32_0 = arith.constant 0 : i32
    return %arg0, %c0_i32 : i32, i32
  }
  func.func @transform_1(%arg0: i32) -> (i32, i32) {
    %c0_i32 = arith.constant 0 : i32
    %c0_i32_0 = arith.constant 0 : i32
    %c0_i32_1 = arith.constant 0 : i32
    return %c0_i32, %c0_i32_0 : i32, i32
  }
  func.func @transform_2(%arg0: i32) -> (i32, i32) {
    %c0_i32 = arith.constant 0 : i32
    %c0_i32_0 = arith.constant 0 : i32
    %c0_i32_1 = arith.constant 0 : i32
    return %c0_i32, %c0_i32_0 : i32, i32
  }
  func.func @transform_3(%arg0: i32) -> (i32, i32) {
    %c0_i32 = arith.constant 0 : i32
    %c0_i32_0 = arith.constant 0 : i32
    return %arg0, %c0_i32 : i32, i32
  }
}

module attributes {stable_mosaic.version = 14 : i64} {
  func.func @_node_body(%arg0: i32, %arg1: memref<400x128xf32, #tpu.memory_space<vmem>>, %arg2: memref<128x128xf32, #tpu.memory_space<vmem>>, %arg3: memref<1x128xf32, #tpu.memory_space<vmem>>, %arg4: memref<1x128xf32, #tpu.memory_space<vmem>>, %arg5: memref<400x128xf32, #tpu.memory_space<vmem>>, %arg6: memref<400x1xf32, #tpu.memory_space<vmem>>, %arg7: memref<400x1xf32, #tpu.memory_space<vmem>>) attributes {dimension_semantics = [#tpu.dimension_semantics<arbitrary>], iteration_bounds = array<i64: 25>, scalar_prefetch = 0 : i64, scratch_operands = 0 : i64, tpu.core_type = #tpu.core_type<tc>, window_params = [{transform_indices = @transform_0, window_bounds = array<i64: 400, 128>}, {pipeline_mode = #tpu.pipeline_mode<synchronous>, transform_indices = @transform_1, window_bounds = array<i64: 128, 128>}, {pipeline_mode = #tpu.pipeline_mode<synchronous>, transform_indices = @transform_2, window_bounds = array<i64: 1, 128>}, {pipeline_mode = #tpu.pipeline_mode<synchronous>, transform_indices = @transform_3, window_bounds = array<i64: 1, 128>}, {transform_indices = @transform_4, window_bounds = array<i64: 400, 128>}, {transform_indices = @transform_5, window_bounds = array<i64: 400, 1>}, {transform_indices = @transform_6, window_bounds = array<i64: 400, 1>}]} {
    %get3A = arith.constant 0 : index
    %get3A_0 = arith.constant 0 : index
    %get3A_1 = vector.load %arg1[%get3A, %get3A_0] : memref<400x128xf32, #tpu.memory_space<vmem>>, vector<400x128xf32>
    %get3A_2 = arith.constant 0 : index
    %get3A_3 = arith.constant 0 : index
    %get3A_4 = vector.load %arg2[%get3A_2, %get3A_3] : memref<128x128xf32, #tpu.memory_space<vmem>>, vector<128x128xf32>
    %dot_general3A = arith.constant dense<0.000000e+00> : vector<400x128xf32>
    %dot_general3A_5 = tpu.matmul %get3A_1, %get3A_4, %dot_general3A {dimension_numbers = #tpu.dot_dimension_numbers<[1], [1], [0], [0], [0, 0, 1, 0], [], []>, transpose_lhs_hint = false} : vector<400x128xf32>, vector<128x128xf32>, vector<400x128xf32> -> vector<400x128xf32>
    %swap3A = arith.constant 0 : index
    %swap3A_6 = arith.constant 0 : index
    %swap3A_7 = vector.load %arg5[%swap3A, %swap3A_6] : memref<400x128xf32, #tpu.memory_space<vmem>>, vector<400x128xf32>
    tpu.vector_store %arg5[%swap3A, %swap3A_6], %dot_general3A_5 {strides = array<i32>} : memref<400x128xf32, #tpu.memory_space<vmem>>, vector<400x128xf32>,
    %get3A_8 = arith.constant 0 : index
    %get3A_9 = arith.constant 0 : index
    %get3A_10 = vector.load %arg3[%get3A_8, %get3A_9] : memref<1x128xf32, #tpu.memory_space<vmem>>, vector<1x128xf32>
    %mul3A = vector.broadcast %get3A_10 : vector<1x128xf32> to vector<400x128xf32>
    %mul3A_11 = arith.mulf %dot_general3A_5, %mul3A : vector<400x128xf32>
    %reduce_sum3A = arith.constant dense<0.000000e+00> : vector<400xf32>
    %reduce_sum3A_12 = vector.multi_reduction <add>, %mul3A_11, %reduce_sum3A [1] : vector<400x128xf32> to vector<400xf32>
    %broadcast_in_dim3A = vector.shape_cast %reduce_sum3A_12 : vector<400xf32> to vector<400x1xf32>
    %swap3A_13 = arith.constant 0 : index
    %swap3A_14 = arith.constant 0 : index
    %swap3A_15 = vector.load %arg6[%swap3A_13, %swap3A_14] : memref<400x1xf32, #tpu.memory_space<vmem>>, vector<400x1xf32>
    tpu.vector_store %arg6[%swap3A_13, %swap3A_14], %broadcast_in_dim3A {strides = array<i32>} : memref<400x1xf32, #tpu.memory_space<vmem>>, vector<400x1xf32>,
    %get3A_16 = arith.constant 0 : index
    %get3A_17 = arith.constant 0 : index
    %get3A_18 = vector.load %arg4[%get3A_16, %get3A_17] : memref<1x128xf32, #tpu.memory_space<vmem>>, vector<1x128xf32>
    %mul3A_19 = vector.broadcast %get3A_18 : vector<1x128xf32> to vector<400x128xf32>
    %mul3A_20 = arith.mulf %dot_general3A_5, %mul3A_19 : vector<400x128xf32>
    %reduce_sum3A_21 = arith.constant dense<0.000000e+00> : vector<400xf32>
    %reduce_sum3A_22 = vector.multi_reduction <add>, %mul3A_20, %reduce_sum3A_21 [1] : vector<400x128xf32> to vector<400xf32>
    %broadcast_in_dim3A_23 = vector.shape_cast %reduce_sum3A_22 : vector<400xf32> to vector<400x1xf32>
    %swap3A_24 = arith.constant 0 : index
    %swap3A_25 = arith.constant 0 : index
    %swap3A_26 = vector.load %arg7[%swap3A_24, %swap3A_25] : memref<400x1xf32, #tpu.memory_space<vmem>>, vector<400x1xf32>
    tpu.vector_store %arg7[%swap3A_24, %swap3A_25], %broadcast_in_dim3A_23 {strides = array<i32>} : memref<400x1xf32, #tpu.memory_space<vmem>>, vector<400x1xf32>,
    return
  }
  func.func @transform_0(%arg0: i32) -> (i32, i32) {
    %c0_i32 = arith.constant 0 : i32
    %c0_i32_0 = arith.constant 0 : i32
    return %arg0, %c0_i32 : i32, i32
  }
  func.func @transform_1(%arg0: i32) -> (i32, i32) {
    %c0_i32 = arith.constant 0 : i32
    %c0_i32_0 = arith.constant 0 : i32
    %c0_i32_1 = arith.constant 0 : i32
    return %c0_i32, %c0_i32_0 : i32, i32
  }
  func.func @transform_2(%arg0: i32) -> (i32, i32) {
    %c0_i32 = arith.constant 0 : i32
    %c0_i32_0 = arith.constant 0 : i32
    %c0_i32_1 = arith.constant 0 : i32
    return %c0_i32, %c0_i32_0 : i32, i32
  }
  func.func @transform_3(%arg0: i32) -> (i32, i32) {
    %c0_i32 = arith.constant 0 : i32
    %c0_i32_0 = arith.constant 0 : i32
    %c0_i32_1 = arith.constant 0 : i32
    return %c0_i32, %c0_i32_0 : i32, i32
  }
  func.func @transform_4(%arg0: i32) -> (i32, i32) {
    %c0_i32 = arith.constant 0 : i32
    %c0_i32_0 = arith.constant 0 : i32
    return %arg0, %c0_i32 : i32, i32
  }
  func.func @transform_5(%arg0: i32) -> (i32, i32) {
    %c0_i32 = arith.constant 0 : i32
    %c0_i32_0 = arith.constant 0 : i32
    return %arg0, %c0_i32 : i32, i32
  }
  func.func @transform_6(%arg0: i32) -> (i32, i32) {
    %c0_i32 = arith.constant 0 : i32
    %c0_i32_0 = arith.constant 0 : i32
    return %arg0, %c0_i32 : i32, i32
  }
}

module attributes {stable_mosaic.version = 14 : i64} {
  func.func @_norm_body(%arg0: i32, %arg1: memref<2x400x128xf32, #tpu.memory_space<vmem>>, %arg2: memref<2x400x1xf32, #tpu.memory_space<vmem>>, %arg3: memref<1x128xf32, #tpu.memory_space<vmem>>, %arg4: memref<400x128xf32, #tpu.memory_space<vmem>>) attributes {dimension_semantics = [#tpu.dimension_semantics<arbitrary>], iteration_bounds = array<i64: 25>, scalar_prefetch = 0 : i64, scratch_operands = 0 : i64, tpu.core_type = #tpu.core_type<tc>, window_params = [{transform_indices = @transform_0, window_bounds = array<i64: 2, 400, 128>}, {transform_indices = @transform_1, window_bounds = array<i64: 2, 400, 1>}, {pipeline_mode = #tpu.pipeline_mode<synchronous>, transform_indices = @transform_2, window_bounds = array<i64: 1, 128>}, {transform_indices = @transform_3, window_bounds = array<i64: 400, 128>}]} {
    %get3A = arith.constant 0 : index
    %get3A_0 = arith.constant 0 : index
    %get3A_1 = arith.constant 0 : index
    %get3A_2 = vector.load %arg1[%get3A, %get3A_0, %get3A_1] : memref<2x400x128xf32, #tpu.memory_space<vmem>>, vector<1x400x128xf32>
    %get3A_3 = vector.shape_cast %get3A_2 : vector<1x400x128xf32> to vector<400x128xf32>
    %get3A_4 = arith.constant 1 : index
    %get3A_5 = arith.constant 0 : index
    %get3A_6 = arith.constant 0 : index
    %get3A_7 = vector.load %arg1[%get3A_4, %get3A_5, %get3A_6] : memref<2x400x128xf32, #tpu.memory_space<vmem>>, vector<1x400x128xf32>
    %get3A_8 = vector.shape_cast %get3A_7 : vector<1x400x128xf32> to vector<400x128xf32>
    %add3A = arith.addf %get3A_3, %get3A_8 : vector<400x128xf32>
    %get3A_9 = arith.constant 0 : index
    %get3A_10 = arith.constant 0 : index
    %get3A_11 = arith.constant 0 : index
    %get3A_12 = vector.load %arg2[%get3A_9, %get3A_10, %get3A_11] : memref<2x400x1xf32, #tpu.memory_space<vmem>>, vector<1x400x1xf32>
    %get3A_13 = vector.shape_cast %get3A_12 : vector<1x400x1xf32> to vector<400x1xf32>
    %get3A_14 = arith.constant 1 : index
    %get3A_15 = arith.constant 0 : index
    %get3A_16 = arith.constant 0 : index
    %get3A_17 = vector.load %arg2[%get3A_14, %get3A_15, %get3A_16] : memref<2x400x1xf32, #tpu.memory_space<vmem>>, vector<1x400x1xf32>
    %get3A_18 = vector.shape_cast %get3A_17 : vector<1x400x1xf32> to vector<400x1xf32>
    %add3A_19 = arith.addf %get3A_13, %get3A_18 : vector<400x1xf32>
    %add3A_20 = arith.constant 1.000000e-16 : f32
    %add3A_21 = vector.broadcast %add3A_20 : f32 to vector<400x1xf32>
    %add3A_22 = arith.addf %add3A_19, %add3A_21 : vector<400x1xf32>
    %div3A = vector.broadcast %add3A_22 : vector<400x1xf32> to vector<400x128xf32>
    %div3A_23 = arith.divf %add3A, %div3A : vector<400x128xf32>
    %get3A_24 = arith.constant 0 : index
    %get3A_25 = arith.constant 0 : index
    %get3A_26 = vector.load %arg3[%get3A_24, %get3A_25] : memref<1x128xf32, #tpu.memory_space<vmem>>, vector<1x128xf32>
    %add3A_27 = vector.broadcast %get3A_26 : vector<1x128xf32> to vector<400x128xf32>
    %add3A_28 = arith.addf %div3A_23, %add3A_27 : vector<400x128xf32>
    %swap3A = arith.constant 0 : index
    %swap3A_29 = arith.constant 0 : index
    %swap3A_30 = vector.load %arg4[%swap3A, %swap3A_29] : memref<400x128xf32, #tpu.memory_space<vmem>>, vector<400x128xf32>
    tpu.vector_store %arg4[%swap3A, %swap3A_29], %add3A_28 {strides = array<i32>} : memref<400x128xf32, #tpu.memory_space<vmem>>, vector<400x128xf32>,
    return
  }
  func.func @transform_0(%arg0: i32) -> (i32, i32, i32) {
    %c0_i32 = arith.constant 0 : i32
    %c0_i32_0 = arith.constant 0 : i32
    %c0_i32_1 = arith.constant 0 : i32
    return %c0_i32, %arg0, %c0_i32_0 : i32, i32, i32
  }
  func.func @transform_1(%arg0: i32) -> (i32, i32, i32) {
    %c0_i32 = arith.constant 0 : i32
    %c0_i32_0 = arith.constant 0 : i32
    %c0_i32_1 = arith.constant 0 : i32
    return %c0_i32, %arg0, %c0_i32_0 : i32, i32, i32
  }
  func.func @transform_2(%arg0: i32) -> (i32, i32) {
    %c0_i32 = arith.constant 0 : i32
    %c0_i32_0 = arith.constant 0 : i32
    %c0_i32_1 = arith.constant 0 : i32
    return %c0_i32, %c0_i32_0 : i32, i32
  }
  func.func @transform_3(%arg0: i32) -> (i32, i32) {
    %c0_i32 = arith.constant 0 : i32
    %c0_i32_0 = arith.constant 0 : i32
    return %arg0, %c0_i32 : i32, i32
  }
}

</mosaic_0001>

<sc_bundles>
// kernel: kernel.6.cloned.1.call-start
scs
__scs_entry_jumppad:
0x0: {  	(pc) =	sbr.rel $0x88, $3  }
0x1: {  	(tag) =	ssettag $0x0;
	lr =	simm.s32 $0x1  }
0x2: {  	[smem:$0x3F98] =	sst lr;
	_ =	strace $0xD0000000  }
0x3: {  	_ = 	snop  }
0x4: {  	_ = 	snop  }
0x5: {  	_ = 	snop  }
0x6: {  	_ = 	snop  }
0x7: {  	_ = 	snop  }
__scs_overlays_trampoline_lowered:
0x8: {  	[smem:$0x3FA7] =	sst s0  }
0x9: {  	[smem:$0x3FA8] =	sst s1  }
0xa: {  	[smem:$0x3FA9] =	sst s2  }
0xb: {  	[smem:$0x3FAA] =	sst s3  }
0xc: {  	[smem:$0x3FAB] =	sst s4  }
0xd: {  	[smem:$0x3FAC] =	sst s5  }
0xe: {  	[smem:$0x3FAD] =	sst s6  }
0xf: {  	[smem:$0x3FAE] =	sst s7  }
0x10: {  	[smem:$0x3FAF] =	sst s8  }
0x11: {  	[smem:$0x3FB0] =	sst s9;
	s0 =	simm.s32 @!p0 $0x0  }
0x12: {  	s1 =	sld [smem:$0x3F96];
	s0 =	simm.s32 @p0 $0x1  }
0x13: {  	[smem:$0x3FB1] =	sst s0;
	s0 =	simm.s32 @!p1 $0x0  }
0x14: {  	s2 =	sld [smem:$0x3F95];
	s0 =	simm.s32 @p1 $0x1  }
0x15: {  	[smem:$0x3FB2] =	sst s0;
	s0 =	simm.s32 @!p2 $0x0  }
0x16: {  	s3 =	sld [smem:$0x3FDB];
	s0 =	simm.s32 @p2 $0x1  }
0x17: {  	s4 =	simm.s32 $0x1BF5;
	[smem:$0x3FB4] =	sst s0  }
0x18: {  	s0 =	sld [smem:$0x3F97];
	_ =	swait.ge [sflag:s4], $0x0  }
0x19: {  	s7 =	sld [smem:$0x3F98]  }
0x1a: {  	s8 =	sadd.s32 $0xFFFFE003, lr  }
0x1b: {  	s9 =	sadd.s32 $0xFFFFFEF7, lr;
	s5 =	simm.s32 $0xFFFFFFFF;
	p2 =	slt.u32 s8, $0xFFFFF086  }
0x1c: {  	p1 =	slt.u32 s9, $0xF7A;
	s5 =	simm.s32 @!p2 $0x0  }
0x1d: {  	s5 =	simm.s32 @p1 $0x1;
	p0 =	seq.s32 s7, s2  }
0x1e: {  	s7 =	smul.u32 @!p0 $0xF7A, s2;
	p2 =	seq.s32 @!p0 s5, $0x0  }
0x1f: {  	s9 =	smul.u32 $0xF7A, s1;
	s8 =	simm.s32 @!p0 $0x1BF5;
	p2 =	por !p2, p0  }
0x20: {  	[sflag:s8] =	ssyncset.s32 @!p0 $0xFFFFF086;
	s6 =	sadd.s32 @!p0 s3, s7;
	s7 =	simm.s32 @!p0 $0x108  }
0x21: {  	s3 =	sadd.s32 s3, s9;
	s6 =	sadd.s32 @!p0 $0x88, s6;
	s7 =	simm.s32 @p2 $0x1082  }
0x22: {  	[simem:s7], [sflag:s8] =	dma.local @!p0 [hbm:s6], $0xF7A  }
0x23: {  	s9 =	sor.u32 $0xD0000000, s2;
	s6 =	simm.s32 $0x108;
	_ =	swait.ge @!p0 [sflag:s8], $0x0  }
0x24: {  	s3 =	sadd.s32 $0x88, s3;
	s6 =	simm.s32 @!p1 $0x1082;
	[sflag:s4] =	ssyncset.s32 $0xFFFFF086  }
0x25: {  	[simem:s6], [sflag:s4] =	dma.local [hbm:s3], $0xF7A  }
0x26: {  	[smem:$0x3F98] =	sst s1;
	(tag) =	ssettag s2;
	_ =	strace s9  }
0x27: {  	s1 =	sld [smem:$0x3FA8]  }
0x28: {  	s2 =	sld [smem:$0x3FA9]  }
0x29: {  	s4 =	sld [smem:$0x3FAB]  }
0x2a: {  	p0 =	seq.s32 s5, $0x0;
	s5 =	sld [smem:$0x3FAC]  }
0x2b: {  	s6 =	sld [smem:$0x3FAD]  }
0x2c: {  	s7 =	sld [smem:$0x3FAE]  }
0x2d: {  	s3 =	simm.s32 $0x108;
	s8 =	sld [smem:$0x3FAF]  }
0x2e: {  	s3 =	simm.s32 @!p0 $0x1082;
	s9 =	sld [smem:$0x3FB0]  }
0x2f: {  	lr =	sadd.s32 s0, s3;
	s0 =	sld [smem:$0x3FA7]  }
0x30: {  	s3 =	sld [smem:$0x3FAA]  }
0x31: {  	[smem:$0x3FB3] =	sst s10  }
0x32: {  	s10 =	sld [smem:$0x3FB1];
	_ =	sdelay $0x3  }
0x33: {  	p0 =	seq.s32 s10, $0x1;
	s10 =	sld [smem:$0x3FB3];
	_ =	sdelay $0x3  }
0x34: {  	[smem:$0x3FB3] =	sst s10  }
0x35: {  	s10 =	sld [smem:$0x3FB2];
	_ =	sdelay $0x3  }
0x36: {  	p1 =	seq.s32 s10, $0x1;
	s10 =	sld [smem:$0x3FB3];
	_ =	sdelay $0x3  }
0x37: {  	[smem:$0x3FB3] =	sst s10  }
0x38: {  	s10 =	sld [smem:$0x3FB4]  }
0x39: {  	_ = 	snop;
	(pc) =	sbr.ind lr, $3  }
0x3a: {  	_ = 	snop  }
0x3b: {  	_ = 	snop  }
0x3c: {  	p2 =	seq.s32 s10, $0x1;
	s10 =	sld [smem:$0x3FB3]  }
0x3d: {  	_ =	shalt  }
0x3e: {  	_ =	shalt  }
0x3f: {  	_ =	shalt  }
0x40: {  	_ =	shalt  }
0x41: {  	_ =	shalt  }
0x42: {  	_ =	shalt  }
0x43: {  	_ =	shalt  }
0x44: {  	_ =	shalt  }
0x45: {  	_ =	shalt  }
0x46: {  	_ =	shalt  }
0x47: {  	_ =	shalt  }
0x48: {  	_ =	shalt  }
0x49: {  	_ =	shalt  }
0x4a: {  	_ =	shalt  }
0x4b: {  	_ =	shalt  }
0x4c: {  	_ =	shalt  }
0x4d: {  	_ =	shalt  }
0x4e: {  	_ =	shalt  }
0x4f: {  	_ =	shalt  }
0x50: {  	_ =	shalt  }
0x51: {  	_ =	shalt  }
0x52: {  	_ =	shalt  }
0x53: {  	_ =	shalt  }
0x54: {  	_ =	shalt  }
0x55: {  	_ =	shalt  }
0x56: {  	_ =	shalt  }
0x57: {  	_ =	shalt  }
0x58: {  	_ =	shalt  }
0x59: {  	_ =	shalt  }
0x5a: {  	_ =	shalt  }
0x5b: {  	_ =	shalt  }
0x5c: {  	_ =	shalt  }
0x5d: {  	_ =	shalt  }
0x5e: {  	_ =	shalt  }
0x5f: {  	_ =	shalt  }
0x60: {  	_ =	shalt  }
0x61: {  	_ =	shalt  }
0x62: {  	_ =	shalt  }
0x63: {  	_ =	shalt  }
0x64: {  	_ =	shalt  }
0x65: {  	_ =	shalt  }
0x66: {  	_ =	shalt  }
0x67: {  	_ =	shalt  }
0x68: {  	_ =	shalt  }
0x69: {  	_ =	shalt  }
0x6a: {  	_ =	shalt  }
0x6b: {  	_ =	shalt  }
0x6c: {  	_ =	shalt  }
0x6d: {  	_ =	shalt  }
0x6e: {  	_ =	shalt  }
0x6f: {  	_ =	shalt  }
0x70: {  	_ =	shalt  }
0x71: {  	_ =	shalt  }
0x72: {  	_ =	shalt  }
0x73: {  	_ =	shalt  }
0x74: {  	_ =	shalt  }
0x75: {  	_ =	shalt  }
0x76: {  	_ =	shalt  }
0x77: {  	_ =	shalt  }
0x78: {  	_ =	shalt  }
0x79: {  	_ =	shalt  }
0x7a: {  	_ =	shalt  }
0x7b: {  	_ =	shalt  }
0x7c: {  	_ =	shalt  }
0x7d: {  	_ =	shalt  }
0x7e: {  	_ =	shalt  }
0x7f: {  	_ =	shalt  }
0x80: {  	_ =	shalt  }
0x81: {  	_ =	shalt  }
0x82: {  	_ =	shalt  }
0x83: {  	_ =	shalt  }
0x84: {  	_ =	shalt  }
0x85: {  	_ =	shalt  }
0x86: {  	_ =	shalt  }
0x87: {  	_ =	shalt  }
.Lfunc_end0:
.L_simem_size_0:
called_computation_lowered:
.L_overlay_start_0:
0x88: {  	s2 =	sld [smem:$0x3FD9]  }
0x89: {  	s3 =	sld [smem:$0x3FFE];
	_ =	sdelay $0x1  }
0x8a: {  	s1 =	srdreg.scid  }
0x8b: {  	s0 =	sand.u32 $0x1, s1  }
0x8c: {  	s17 =	sshll.u32 s0, $0xA;
	s2 =	sadd.s32 s3, s2  }
0x8d: {  	s2 =	sadd.s32 s2, s17  }
0x8e: {  	[smem:$0x3FBF] =	sst s2  }
0x8f: {  	_ = 	snop  }
0x90: {  	s2 =	sld [smem:$0x3FD0];
	(tm) =	ssettm $0x1  }
0x91: {  	s18 =	sld [smem:$0x3FFB];
	_ =	sdelay $0x3  }
0x92: {  	_ =	strace s18  }
0x93: {  	s3 =	sld [smem:$0x3FFC];
	_ =	sdelay $0x3  }
0x94: {  	_ =	strace s3  }
0x95: {  	s3 =	sld [smem:$0x3FFD];
	_ =	sdelay $0x3  }
0x96: {  	_ =	strace s3  }
0x97: {  	_ =	strace $0x8FFFFFFF  }
0x98: {  	s19 =	sld [smem:$0x3FDB];
	_ =	sdelay $0x1  }
0x99: {  	s4 =	simm.s32 $_scs_section_size  }
0x9a: {  	s5 =	simm.s32 $_size__tile_overlayer_lowered;
	s6 =	simm.s32 $_tile_overlayer_lowered  }
0x9b: {  	s22 =	simm.s32 $0x1BFF;
	s21 =	sshll.u32 s6, $0x1;
	s3 =	sadd.s32 s4, s19  }
0x9c: {  	s7 =	simm.s32 $0x0;
	s20 =	sshll.u32 s5, $0x1;
	s5 =	sadd.s32 s21, s3  }
0x9d: {  	[timem:s7], [sflag:s22] =	dma.local [hbm:s5], s20  }
0x9e: {  	_ =	swait.ge [sflag:s22], s20  }
0x9f: {  	s4 =	ssub.s32 $0x0, s20;
	[sflag:s22] =	ssyncset.done $0x0  }
0xa0: {  	[sflag:s22] =	ssyncadd.s32 s4;
	_ =	sdelay $0x1  }
0xa1: {  	s23 =	simm.s32 $0x1B8B  }
0xa2: {  	_ =	swait.ge [sflag:s23], $0x1  }
0xa3: {  	[sflag:s23] =	ssyncset.done $0x0  }
0xa4: {  	s25 =	simm.s32 $0x1B8E;
	s24 =	sld [smem:$0x3FFE];
	[sflag:s23] =	ssyncadd.s32 $0xFFFFFFFF  }
0xa5: {  	s26 =	simm.s32 $execute0_lowered;
	[smem:$0x3FD2] =	sst s25  }
0xa6: {  	s5 =	sshll.u32 s26, $0x1;
	_ =	strace $0x80000046;
	[dreg:$0x1] =	wrdreg $0xFFFFFFFF  }
0xa7: {  	s28 =	simm.s32 $_size_execute0_lowered;
	s3 =	sadd.s32 s3, s5;
	[dreg:$0x0] =	wrdreg $0x0  }
0xa8: {  	s5 =	sshll.u32 s28, $0x1;
	[dreg:$0x2] =	wrdreg s3  }
0xa9: {  	[dreg:$0x3] =	wrdreg s5  }
0xaa: {  	[dreg:$0x4] =	wrdreg $0xC0  }
0xab: {  	_ =	task [dreg:s7], $0x5FFFF  }
0xac: {  	[dreg:$0x1] =	wrdreg $0xFFFFFFFF  }
0xad: {  	[dreg:$0x0] =	wrdreg $0x60  }
0xae: {  	[dreg:$0x2] =	wrdreg s2  }
0xaf: {  	[dreg:$0x3] =	wrdreg s24  }
0xb0: {  	[dreg:$0x4] =	wrdreg $0x0  }
0xb1: {  	[dreg:$0x5] =	wrdreg $0x140000  }
0xb2: {  	[dreg:$0x6] =	wrdreg $0x9  }
0xb3: {  	_ =	task.clear_ibuf [dreg:s7], $0x7FFFF;
	_ =	strace $0x90000046  }
0xb4: {  	s29 =	simm.s32 $0x9;
	_ =	strace $0x80000048  }
0xb5: {  	_ =	swait.ge [sflag:s29], $0x1  }
0xb6: {  	[sflag:s29] =	ssyncadd.s32 $0xFFFFFFFF  }
0xb7: {  	_ =	strace $0x90000048  }
0xb8: {  	_ =	sfence  }
0xb9: {  	s30 =	sld [smem:$0x0];
	_ =	sdelay $0x2  }
0xba: {  	s31 =	sshll.u32 s1, $0xD;
	s1 =	sshrl.u32 s1, $0x2  }
0xbb: {  	s3 =	sand.u32 $0x4000, s31;
	s1 =	sadd.s32 s1, s30  }
0xbc: {  	s0 =	sor.u32 s3, s0;
	s1 =	sshll.u32 s1, $0x11  }
0xbd: {  	s0 =	sor.u32 s1, s0  }
0xbe: {  	s0 =	sadd.s32 $0x8F2B, s0  }
0xbf: {  	[sflag:s0] =	ssyncadd.remote.s32 $0x1  }
0xc0: {  	_ =	sfence.sel $0xFFFF  }
0xc1: {  	[dreg:$0x0] =	wrdreg $0xFFFFFFFF;
	(pc) =	sbr.abs _section_cstart, $3  }
0xc2: {  	[dreg:$0x1] =	wrdreg $0xFFFFFFFF  }
0xc3: {  	_ =	task.clear_ibuf [dreg:s7], $0x2FFFF;
	_ =	strace $0x9FFFFFFF  }
0xc4: {  	(tm) =	ssettm $0x7FFFFFFF  }
0xc5: {  	_ =	shalt  }
tec
execute0_lowered:
.L_overlay_start_1:
0x0: {  	(tag) =	ssettag $0x1  }
0x1: {  	s1 =	rddreg [dreg:$0x0]  }
0x2: {  	s0 =	rddreg [dreg:$0x1]  }
0x3: {  	s3 =	rddreg [dreg:$0x2]  }
0x4: {  	s4 =	rddreg [dreg:$0x3];
	s13 =	stileid.u32  }
0x5: {  	s2 =	srdreg.scid;
	s9 =	smul.u32 $0x14000, s13  }
0x6: {  	s5 =	simm.s32 $0x0;
	s31 =	simm.s32 $0x80;
	s18 =	smul.u32 $0x500, s13  }
0x7: {  	s28 =	simm.s32 $0x1FB80;
	s29 =	simm.s32 $0x2;
	s20 =	smul.u32 $0x50000, s13  }
0x8: {  	s30 =	simm.s32 $0x3;
	s2 =	sand.u32 $0x1, s2;
	s21 =	smul.u32 $0x280, s13  }
0x9: {  	s6 =	sshll.u32 s13, $0x1;
	[smem:$0x7FF] =	sst s5;
	s8 =	smul.u32 $0x140000, s2  }
0xa: {  	s7 =	sor.u32 s2, s6;
	_ =	strace $0x80000047;
	s6 =	sadd.s32 $0x400, s0  }
0xb: {  	s11 =	sshll.u32 s2, $0x7;
	s2 =	ssub.s32 $0x2, s2;
	s10 =	smul.u32 $0x500, s7  }
0xc: {  	s7 =	sadd.s32 $0xA00, s0;
	s19 =	sor.u32 s11, s18;
	s22 =	sshrl.u32 s2, $0x1  }
0xd: {  	s13 =	sadd.s32 $0x80, s21;
	s15 =	sadd.s32 $0x100, s21;
	s24 =	sadd.s32 $0x180, s21  }
0xe: {  	s11 =	sadd.s32 $0x200, s21;
	s8 =	sadd.s32 s9, s8;
	s9 =	sshrl.u32 s20, $0x2  }
0xf: {  	s2 =	ssub.s32 s2, s22;
	s14 =	sshll.u32 s13, $0x7;
	s13 =	sadd.s32 s13, s4  }
0x10: {  	s23 =	sshll.u32 s15, $0x7;
	s25 =	sadd.s32 s15, s4;
	s26 =	sshll.u32 s24, $0x7  }
0x11: {  	s16 =	sshll.u32 s11, $0x7;
	s15 =	sadd.s32 s24, s4;
	s17 =	sadd.s32 s11, s4  }
0x12: {  	s24 =	simm.s32 $0x1BA80;
	s10 =	sadd.s32 s10, s0;
	s8 =	sshrl.u32 s8, $0x3  }
0x13: {  	s14 =	sadd.s32 s14, s3;
	[dreg:$0x6] =	wrdreg s13;
	s13 =	sadd.s32 s23, s3  }
0x14: {  	[dreg:$0x8] =	wrdreg s25;
	s16 =	sadd.s32 s16, s3;
	s23 =	smax.u32 s2, $0x1  }
0x15: {  	s25 =	simm.s32 $0x4;
	s2 =	simm.s32 $0x1;
	[dreg:$0x5] =	wrdreg s14  }
0x16: {  	s12 =	sadd.s32 s8, s0;
	s8 =	sshrl.u32 s19, $0x3;
	[dreg:$0x7] =	wrdreg s13  }
0x17: {  	s14 =	sadd.s32 s26, s3;
	s18 =	sadd.s32 $0xB000, s10;
	s19 =	sadd.s32 $0x15000, s10  }
0x18: {  	s20 =	sadd.s32 $0x1000, s10;
	s26 =	simm.s32 $0x1FA80;
	s0 =	sadd.s32 s8, s0  }
0x19: {  	s8 =	sadd.s32 s9, s3;
	s9 =	sadd.s32 s21, s4;
	[dreg:$0x9] =	wrdreg s14  }
0x1a: {  	v0 =	vimm.f32 $0.0e+00;
	s21 =	sadd.s32 $0x1F000, s12;
	s22 =	sadd.s32 $0x6F000, s0;
	s0 =	simm.s32 $0x1FB00  }
.LBB2_1:
0x1b: {  	s10 =	simm.s32 $0x0;
	s11 =	simm.s32 $0x200  }
.LBB2_2:
0x1c: {  	p0 =	sne.s32 s11, $0xFE00;
	[tilespmem:s10+$0x1BAF0] =	vst v0  }
0x1d: {  	[tilespmem:s10+$0x1BA80] =	vst v0  }
0x1e: {  	[tilespmem:s10+$0x1BA90] =	vst v0  }
.Ltmp0:
0x1f: {  	[tilespmem:s10+$0x1BAA0] =	vst v0;
	(pc) =	sbr.rel @p0 .LBB2_2-.Ltmp0, $4  }
0x20: {  	[tilespmem:s10+$0x1BAB0] =	vst v0  }
0x21: {  	[tilespmem:s10+$0x1BAC0] =	vst v0  }
0x22: {  	[tilespmem:s10+$0x1BAD0] =	vst v0  }
0x23: {  	[tilespmem:s10+$0x1BAE0] =	vst v0;
	s10 =	sshra.s32 s11, $0x2;
	s11 =	sadd.s32 $0x200, s11  }
0x24: {  	[tilespmem:s10+$0x1BAF0] =	vst v0  }
0x25: {  	[tilespmem:s10+$0x1BA80] =	vst v0  }
0x26: {  	[tilespmem:s10+$0x1BA90] =	vst v0  }
0x27: {  	[tilespmem:s10+$0x1BAA0] =	vst v0  }
0x28: {  	[tilespmem:s10+$0x1BAB0] =	vst v0  }
0x29: {  	[tilespmem:s10+$0x1BAC0] =	vst v0  }
0x2a: {  	[tilespmem:s10+$0x1BAD0] =	vst v0  }
0x2b: {  	[tilespmem:s10+$0x1BAE0] =	vst v0  }
0x2c: {  	[tilespmem:$0x1FA80] =	vst v0  }
0x2d: {  	[tilespmem:$0x1FA90] =	vst v0  }
0x2e: {  	[tilespmem:$0x1FAA0] =	vst v0  }
0x2f: {  	[tilespmem:$0x1FAB0] =	vst v0  }
0x30: {  	[tilespmem:$0x1FAC0] =	vst v0  }
0x31: {  	[tilespmem:$0x1FAD0] =	vst v0  }
0x32: {  	[tilespmem:$0x1FAE0] =	vst v0  }
0x33: {  	[tilespmem:$0x1FAF0] =	vst v0  }
0x34: {  	[spmem:s8] =	stream.linear.scatter [tilespmem:s24], [sflag:$0x4], $0x4000, $0x38;
	[tilespmem:$0x1FC00] =	vst v63  }
0x35: {  	_ =	swait.ge [sflag:s25], $0x4000  }
0x36: {  	[sflag:s25] =	ssyncset.done $0x0  }
0x37: {  	[sflag:s25] =	ssyncadd.s32 $0xFFFFC000  }
0x38: {  	[spmem:s9] =	stream.linear.scatter [tilespmem:s26], [sflag:$0x4], $0x80, $0x38;
	[tilespmem:$0x1FC00] =	vst v63  }
0x39: {  	_ =	swait.ge [sflag:s25], $0x80  }
0x3a: {  	[sflag:s25] =	ssyncset.done $0x0  }
0x3b: {  	s12 =	rddreg [dreg:$0x5];
	[sflag:s25] =	ssyncadd.s32 $0xFFFFFF80  }
0x3c: {  	[spmem:s12] =	stream.linear.scatter [tilespmem:s24], [sflag:$0x4], $0x4000, $0x38;
	[tilespmem:$0x1FC00] =	vst v63  }
0x3d: {  	_ =	swait.ge [sflag:s25], $0x4000  }
0x3e: {  	[sflag:s25] =	ssyncset.done $0x0  }
0x3f: {  	s13 =	rddreg [dreg:$0x6];
	[sflag:s25] =	ssyncadd.s32 $0xFFFFC000  }
0x40: {  	[spmem:s13] =	stream.linear.scatter [tilespmem:s26], [sflag:$0x4], $0x80, $0x38;
	[tilespmem:$0x1FC00] =	vst v63  }
0x41: {  	_ =	swait.ge [sflag:s25], $0x80  }
0x42: {  	[sflag:s25] =	ssyncset.done $0x0  }
0x43: {  	s14 =	rddreg [dreg:$0x7];
	[sflag:s25] =	ssyncadd.s32 $0xFFFFFF80  }
0x44: {  	[spmem:s14] =	stream.linear.scatter [tilespmem:s24], [sflag:$0x4], $0x4000, $0x38;
	[tilespmem:$0x1FC00] =	vst v63  }
0x45: {  	_ =	swait.ge [sflag:s25], $0x4000  }
0x46: {  	[sflag:s25] =	ssyncset.done $0x0  }
0x47: {  	s11 =	rddreg [dreg:$0x8];
	[sflag:s25] =	ssyncadd.s32 $0xFFFFC000  }
0x48: {  	[spmem:s11] =	stream.linear.scatter [tilespmem:s26], [sflag:$0x4], $0x80, $0x38;
	[tilespmem:$0x1FC00] =	vst v63  }
0x49: {  	_ =	swait.ge [sflag:s25], $0x80  }
0x4a: {  	[sflag:s25] =	ssyncset.done $0x0  }
0x4b: {  	s12 =	rddreg [dreg:$0x9];
	[sflag:s25] =	ssyncadd.s32 $0xFFFFFF80  }
0x4c: {  	[spmem:s12] =	stream.linear.scatter [tilespmem:s24], [sflag:$0x4], $0x4000, $0x38;
	[tilespmem:$0x1FC00] =	vst v63  }
0x4d: {  	_ =	swait.ge [sflag:s25], $0x4000  }
0x4e: {  	[sflag:s25] =	ssyncset.done $0x0  }
0x4f: {  	[sflag:s25] =	ssyncadd.s32 $0xFFFFC000  }
0x50: {  	[spmem:s15] =	stream.linear.scatter [tilespmem:s26], [sflag:$0x4], $0x80, $0x38;
	[tilespmem:$0x1FC00] =	vst v63  }
0x51: {  	_ =	swait.ge [sflag:s25], $0x80  }
0x52: {  	[sflag:s25] =	ssyncset.done $0x0  }
0x53: {  	[sflag:s25] =	ssyncadd.s32 $0xFFFFFF80  }
0x54: {  	[spmem:s16] =	stream.linear.scatter [tilespmem:s24], [sflag:$0x4], $0x4000, $0x38;
	[tilespmem:$0x1FC00] =	vst v63  }
0x55: {  	_ =	swait.ge [sflag:s25], $0x4000  }
0x56: {  	[sflag:s25] =	ssyncset.done $0x0  }
0x57: {  	[sflag:s25] =	ssyncadd.s32 $0xFFFFC000  }
0x58: {  	[spmem:s17] =	stream.linear.scatter [tilespmem:s26], [sflag:$0x4], $0x80, $0x38;
	[tilespmem:$0x1FC00] =	vst v63  }
0x59: {  	_ =	swait.ge [sflag:s25], $0x80  }
0x5a: {  	[sflag:s25] =	ssyncset.done $0x0  }
0x5b: {  	s10 =	simm.s32 $0x0;
	s11 =	simm.s32 $0x14280;
	[sflag:s25] =	ssyncadd.s32 $0xFFFFFF80  }
0x5c: {  	[tilespmem:s11], [sflag:$0x4] =	stream.linear.gather [hbm4b:s18+s10], $0x2780, $0x38;
	[tilespmem:$0x1FC00] =	vst v63  }
0x5d: {  	_ =	swait.ge [sflag:s25], $0x2780  }
0x5e: {  	[sflag:s25] =	ssyncset.done $0x0  }
0x5f: {  	s13 =	simm.s32 $0x16A80;
	[sflag:s25] =	ssyncadd.s32 $0xFFFFD880  }
0x60: {  	[tilespmem:s13], [sflag:$0x4] =	stream.linear.gather [hbm4b:s19+s10], $0x2780, $0x38;
	[tilespmem:$0x1FC00] =	vst v63  }
0x61: {  	_ =	swait.ge [sflag:s25], $0x2780  }
0x62: {  	[sflag:s25] =	ssyncset.done $0x0  }
0x63: {  	s14 =	simm.s32 $0x19280;
	[sflag:s25] =	ssyncadd.s32 $0xFFFFD880  }
0x64: {  	[tilespmem:s14], [sflag:$0x4] =	stream.linear.gather [hbm4b:s20+s10], $0x2780, $0x38;
	[tilespmem:$0x1FC00] =	vst v63  }
0x65: {  	_ =	swait.ge [sflag:s25], $0x2780  }
0x66: {  	[sflag:s25] =	ssyncset.done $0x0  }
0x67: {  	[sflag:s25] =	ssyncadd.s32 $0xFFFFD880  }
0x68: {  	[bflag:$0x0] =	sbarrier.arrive $0xFFFF  }
.LBB2_4:
0x69: {  	s12 =	sshll.u32 s10, $0x7  }
0x6a: {  	s11 =	sadd.s32 $0x14280, s12  }
0x6b: {  	[tilespmem:s24], [sflag:$0x1] =	stream.indirect.gather [hbm4b:s1+s31], $0x80, s11, s31, $0xb8;
	[tilespmem:$0x1FC00] =	vst v63  }
0x6c: {  	_ = 	snop  }
0x6d: {  	[tilespmem:s0], [sflag:$0x2] =	stream.indirect.gather [hbm4b:s6+s31], $0x1, s11, s31, $0xb8;
	[tilespmem:$0x1FC00] =	vst v63  }
0x6e: {  	s11 =	sadd.s32 $0x16A80, s12  }
0x6f: {  	[tilespmem:s28], [sflag:$0x3] =	stream.indirect.gather [hbm4b:s7+s31], $0x1, s11, s31, $0xb8;
	[tilespmem:$0x1FC00] =	vst v63  }
0x70: {  	_ =	swait.ge [sflag:s29], $0x80  }
0x71: {  	[sflag:s29] =	ssyncset.done $0x0  }
0x72: {  	[sflag:s29] =	ssyncadd.s32 $0xFFFFFF80  }
0x73: {  	_ =	swait.ge [sflag:s30], $0x80  }
0x74: {  	[sflag:s30] =	ssyncset.done $0x0  }
0x75: {  	[sflag:s30] =	ssyncadd.s32 $0xFFFFFF80  }
0x76: {  	v1 =	vld [tilespmem:$0x1FB00]  }
0x77: {  	v2 =	vld [tilespmem:$0x1FB80];
	_ =	sdelay $0x1  }
0x78: {  	v3 =	vld [tilespmem:s12+$0x19280];
	_ =	sdelay $0x2  }
0x79: {  	v1 =	vadd.f32 v2, v1;
	_ =	sdelay $0x1  }
0x7a: {  	v1 =	vadd.f32 v3, v1;
	_ =	sdelay $0x1  }
0x7b: {  	v2 =	vmul.f32 $2.000000030e-01, v1  }
0x7c: {  	vm0 =	vgt.f32 v1, $0.0e+00  }
0x7d: {  	v1 =	vsel vm0, v1, v2  }
0x7e: {  	v1 =	vmul.f32 $1.442695020e+00, v1;
	_ =	sdelay $0x1  }
0x7f: {  	(erf) = vpow2.f32 v1;
	_ =	sdelay $0x7  }
0x80: {  	v3 =	vld [tilespmem:$0x1FB90]  }
0x81: {  	v1 =	vld [tilespmem:$0x1FB10];
	v2 =	vpop (erf)  }
0x82: {  	[tilespmem:$0x1FA80] =	vst v2  }
0x83: {  	v2 =	vld [tilespmem:s12+$0x19290];
	_ =	sdelay $0x2  }
0x84: {  	v1 =	vadd.f32 v3, v1;
	_ =	sdelay $0x1  }
0x85: {  	v1 =	vadd.f32 v2, v1;
	_ =	sdelay $0x1  }
0x86: {  	v2 =	vmul.f32 $2.000000030e-01, v1  }
0x87: {  	vm9 =	vgt.f32 v1, $0.0e+00  }
0x88: {  	v1 =	vsel vm9, v1, v2  }
0x89: {  	v1 =	vmul.f32 $1.442695020e+00, v1;
	_ =	sdelay $0x1  }
0x8a: {  	(erf) = vpow2.f32 v1;
	_ =	sdelay $0x7  }
0x8b: {  	v3 =	vld [tilespmem:$0x1FBA0]  }
0x8c: {  	v1 =	vld [tilespmem:$0x1FB20];
	v2 =	vpop (erf)  }
0x8d: {  	[tilespmem:$0x1FA90] =	vst v2  }
0x8e: {  	v2 =	vld [tilespmem:s12+$0x192A0];
	_ =	sdelay $0x2  }
0x8f: {  	v1 =	vadd.f32 v3, v1;
	_ =	sdelay $0x1  }
0x90: {  	v1 =	vadd.f32 v2, v1;
	_ =	sdelay $0x1  }
0x91: {  	v2 =	vmul.f32 $2.000000030e-01, v1  }
0x92: {  	vm10 =	vgt.f32 v1, $0.0e+00  }
0x93: {  	v1 =	vsel vm10, v1, v2  }
0x94: {  	v1 =	vmul.f32 $1.442695020e+00, v1;
	_ =	sdelay $0x1  }
0x95: {  	(erf) = vpow2.f32 v1;
	_ =	sdelay $0x7  }
0x96: {  	v3 =	vld [tilespmem:$0x1FBB0]  }
0x97: {  	v1 =	vld [tilespmem:$0x1FB30];
	v2 =	vpop (erf)  }
0x98: {  	[tilespmem:$0x1FAA0] =	vst v2  }
0x99: {  	v2 =	vld [tilespmem:s12+$0x192B0];
	_ =	sdelay $0x2  }
0x9a: {  	v1 =	vadd.f32 v3, v1;
	_ =	sdelay $0x1  }
0x9b: {  	v1 =	vadd.f32 v2, v1;
	_ =	sdelay $0x1  }
0x9c: {  	v2 =	vmul.f32 $2.000000030e-01, v1  }
0x9d: {  	vm11 =	vgt.f32 v1, $0.0e+00  }
0x9e: {  	v1 =	vsel vm11, v1, v2  }
0x9f: {  	v1 =	vmul.f32 $1.442695020e+00, v1;
	_ =	sdelay $0x1  }
0xa0: {  	(erf) = vpow2.f32 v1;
	_ =	sdelay $0x7  }
0xa1: {  	v3 =	vld [tilespmem:$0x1FBC0]  }
0xa2: {  	v1 =	vld [tilespmem:$0x1FB40];
	v2 =	vpop (erf)  }
0xa3: {  	[tilespmem:$0x1FAB0] =	vst v2  }
0xa4: {  	v2 =	vld [tilespmem:s12+$0x192C0];
	_ =	sdelay $0x2  }
0xa5: {  	v1 =	vadd.f32 v3, v1;
	_ =	sdelay $0x1  }
0xa6: {  	v1 =	vadd.f32 v2, v1;
	_ =	sdelay $0x1  }
0xa7: {  	v2 =	vmul.f32 $2.000000030e-01, v1  }
0xa8: {  	vm12 =	vgt.f32 v1, $0.0e+00  }
0xa9: {  	v1 =	vsel vm12, v1, v2  }
0xaa: {  	v1 =	vmul.f32 $1.442695020e+00, v1;
	_ =	sdelay $0x1  }
0xab: {  	(erf) = vpow2.f32 v1;
	_ =	sdelay $0x7  }
0xac: {  	v3 =	vld [tilespmem:$0x1FBD0]  }
0xad: {  	v1 =	vld [tilespmem:$0x1FB50];
	v2 =	vpop (erf)  }
0xae: {  	[tilespmem:$0x1FAC0] =	vst v2  }
0xaf: {  	v2 =	vld [tilespmem:s12+$0x192D0];
	_ =	sdelay $0x2  }
0xb0: {  	v1 =	vadd.f32 v3, v1;
	_ =	sdelay $0x1  }
0xb1: {  	v1 =	vadd.f32 v2, v1;
	_ =	sdelay $0x1  }
0xb2: {  	v2 =	vmul.f32 $2.000000030e-01, v1  }
0xb3: {  	vm13 =	vgt.f32 v1, $0.0e+00  }
0xb4: {  	v1 =	vsel vm13, v1, v2  }
0xb5: {  	v1 =	vmul.f32 $1.442695020e+00, v1;
	_ =	sdelay $0x1  }
0xb6: {  	(erf) = vpow2.f32 v1;
	_ =	sdelay $0x7  }
0xb7: {  	v3 =	vld [tilespmem:$0x1FBE0]  }
0xb8: {  	v1 =	vld [tilespmem:$0x1FB60];
	v2 =	vpop (erf)  }
0xb9: {  	[tilespmem:$0x1FAD0] =	vst v2  }
0xba: {  	v2 =	vld [tilespmem:s12+$0x192E0];
	_ =	sdelay $0x2  }
0xbb: {  	v1 =	vadd.f32 v3, v1;
	_ =	sdelay $0x1  }
0xbc: {  	v1 =	vadd.f32 v2, v1;
	_ =	sdelay $0x1  }
0xbd: {  	v2 =	vmul.f32 $2.000000030e-01, v1  }
0xbe: {  	vm14 =	vgt.f32 v1, $0.0e+00  }
0xbf: {  	v1 =	vsel vm14, v1, v2  }
0xc0: {  	v1 =	vmul.f32 $1.442695020e+00, v1;
	_ =	sdelay $0x1  }
0xc1: {  	(erf) = vpow2.f32 v1;
	_ =	sdelay $0x7  }
0xc2: {  	v3 =	vld [tilespmem:$0x1FBF0]  }
0xc3: {  	v1 =	vld [tilespmem:$0x1FB70];
	v2 =	vpop (erf)  }
0xc4: {  	[tilespmem:$0x1FAE0] =	vst v2  }
0xc5: {  	v2 =	vld [tilespmem:s12+$0x192F0];
	_ =	sdelay $0x2  }
0xc6: {  	v1 =	vadd.f32 v3, v1;
	_ =	sdelay $0x1  }
0xc7: {  	v1 =	vadd.f32 v2, v1;
	_ =	sdelay $0x1  }
0xc8: {  	v2 =	vmul.f32 $2.000000030e-01, v1  }
0xc9: {  	vm15 =	vgt.f32 v1, $0.0e+00  }
0xca: {  	v1 =	vsel vm15, v1, v2  }
0xcb: {  	v1 =	vmul.f32 $1.442695020e+00, v1;
	_ =	sdelay $0x1  }
0xcc: {  	(erf) = vpow2.f32 v1;
	_ =	sdelay $0x8  }
0xcd: {  	v1 =	vpop (erf)  }
0xce: {  	[tilespmem:$0x1FAF0] =	vst v1  }
0xcf: {  	_ =	swait.ge [sflag:s2], $0x4000  }
0xd0: {  	s14 =	simm.s32 $0x0;
	[sflag:s2] =	ssyncset.done $0x0  }
0xd1: {  	s12 =	sand.u32 $0x3FFFFFF0, s14;
	[sflag:s2] =	ssyncadd.s32 $0xFFFFC000  }
0xd2: {  	s13 =	simm.s32 $0x0;
	v1 =	vld [tilespmem:s12+$0x1FA80]  }
0xd3: {  	s12 =	sand.u32 $0x3FFFF800, s13  }
0xd4: {  	v3 =	vld [tilespmem:s12+$0x1BAA0]  }
0xd5: {  	v4 =	vld [tilespmem:s12+$0x1BAB0]  }
0xd6: {  	v10 =	vld [tilespmem:s12+$0x1BAE0]  }
0xd7: {  	v11 =	vld [tilespmem:s12+$0x1BAF0];
	v2 =	vbroadcast v1, $0x0  }
0xd8: {  	v12 =	vld [tilespmem:s12+$0x1BB00]  }
0xd9: {  	v13 =	vld [tilespmem:s12+$0x1BB10];
	v3 =	vmul.f32 v3, v2  }
0xda: {  	v14 =	vld [tilespmem:s12+$0x1BB20];
	v4 =	vmul.f32 v4, v2  }
0xdb: {  	v9 =	vld [tilespmem:s12+$0x1BB30];
	v23 =	vbroadcast v1, $0x1;
	v22 =	vmul.f32 v10, v2;
	[tilespmem:s12+$0x1BAA0] =	vst v3  }
0xdc: {  	v7 =	vld [tilespmem:s12+$0x1BB40];
	v11 =	vmul.f32 v11, v2;
	[tilespmem:s12+$0x1BAB0] =	vst v4  }
0xdd: {  	v8 =	vld [tilespmem:s12+$0x1BB50];
	v12 =	vmul.f32 v12, v23;
	[tilespmem:s12+$0x1BAE0] =	vst v22  }
0xde: {  	v25 =	vld [tilespmem:s12+$0x1BB70];
	v13 =	vmul.f32 v13, v23;
	[tilespmem:s12+$0x1BAF0] =	vst v11  }
0xdf: {  	v26 =	vld [tilespmem:s12+$0x1BB80];
	v14 =	vmul.f32 v14, v23;
	[tilespmem:s12+$0x1BB00] =	vst v12  }
0xe0: {  	v27 =	vld [tilespmem:s12+$0x1BB90];
	v9 =	vmul.f32 v9, v23;
	[tilespmem:s12+$0x1BB10] =	vst v13  }
0xe1: {  	v6 =	vld [tilespmem:s12+$0x1BFF0];
	v7 =	vmul.f32 v7, v23;
	[tilespmem:s12+$0x1BB20] =	vst v14  }
0xe2: {  	v24 =	vld [tilespmem:s12+$0x1BB60];
	v15 =	vbroadcast v1, $0x2;
	v8 =	vmul.f32 v8, v23;
	[tilespmem:s12+$0x1BB30] =	vst v9  }
0xe3: {  	v28 =	vld [tilespmem:s12+$0x1BBA0];
	v10 =	vmul.f32 v25, v23;
	[tilespmem:s12+$0x1BB40] =	vst v7  }
0xe4: {  	v29 =	vld [tilespmem:s12+$0x1BBB0];
	v5 =	vbroadcast v1, $0xA;
	v32 =	vmul.f32 v26, v15;
	[tilespmem:s12+$0x1BB50] =	vst v8  }
0xe5: {  	v30 =	vld [tilespmem:s12+$0x1BBC0];
	v34 =	vmul.f32 v27, v15;
	[tilespmem:s12+$0x1BB70] =	vst v10  }
0xe6: {  	v33 =	vld [tilespmem:s12+$0x1BBE0];
	v3 =	vmul.f32 v6, v5;
	[tilespmem:s12+$0x1BB80] =	vst v32  }
0xe7: {  	v35 =	vld [tilespmem:s12+$0x1BBF0];
	v11 =	vmul.f32 v24, v23;
	[tilespmem:s12+$0x1BB90] =	vst v34  }
0xe8: {  	v36 =	vld [tilespmem:s12+$0x1BC00];
	v9 =	vmul.f32 v28, v15;
	[tilespmem:s12+$0x1BFF0] =	vst v3  }
0xe9: {  	v31 =	vld [tilespmem:s12+$0x1BBD0];
	v7 =	vmul.f32 v29, v15;
	[tilespmem:s12+$0x1BB60] =	vst v11  }
0xea: {  	v37 =	vld [tilespmem:s12+$0x1BC10];
	v8 =	vmul.f32 v30, v15;
	[tilespmem:s12+$0x1BBA0] =	vst v9  }
0xeb: {  	v38 =	vld [tilespmem:s12+$0x1BC20];
	v41 =	vbroadcast v1, $0x3;
	v10 =	vmul.f32 v33, v15;
	[tilespmem:s12+$0x1BBB0] =	vst v7  }
0xec: {  	v39 =	vld [tilespmem:s12+$0x1BC30];
	v12 =	vmul.f32 v35, v15;
	[tilespmem:s12+$0x1BBC0] =	vst v8  }
0xed: {  	v42 =	vld [tilespmem:s12+$0x1BC50];
	v13 =	vmul.f32 v36, v41;
	[tilespmem:s12+$0x1BBE0] =	vst v10  }
0xee: {  	v43 =	vld [tilespmem:s12+$0x1BC60];
	v11 =	vmul.f32 v31, v15;
	[tilespmem:s12+$0x1BBF0] =	vst v12  }
0xef: {  	v44 =	vld [tilespmem:s12+$0x1BC70];
	v9 =	vmul.f32 v37, v41;
	[tilespmem:s12+$0x1BC00] =	vst v13  }
0xf0: {  	v40 =	vld [tilespmem:s12+$0x1BC40];
	v7 =	vmul.f32 v38, v41;
	[tilespmem:s12+$0x1BBD0] =	vst v11  }
0xf1: {  	v45 =	vld [tilespmem:s12+$0x1BC80];
	v8 =	vmul.f32 v39, v41;
	[tilespmem:s12+$0x1BC10] =	vst v9  }
0xf2: {  	v46 =	vld [tilespmem:s12+$0x1BC90];
	v10 =	vmul.f32 v42, v41;
	[tilespmem:s12+$0x1BC20] =	vst v7  }
0xf3: {  	v47 =	vld [tilespmem:s12+$0x1BCA0];
	v12 =	vmul.f32 v43, v41;
	[tilespmem:s12+$0x1BC30] =	vst v8  }
0xf4: {  	v49 =	vld [tilespmem:s12+$0x1BCC0];
	v50 =	vbroadcast v1, $0x4;
	v13 =	vmul.f32 v44, v41;
	[tilespmem:s12+$0x1BC50] =	vst v10  }
0xf5: {  	v51 =	vld [tilespmem:s12+$0x1BCD0];
	v11 =	vmul.f32 v40, v41;
	[tilespmem:s12+$0x1BC60] =	vst v12  }
0xf6: {  	v52 =	vld [tilespmem:s12+$0x1BCE0];
	v9 =	vmul.f32 v45, v50;
	[tilespmem:s12+$0x1BC70] =	vst v13  }
0xf7: {  	v48 =	vld [tilespmem:s12+$0x1BCB0];
	v7 =	vmul.f32 v46, v50;
	[tilespmem:s12+$0x1BC40] =	vst v11  }
0xf8: {  	v53 =	vld [tilespmem:s12+$0x1BCF0];
	v8 =	vmul.f32 v47, v50;
	[tilespmem:s12+$0x1BC80] =	vst v9  }
0xf9: {  	v54 =	vld [tilespmem:s12+$0x1BD00];
	v10 =	vmul.f32 v49, v50;
	[tilespmem:s12+$0x1BC90] =	vst v7  }
0xfa: {  	v55 =	vld [tilespmem:s12+$0x1BD10];
	v12 =	vmul.f32 v51, v50;
	[tilespmem:s12+$0x1BCA0] =	vst v8  }
0xfb: {  	v57 =	vld [tilespmem:s12+$0x1BD30];
	v13 =	vmul.f32 v52, v50;
	[tilespmem:s12+$0x1BCC0] =	vst v10  }
0xfc: {  	v58 =	vld [tilespmem:s12+$0x1BD40];
	v59 =	vbroadcast v1, $0x5;
	v11 =	vmul.f32 v48, v50;
	[tilespmem:s12+$0x1BCD0] =	vst v12  }
0xfd: {  	v60 =	vld [tilespmem:s12+$0x1BD50];
	v9 =	vmul.f32 v53, v50;
	[tilespmem:s12+$0x1BCE0] =	vst v13  }
0xfe: {  	v56 =	vld [tilespmem:s12+$0x1BD20];
	v7 =	vmul.f32 v54, v59;
	[tilespmem:s12+$0x1BCB0] =	vst v11  }
0xff: {  	v61 =	vld [tilespmem:s12+$0x1BD60];
	v8 =	vmul.f32 v55, v59;
	[tilespmem:s12+$0x1BCF0] =	vst v9  }
0x100: {  	v62 =	vld [tilespmem:s12+$0x1BD70];
	v10 =	vmul.f32 v57, v59;
	[tilespmem:s12+$0x1BD00] =	vst v7  }
0x101: {  	v63 =	vld [tilespmem:s12+$0x1BD80];
	v12 =	vmul.f32 v58, v59;
	[tilespmem:s12+$0x1BD10] =	vst v8  }
0x102: {  	v19 =	vld [tilespmem:s12+$0x1BDA0];
	v13 =	vmul.f32 v60, v59;
	[tilespmem:s12+$0x1BD30] =	vst v10  }
0x103: {  	v20 =	vld [tilespmem:s12+$0x1BDB0];
	v11 =	vmul.f32 v56, v59;
	[tilespmem:s12+$0x1BD40] =	vst v12  }
0x104: {  	v21 =	vld [tilespmem:s12+$0x1BDC0];
	v22 =	vbroadcast v1, $0x6;
	v9 =	vmul.f32 v61, v59;
	[tilespmem:s12+$0x1BD50] =	vst v13  }
0x105: {  	v18 =	vld [tilespmem:s12+$0x1BD90];
	v7 =	vmul.f32 v62, v59;
	[tilespmem:s12+$0x1BD20] =	vst v11  }
0x106: {  	v23 =	vld [tilespmem:s12+$0x1BDD0];
	v8 =	vmul.f32 v63, v22;
	[tilespmem:s12+$0x1BD60] =	vst v9  }
0x107: {  	v24 =	vld [tilespmem:s12+$0x1BDE0];
	v10 =	vmul.f32 v19, v22;
	[tilespmem:s12+$0x1BD70] =	vst v7  }
0x108: {  	v25 =	vld [tilespmem:s12+$0x1BDF0];
	v12 =	vmul.f32 v20, v22;
	[tilespmem:s12+$0x1BD80] =	vst v8  }
0x109: {  	v27 =	vld [tilespmem:s12+$0x1BE10];
	v13 =	vmul.f32 v21, v22;
	[tilespmem:s12+$0x1BDA0] =	vst v10  }
0x10a: {  	v28 =	vld [tilespmem:s12+$0x1BE20];
	v11 =	vmul.f32 v18, v22;
	[tilespmem:s12+$0x1BDB0] =	vst v12  }
0x10b: {  	v29 =	vld [tilespmem:s12+$0x1BE30];
	v9 =	vmul.f32 v23, v22;
	[tilespmem:s12+$0x1BDC0] =	vst v13  }
0x10c: {  	v31 =	vbroadcast v1, $0x7;
	v53 =	vld [tilespmem:s12+$0x1BF80];
	v7 =	vmul.f32 v24, v22;
	[tilespmem:s12+$0x1BD90] =	vst v11  }
0x10d: {  	v57 =	vld [tilespmem:s12+$0x1BFC0];
	v8 =	vmul.f32 v25, v22;
	[tilespmem:s12+$0x1BDD0] =	vst v9  }
0x10e: {  	v58 =	vld [tilespmem:s12+$0x1BFD0];
	v10 =	vmul.f32 v27, v31;
	[tilespmem:s12+$0x1BDE0] =	vst v7  }
0x10f: {  	v26 =	vld [tilespmem:s12+$0x1BE00];
	v12 =	vmul.f32 v28, v31;
	[tilespmem:s12+$0x1BDF0] =	vst v8  }
0x110: {  	v30 =	vld [tilespmem:s12+$0x1BE40];
	v13 =	vmul.f32 v29, v31;
	[tilespmem:s12+$0x1BE10] =	vst v10  }
0x111: {  	v32 =	vld [tilespmem:s12+$0x1BE50];
	v59 =	vmul.f32 v53, v5;
	[tilespmem:s12+$0x1BE20] =	vst v12  }
0x112: {  	v33 =	vld [tilespmem:s12+$0x1BE60];
	v18 =	vmul.f32 v57, v5;
	[tilespmem:s12+$0x1BE30] =	vst v13  }
0x113: {  	v35 =	vld [tilespmem:s12+$0x1BE80];
	v20 =	vmul.f32 v58, v5;
	[tilespmem:s12+$0x1BF80] =	vst v59  }
0x114: {  	v36 =	vld [tilespmem:s12+$0x1BE90];
	v11 =	vmul.f32 v26, v31;
	[tilespmem:s12+$0x1BFC0] =	vst v18  }
0x115: {  	v37 =	vld [tilespmem:s12+$0x1BEA0];
	v9 =	vmul.f32 v30, v31;
	[tilespmem:s12+$0x1BFD0] =	vst v20  }
0x116: {  	v4 =	vld [tilespmem:s12+$0x1C000];
	v40 =	vbroadcast v1, $0x8;
	v7 =	vmul.f32 v32, v31;
	[tilespmem:s12+$0x1BE00] =	vst v11  }
0x117: {  	v6 =	vld [tilespmem:s12+$0x1C010];
	v8 =	vmul.f32 v33, v31;
	[tilespmem:s12+$0x1BE40] =	vst v9  }
0x118: {  	v3 =	vld [tilespmem:s12+$0x1C250];
	v10 =	vmul.f32 v35, v40;
	[tilespmem:s12+$0x1BE50] =	vst v7  }
0x119: {  	v61 =	vld [tilespmem:s12+$0x1BA80];
	v23 =	vbroadcast v1, $0xB;
	v12 =	vmul.f32 v36, v40;
	[tilespmem:s12+$0x1BE60] =	vst v8  }
0x11a: {  	v34 =	vld [tilespmem:s12+$0x1BE70];
	v13 =	vmul.f32 v37, v40;
	[tilespmem:s12+$0x1BE80] =	vst v10  }
0x11b: {  	v38 =	vld [tilespmem:s12+$0x1BEB0];
	v27 =	vbroadcast v1, $0xF;
	v4 =	vmul.f32 v4, v23;
	[tilespmem:s12+$0x1BE90] =	vst v12  }
0x11c: {  	v39 =	vld [tilespmem:s12+$0x1BEC0];
	v6 =	vmul.f32 v6, v23;
	[tilespmem:s12+$0x1BEA0] =	vst v13  }
0x11d: {  	v41 =	vld [tilespmem:s12+$0x1BED0];
	v3 =	vmul.f32 v3, v27;
	[tilespmem:s12+$0x1C000] =	vst v4  }
0x11e: {  	v43 =	vld [tilespmem:s12+$0x1BEF0];
	v24 =	vmul.f32 v2, v61;
	[tilespmem:s12+$0x1C010] =	vst v6  }
0x11f: {  	v44 =	vld [tilespmem:s12+$0x1BF00];
	v11 =	vmul.f32 v34, v31;
	[tilespmem:s12+$0x1C250] =	vst v3  }
0x120: {  	v45 =	vld [tilespmem:s12+$0x1BF10];
	v9 =	vmul.f32 v38, v40;
	[tilespmem:s12+$0x1BA80] =	vst v24  }
0x121: {  	v63 =	vld [tilespmem:s12+$0x1BAC0];
	v7 =	vmul.f32 v39, v40;
	[tilespmem:s12+$0x1BE70] =	vst v11  }
0x122: {  	v49 =	vbroadcast v1, $0x9;
	v29 =	vld [tilespmem:s12+$0x1C070];
	v8 =	vmul.f32 v41, v40;
	[tilespmem:s12+$0x1BEB0] =	vst v9  }
0x123: {  	v42 =	vld [tilespmem:s12+$0x1BEE0];
	v10 =	vmul.f32 v43, v40;
	[tilespmem:s12+$0x1BEC0] =	vst v7  }
0x124: {  	v46 =	vld [tilespmem:s12+$0x1BF20];
	v12 =	vmul.f32 v44, v49;
	[tilespmem:s12+$0x1BED0] =	vst v8  }
0x125: {  	v47 =	vld [tilespmem:s12+$0x1BF30];
	v13 =	vmul.f32 v45, v49;
	[tilespmem:s12+$0x1BEF0] =	vst v10  }
0x126: {  	v48 =	vld [tilespmem:s12+$0x1BF40];
	v3 =	vmul.f32 v63, v2;
	[tilespmem:s12+$0x1BF00] =	vst v12  }
0x127: {  	v51 =	vld [tilespmem:s12+$0x1BF60];
	v6 =	vmul.f32 v29, v23;
	[tilespmem:s12+$0x1BF10] =	vst v13  }
0x128: {  	v52 =	vld [tilespmem:s12+$0x1BF70];
	v11 =	vmul.f32 v42, v40;
	[tilespmem:s12+$0x1BAC0] =	vst v3  }
0x129: {  	v28 =	vld [tilespmem:s12+$0x1C060];
	v9 =	vmul.f32 v46, v49;
	[tilespmem:s12+$0x1C070] =	vst v6  }
0x12a: {  	v26 =	vld [tilespmem:s12+$0x1C050];
	v7 =	vmul.f32 v47, v49;
	[tilespmem:s12+$0x1BEE0] =	vst v11  }
0x12b: {  	v30 =	vld [tilespmem:s12+$0x1C080];
	v8 =	vmul.f32 v48, v49;
	[tilespmem:s12+$0x1BF20] =	vst v9  }
0x12c: {  	v50 =	vld [tilespmem:s12+$0x1BF50];
	v10 =	vmul.f32 v51, v49;
	[tilespmem:s12+$0x1BF30] =	vst v7  }
0x12d: {  	v54 =	vld [tilespmem:s12+$0x1BF90];
	v12 =	vmul.f32 v52, v49;
	[tilespmem:s12+$0x1BF40] =	vst v8  }
0x12e: {  	v55 =	vld [tilespmem:s12+$0x1BFA0];
	v35 =	vbroadcast v1, $0xC;
	v40 =	vmul.f32 v28, v23;
	[tilespmem:s12+$0x1BF60] =	vst v10  }
0x12f: {  	v56 =	vld [tilespmem:s12+$0x1BFB0];
	v32 =	vmul.f32 v26, v23;
	[tilespmem:s12+$0x1BF70] =	vst v12  }
0x130: {  	v60 =	vld [tilespmem:s12+$0x1BFE0];
	v15 =	vmul.f32 v30, v35;
	[tilespmem:s12+$0x1C060] =	vst v40  }
0x131: {  	v62 =	vld [tilespmem:s12+$0x1BA90];
	v11 =	vmul.f32 v50, v49;
	[tilespmem:s12+$0x1C050] =	vst v32  }
0x132: {  	v19 =	vld [tilespmem:s12+$0x1BAD0];
	v9 =	vmul.f32 v54, v5;
	[tilespmem:s12+$0x1C080] =	vst v15  }
0x133: {  	v33 =	vld [tilespmem:s12+$0x1C0B0];
	v7 =	vmul.f32 v55, v5;
	[tilespmem:s12+$0x1BF50] =	vst v11  }
0x134: {  	v61 =	vld [tilespmem:s12+$0x1C270];
	v8 =	vmul.f32 v56, v5;
	[tilespmem:s12+$0x1BF90] =	vst v9  }
0x135: {  	v38 =	vld [tilespmem:s12+$0x1C0F0];
	v5 =	vmul.f32 v60, v5;
	[tilespmem:s12+$0x1BFA0] =	vst v7  }
0x136: {  	v21 =	vld [tilespmem:s12+$0x1C020];
	v12 =	vmul.f32 v62, v2;
	[tilespmem:s12+$0x1BFB0] =	vst v8  }
0x137: {  	v22 =	vld [tilespmem:s12+$0x1C030];
	v2 =	vmul.f32 v19, v2;
	[tilespmem:s12+$0x1BFE0] =	vst v5  }
0x138: {  	v25 =	vld [tilespmem:s12+$0x1C040];
	v62 =	vmul.f32 v33, v35;
	[tilespmem:s12+$0x1BA90] =	vst v12  }
0x139: {  	v31 =	vld [tilespmem:s12+$0x1C090];
	v63 =	vmul.f32 v61, v27;
	[tilespmem:s12+$0x1BAD0] =	vst v2  }
0x13a: {  	v34 =	vld [tilespmem:s12+$0x1C0C0];
	v15 =	vmul.f32 v38, v35;
	[tilespmem:s12+$0x1C0B0] =	vst v62  }
0x13b: {  	v41 =	vld [tilespmem:s12+$0x1C120];
	v7 =	vmul.f32 v21, v23;
	[tilespmem:s12+$0x1C270] =	vst v63  }
0x13c: {  	v46 =	vld [tilespmem:s12+$0x1C160];
	v8 =	vmul.f32 v22, v23;
	[tilespmem:s12+$0x1C0F0] =	vst v15  }
0x13d: {  	v36 =	vld [tilespmem:s12+$0x1C0D0];
	v5 =	vmul.f32 v25, v23;
	[tilespmem:s12+$0x1C020] =	vst v7  }
0x13e: {  	v44 =	vbroadcast v1, $0xD;
	v9 =	vmul.f32 v31, v35;
	v2 =	vld [tilespmem:s12+$0x1C110];
	[tilespmem:s12+$0x1C030] =	vst v8  }
0x13f: {  	v37 =	vld [tilespmem:s12+$0x1C0E0];
	v12 =	vmul.f32 v34, v35;
	[tilespmem:s12+$0x1C040] =	vst v5  }
0x140: {  	v39 =	vld [tilespmem:s12+$0x1C100];
	v11 =	vmul.f32 v41, v44;
	[tilespmem:s12+$0x1C090] =	vst v9  }
0x141: {  	v42 =	vld [tilespmem:s12+$0x1C130];
	v51 =	vmul.f32 v46, v44;
	[tilespmem:s12+$0x1C0C0] =	vst v12  }
0x142: {  	v48 =	vld [tilespmem:s12+$0x1C190];
	v8 =	vmul.f32 v36, v35;
	[tilespmem:s12+$0x1C120] =	vst v11  }
0x143: {  	v49 =	vld [tilespmem:s12+$0x1C1A0];
	[tilespmem:s12+$0x1C160] =	vst v51;
	v2 =	vmul.f32 v2, v44  }
0x144: {  	v50 =	vld [tilespmem:s12+$0x1C1B0];
	v5 =	vmul.f32 v37, v35;
	[tilespmem:s12+$0x1C0D0] =	vst v8  }
0x145: {  	v1 =	vbroadcast v1, $0xE;
	v9 =	vmul.f32 v39, v44;
	[tilespmem:s12+$0x1C110] =	vst v2;
	v2 =	vld [tilespmem:s12+$0x1C180]  }
0x146: {  	v60 =	vld [tilespmem:s12+$0x1C260];
	v12 =	vmul.f32 v42, v44;
	[tilespmem:s12+$0x1C0E0] =	vst v5  }
0x147: {  	v45 =	vld [tilespmem:s12+$0x1C150];
	v11 =	vmul.f32 v48, v1;
	[tilespmem:s12+$0x1C100] =	vst v9  }
0x148: {  	v47 =	vld [tilespmem:s12+$0x1C170];
	v10 =	vmul.f32 v49, v1;
	[tilespmem:s12+$0x1C130] =	vst v12  }
0x149: {  	v43 =	vld [tilespmem:s12+$0x1C140];
	v6 =	vmul.f32 v50, v1;
	[tilespmem:s12+$0x1C190] =	vst v11  }
0x14a: {  	v55 =	vld [tilespmem:s12+$0x1C200];
	[tilespmem:s12+$0x1C1A0] =	vst v10;
	v2 =	vmul.f32 v2, v1  }
0x14b: {  	v57 =	vld [tilespmem:s12+$0x1C220];
	v4 =	vmul.f32 v60, v27;
	[tilespmem:s12+$0x1C1B0] =	vst v6  }
0x14c: {  	v5 =	vmul.f32 v45, v44;
	[tilespmem:s12+$0x1C180] =	vst v2;
	v2 =	vld [tilespmem:s12+$0x1C1F0]  }
0x14d: {  	v52 =	vld [tilespmem:s12+$0x1C1C0];
	v9 =	vmul.f32 v47, v44;
	[tilespmem:s12+$0x1C260] =	vst v4  }
0x14e: {  	v56 =	vld [tilespmem:s12+$0x1C210];
	v8 =	vmul.f32 v43, v44;
	[tilespmem:s12+$0x1C150] =	vst v5  }
0x14f: {  	v54 =	vld [tilespmem:s12+$0x1C1E0];
	v11 =	vmul.f32 v55, v27;
	[tilespmem:s12+$0x1C170] =	vst v9  }
0x150: {  	v58 =	vld [tilespmem:s12+$0x1C230];
	v6 =	vmul.f32 v57, v27;
	[tilespmem:s12+$0x1C140] =	vst v8  }
0x151: {  	v53 =	vld [tilespmem:s12+$0x1C1D0];
	[tilespmem:s12+$0x1C200] =	vst v11;
	v2 =	vmul.f32 v2, v1  }
0x152: {  	v59 =	vld [tilespmem:s12+$0x1C240];
	v5 =	vmul.f32 v52, v1;
	[tilespmem:s12+$0x1C220] =	vst v6  }
0x153: {  	[tilespmem:s12+$0x1C1F0] =	vst v2;
	v2 =	vmul.f32 v56, v27  }
0x154: {  	v3 =	vld [tilespmem:s12+$0x1C0A0];
	v9 =	vmul.f32 v54, v1;
	[tilespmem:s12+$0x1C1C0] =	vst v5  }
0x155: {  	[tilespmem:s12+$0x1C210] =	vst v2;
	v2 =	vmul.f32 v58, v27  }
0x156: {  	[tilespmem:s12+$0x1C1E0] =	vst v9;
	v1 =	vmul.f32 v53, v1  }
0x157: {  	[tilespmem:s12+$0x1C230] =	vst v2;
	v2 =	vmul.f32 v59, v27  }
0x158: {  	[tilespmem:s12+$0x1C1D0] =	vst v1  }
0x159: {  	s13 =	simm.s32 $0x1;
	[tilespmem:s12+$0x1C240] =	vst v2;
	v2 =	vmul.f32 v3, v35  }
.LBB2_5:
0x15a: {  	s14 =	sshll.u32 s13, $0x4  }
0x15b: {  	p0 =	sne.s32 s13, $0x7;
	[tilespmem:s12+$0x1C0A0] =	vst v2;
	s12 =	smov.u32 s13;
	s13 =	sadd.s32 $0x1, s13  }
0x15c: {  	s14 =	sand.u32 $0x3FFFFFF0, s14  }
0x15d: {  	s12 =	sshll.u32 s12, $0xB;
	v1 =	vld [tilespmem:s14+$0x1FA80]  }
0x15e: {  	s12 =	sand.u32 $0x3FFFF800, s12  }
0x15f: {  	v8 =	vld [tilespmem:s12+$0x1BB40]  }
0x160: {  	v9 =	vld [tilespmem:s12+$0x1BB50]  }
0x161: {  	v10 =	vld [tilespmem:s12+$0x1BB30]  }
0x162: {  	v2 =	vbroadcast v1, $0x0;
	v3 =	vld [tilespmem:s12+$0x1BAA0];
	v7 =	vbroadcast v1, $0x4  }
0x163: {  	v5 =	vld [tilespmem:s12+$0x1BAB0]  }
0x164: {  	v6 =	vld [tilespmem:s12+$0x1BFF0]  }
0x165: {  	v11 =	vld [tilespmem:s12+$0x1BAE0]  }
0x166: {  	v12 =	vld [tilespmem:s12+$0x1BAF0]  }
0x167: {  	v4 =	vbroadcast v1, $0xA;
	v3 =	vmul.f32 v3, v2;
	v13 =	vld [tilespmem:s12+$0x1BB00]  }
0x168: {  	v5 =	vmul.f32 v5, v2;
	v14 =	vld [tilespmem:s12+$0x1BB10]  }
0x169: {  	[tilespmem:s12+$0x1BAA0] =	vst v3;
	v15 =	vld [tilespmem:s12+$0x1BB20];
	v3 =	vmul.f32 v6, v4  }
0x16a: {  	[tilespmem:s12+$0x1BAB0] =	vst v5;
	v6 =	vmul.f32 v11, v2;
	v11 =	vbroadcast v1, $0x1;
	v5 =	vld [tilespmem:s12+$0x1C000]  }
0x16b: {  	v12 =	vmul.f32 v12, v2;
	[tilespmem:s12+$0x1BFF0] =	vst v3;
	v3 =	vld [tilespmem:s12+$0x1C250]  }
0x16c: {  	[tilespmem:s12+$0x1BAE0] =	vst v6;
	v13 =	vmul.f32 v13, v11;
	v6 =	vld [tilespmem:s12+$0x1C010]  }
0x16d: {  	[tilespmem:s12+$0x1BAF0] =	vst v12;
	v12 =	vmul.f32 v14, v11;
	v14 =	vld [tilespmem:s12+$0x1BB60]  }
0x16e: {  	[tilespmem:s12+$0x1BB00] =	vst v13;
	v13 =	vmul.f32 v15, v11;
	v15 =	vld [tilespmem:s12+$0x1BB70]  }
0x16f: {  	v10 =	vmul.f32 v10, v11;
	[tilespmem:s12+$0x1BB10] =	vst v12;
	v12 =	vld [tilespmem:s12+$0x1BB80]  }
0x170: {  	v8 =	vmul.f32 v8, v11;
	[tilespmem:s12+$0x1BB20] =	vst v13;
	v13 =	vld [tilespmem:s12+$0x1BB90]  }
0x171: {  	v9 =	vmul.f32 v9, v11;
	[tilespmem:s12+$0x1BB30] =	vst v10;
	v10 =	vld [tilespmem:s12+$0x1BBA0]  }
0x172: {  	[tilespmem:s12+$0x1BB40] =	vst v8;
	v8 =	vmul.f32 v14, v11;
	v14 =	vbroadcast v1, $0x2;
	v16 =	vld [tilespmem:s12+$0x1BBB0]  }
0x173: {  	[tilespmem:s12+$0x1BB50] =	vst v9;
	v9 =	vmul.f32 v15, v11;
	v11 =	vld [tilespmem:s12+$0x1BBC0]  }
0x174: {  	[tilespmem:s12+$0x1BB60] =	vst v8;
	v8 =	vmul.f32 v12, v14;
	v12 =	vld [tilespmem:s12+$0x1BBD0]  }
0x175: {  	[tilespmem:s12+$0x1BB70] =	vst v9;
	v9 =	vmul.f32 v13, v14;
	v13 =	vld [tilespmem:s12+$0x1BBE0]  }
0x176: {  	[tilespmem:s12+$0x1BB80] =	vst v8;
	v8 =	vmul.f32 v10, v14;
	v10 =	vld [tilespmem:s12+$0x1BBF0]  }
0x177: {  	[tilespmem:s12+$0x1BB90] =	vst v9;
	v9 =	vmul.f32 v16, v14;
	v15 =	vld [tilespmem:s12+$0x1BC00]  }
0x178: {  	[tilespmem:s12+$0x1BBA0] =	vst v8;
	v8 =	vmul.f32 v11, v14;
	v11 =	vld [tilespmem:s12+$0x1BC10]  }
0x179: {  	[tilespmem:s12+$0x1BBB0] =	vst v9;
	v9 =	vmul.f32 v12, v14;
	v12 =	vld [tilespmem:s12+$0x1BC20]  }
0x17a: {  	[tilespmem:s12+$0x1BBC0] =	vst v8;
	v8 =	vmul.f32 v13, v14;
	v13 =	vbroadcast v1, $0x3;
	v16 =	vld [tilespmem:s12+$0x1BC30]  }
0x17b: {  	[tilespmem:s12+$0x1BBD0] =	vst v9;
	v9 =	vmul.f32 v10, v14;
	v10 =	vld [tilespmem:s12+$0x1BC40]  }
0x17c: {  	[tilespmem:s12+$0x1BBE0] =	vst v8;
	v8 =	vmul.f32 v15, v13;
	v14 =	vld [tilespmem:s12+$0x1BC50]  }
0x17d: {  	[tilespmem:s12+$0x1BBF0] =	vst v9;
	v9 =	vmul.f32 v11, v13;
	v11 =	vld [tilespmem:s12+$0x1BC60]  }
0x17e: {  	[tilespmem:s12+$0x1BC00] =	vst v8;
	v8 =	vmul.f32 v12, v13;
	v12 =	vld [tilespmem:s12+$0x1BC70]  }
0x17f: {  	[tilespmem:s12+$0x1BC10] =	vst v9;
	v9 =	vmul.f32 v16, v13;
	v15 =	vld [tilespmem:s12+$0x1BC80]  }
0x180: {  	[tilespmem:s12+$0x1BC20] =	vst v8;
	v8 =	vmul.f32 v10, v13;
	v10 =	vld [tilespmem:s12+$0x1BC90]  }
0x181: {  	[tilespmem:s12+$0x1BC30] =	vst v9;
	v9 =	vmul.f32 v14, v13;
	v14 =	vld [tilespmem:s12+$0x1BCA0]  }
0x182: {  	[tilespmem:s12+$0x1BC40] =	vst v8;
	v8 =	vmul.f32 v11, v13;
	v11 =	vld [tilespmem:s12+$0x1BCB0]  }
0x183: {  	[tilespmem:s12+$0x1BC50] =	vst v9;
	v9 =	vmul.f32 v12, v13;
	v12 =	vld [tilespmem:s12+$0x1BCC0]  }
0x184: {  	[tilespmem:s12+$0x1BC60] =	vst v8;
	v8 =	vmul.f32 v15, v7;
	v13 =	vld [tilespmem:s12+$0x1BCD0]  }
0x185: {  	[tilespmem:s12+$0x1BC70] =	vst v9;
	v9 =	vmul.f32 v10, v7;
	v10 =	vld [tilespmem:s12+$0x1BCE0]  }
0x186: {  	[tilespmem:s12+$0x1BC80] =	vst v8;
	v8 =	vmul.f32 v14, v7;
	v14 =	vld [tilespmem:s12+$0x1BCF0]  }
0x187: {  	[tilespmem:s12+$0x1BC90] =	vst v9;
	v9 =	vmul.f32 v11, v7;
	v11 =	vld [tilespmem:s12+$0x1BD00]  }
0x188: {  	[tilespmem:s12+$0x1BCA0] =	vst v8;
	v8 =	vmul.f32 v12, v7;
	v12 =	vld [tilespmem:s12+$0x1BD10]  }
0x189: {  	[tilespmem:s12+$0x1BCB0] =	vst v9;
	v9 =	vmul.f32 v13, v7;
	v13 =	vld [tilespmem:s12+$0x1BD20]  }
0x18a: {  	[tilespmem:s12+$0x1BCC0] =	vst v8;
	v8 =	vmul.f32 v10, v7;
	v10 =	vbroadcast v1, $0x5;
	v15 =	vld [tilespmem:s12+$0x1BD30]  }
0x18b: {  	[tilespmem:s12+$0x1BCD0] =	vst v9;
	v7 =	vmul.f32 v14, v7;
	v9 =	vld [tilespmem:s12+$0x1BD40]  }
0x18c: {  	[tilespmem:s12+$0x1BCE0] =	vst v8;
	v8 =	vmul.f32 v11, v10;
	v11 =	vld [tilespmem:s12+$0x1BD50]  }
0x18d: {  	[tilespmem:s12+$0x1BCF0] =	vst v7;
	v7 =	vmul.f32 v12, v10;
	v12 =	vld [tilespmem:s12+$0x1BD60]  }
0x18e: {  	[tilespmem:s12+$0x1BD00] =	vst v8;
	v8 =	vmul.f32 v13, v10;
	v13 =	vld [tilespmem:s12+$0x1BD70]  }
0x18f: {  	[tilespmem:s12+$0x1BD10] =	vst v7;
	v7 =	vmul.f32 v15, v10;
	v14 =	vld [tilespmem:s12+$0x1BD80]  }
0x190: {  	[tilespmem:s12+$0x1BD20] =	vst v8;
	v8 =	vmul.f32 v9, v10;
	v9 =	vld [tilespmem:s12+$0x1BD90]  }
0x191: {  	[tilespmem:s12+$0x1BD30] =	vst v7;
	v7 =	vmul.f32 v11, v10;
	v11 =	vld [tilespmem:s12+$0x1BDA0]  }
0x192: {  	[tilespmem:s12+$0x1BD40] =	vst v8;
	v8 =	vmul.f32 v12, v10;
	v12 =	vbroadcast v1, $0x6;
	v15 =	vld [tilespmem:s12+$0x1BDB0]  }
0x193: {  	[tilespmem:s12+$0x1BD50] =	vst v7;
	v7 =	vmul.f32 v13, v10;
	v10 =	vld [tilespmem:s12+$0x1BDC0]  }
0x194: {  	[tilespmem:s12+$0x1BD60] =	vst v8;
	v8 =	vmul.f32 v14, v12;
	v13 =	vld [tilespmem:s12+$0x1BDD0]  }
0x195: {  	[tilespmem:s12+$0x1BD70] =	vst v7;
	v7 =	vmul.f32 v9, v12;
	v9 =	vld [tilespmem:s12+$0x1BDE0]  }
0x196: {  	[tilespmem:s12+$0x1BD80] =	vst v8;
	v8 =	vmul.f32 v11, v12;
	v11 =	vld [tilespmem:s12+$0x1BDF0]  }
0x197: {  	[tilespmem:s12+$0x1BD90] =	vst v7;
	v7 =	vmul.f32 v15, v12;
	v14 =	vld [tilespmem:s12+$0x1BE00]  }
0x198: {  	[tilespmem:s12+$0x1BDA0] =	vst v8;
	v8 =	vmul.f32 v10, v12;
	v10 =	vld [tilespmem:s12+$0x1BE10]  }
0x199: {  	[tilespmem:s12+$0x1BDB0] =	vst v7;
	v7 =	vmul.f32 v13, v12;
	v13 =	vld [tilespmem:s12+$0x1BE20]  }
0x19a: {  	[tilespmem:s12+$0x1BDC0] =	vst v8;
	v8 =	vmul.f32 v9, v12;
	v9 =	vbroadcast v1, $0x7;
	v15 =	vld [tilespmem:s12+$0x1BE30]  }
0x19b: {  	[tilespmem:s12+$0x1BDD0] =	vst v7;
	v7 =	vmul.f32 v11, v12;
	v11 =	vld [tilespmem:s12+$0x1BE40]  }
0x19c: {  	[tilespmem:s12+$0x1BDE0] =	vst v8;
	v8 =	vmul.f32 v14, v9;
	v12 =	vld [tilespmem:s12+$0x1BE50]  }
0x19d: {  	[tilespmem:s12+$0x1BDF0] =	vst v7;
	v7 =	vmul.f32 v10, v9;
	v10 =	vld [tilespmem:s12+$0x1BE60]  }
0x19e: {  	[tilespmem:s12+$0x1BE00] =	vst v8;
	v8 =	vmul.f32 v13, v9;
	v13 =	vld [tilespmem:s12+$0x1BE70]  }
0x19f: {  	[tilespmem:s12+$0x1BE10] =	vst v7;
	v7 =	vmul.f32 v15, v9;
	v14 =	vld [tilespmem:s12+$0x1BE80]  }
0x1a0: {  	[tilespmem:s12+$0x1BE20] =	vst v8;
	v8 =	vmul.f32 v11, v9;
	v11 =	vld [tilespmem:s12+$0x1BE90]  }
0x1a1: {  	[tilespmem:s12+$0x1BE30] =	vst v7;
	v7 =	vmul.f32 v12, v9;
	v12 =	vld [tilespmem:s12+$0x1BEA0]  }
0x1a2: {  	[tilespmem:s12+$0x1BE40] =	vst v8;
	v8 =	vmul.f32 v10, v9;
	v10 =	vbroadcast v1, $0x8;
	v15 =	vld [tilespmem:s12+$0x1BEB0]  }
0x1a3: {  	[tilespmem:s12+$0x1BE50] =	vst v7;
	v7 =	vmul.f32 v13, v9;
	v9 =	vld [tilespmem:s12+$0x1BEC0]  }
0x1a4: {  	[tilespmem:s12+$0x1BE60] =	vst v8;
	v8 =	vmul.f32 v14, v10;
	v13 =	vld [tilespmem:s12+$0x1BED0]  }
0x1a5: {  	[tilespmem:s12+$0x1BE70] =	vst v7;
	v7 =	vmul.f32 v11, v10;
	v11 =	vld [tilespmem:s12+$0x1BEE0]  }
0x1a6: {  	[tilespmem:s12+$0x1BE80] =	vst v8;
	v8 =	vmul.f32 v12, v10;
	v12 =	vld [tilespmem:s12+$0x1BEF0]  }
0x1a7: {  	[tilespmem:s12+$0x1BE90] =	vst v7;
	v7 =	vmul.f32 v15, v10;
	v14 =	vld [tilespmem:s12+$0x1BF00]  }
0x1a8: {  	[tilespmem:s12+$0x1BEA0] =	vst v8;
	v8 =	vmul.f32 v9, v10;
	v9 =	vld [tilespmem:s12+$0x1BF10]  }
0x1a9: {  	[tilespmem:s12+$0x1BEB0] =	vst v7;
	v7 =	vmul.f32 v13, v10;
	v13 =	vld [tilespmem:s12+$0x1BF20]  }
0x1aa: {  	[tilespmem:s12+$0x1BEC0] =	vst v8;
	v8 =	vmul.f32 v11, v10;
	v11 =	vbroadcast v1, $0x9;
	v15 =	vld [tilespmem:s12+$0x1BF30]  }
0x1ab: {  	[tilespmem:s12+$0x1BED0] =	vst v7;
	v7 =	vmul.f32 v12, v10;
	v10 =	vld [tilespmem:s12+$0x1BF40]  }
0x1ac: {  	[tilespmem:s12+$0x1BEE0] =	vst v8;
	v8 =	vmul.f32 v14, v11;
	v12 =	vld [tilespmem:s12+$0x1BF50]  }
0x1ad: {  	[tilespmem:s12+$0x1BEF0] =	vst v7;
	v7 =	vmul.f32 v9, v11;
	v9 =	vld [tilespmem:s12+$0x1BF60]  }
0x1ae: {  	[tilespmem:s12+$0x1BF00] =	vst v8;
	v8 =	vmul.f32 v13, v11;
	v13 =	vld [tilespmem:s12+$0x1BF70]  }
0x1af: {  	[tilespmem:s12+$0x1BF10] =	vst v7;
	v7 =	vmul.f32 v15, v11;
	v14 =	vld [tilespmem:s12+$0x1BF80]  }
0x1b0: {  	[tilespmem:s12+$0x1BF20] =	vst v8;
	v8 =	vmul.f32 v10, v11;
	v10 =	vld [tilespmem:s12+$0x1BF90]  }
0x1b1: {  	[tilespmem:s12+$0x1BF30] =	vst v7;
	v7 =	vmul.f32 v12, v11;
	v12 =	vld [tilespmem:s12+$0x1BFA0]  }
0x1b2: {  	[tilespmem:s12+$0x1BF40] =	vst v8;
	v8 =	vmul.f32 v9, v11;
	v9 =	vld [tilespmem:s12+$0x1BFB0]  }
0x1b3: {  	[tilespmem:s12+$0x1BF50] =	vst v7;
	v7 =	vmul.f32 v13, v11;
	v11 =	vld [tilespmem:s12+$0x1BFC0]  }
0x1b4: {  	[tilespmem:s12+$0x1BF60] =	vst v8;
	v8 =	vmul.f32 v14, v4;
	v13 =	vld [tilespmem:s12+$0x1BFD0]  }
0x1b5: {  	[tilespmem:s12+$0x1BF70] =	vst v7;
	v7 =	vmul.f32 v10, v4;
	v10 =	vld [tilespmem:s12+$0x1BFE0]  }
0x1b6: {  	v14 =	vld [tilespmem:s12+$0x1BA80];
	[tilespmem:s12+$0x1BF80] =	vst v8;
	v8 =	vmul.f32 v12, v4  }
0x1b7: {  	v12 =	vld [tilespmem:s12+$0x1BA90];
	[tilespmem:s12+$0x1BF90] =	vst v7;
	v7 =	vmul.f32 v9, v4  }
0x1b8: {  	v9 =	vld [tilespmem:s12+$0x1BAC0];
	[tilespmem:s12+$0x1BFA0] =	vst v8;
	v8 =	vmul.f32 v11, v4  }
0x1b9: {  	v11 =	vld [tilespmem:s12+$0x1BAD0];
	[tilespmem:s12+$0x1BFB0] =	vst v7;
	v7 =	vmul.f32 v13, v4  }
0x1ba: {  	[tilespmem:s12+$0x1BFC0] =	vst v8;
	v8 =	vmul.f32 v10, v4;
	v10 =	vbroadcast v1, $0xB;
	v13 =	vld [tilespmem:s12+$0x1C020]  }
0x1bb: {  	v4 =	vbroadcast v1, $0xF;
	v14 =	vmul.f32 v2, v14;
	[tilespmem:s12+$0x1BFD0] =	vst v7;
	v7 =	vld [tilespmem:s12+$0x1C030]  }
0x1bc: {  	v12 =	vmul.f32 v12, v2;
	[tilespmem:s12+$0x1BFE0] =	vst v8;
	v5 =	vmul.f32 v5, v10;
	v8 =	vld [tilespmem:s12+$0x1C040]  }
0x1bd: {  	v6 =	vmul.f32 v6, v10;
	[tilespmem:s12+$0x1BA80] =	vst v14;
	v9 =	vmul.f32 v9, v2;
	v14 =	vld [tilespmem:s12+$0x1C050]  }
0x1be: {  	v3 =	vmul.f32 v3, v4;
	v11 =	vmul.f32 v11, v2;
	[tilespmem:s12+$0x1C000] =	vst v5;
	v2 =	vld [tilespmem:s12+$0x1C060]  }
0x1bf: {  	[tilespmem:s12+$0x1C010] =	vst v6;
	v5 =	vmul.f32 v13, v10;
	v6 =	vld [tilespmem:s12+$0x1C070]  }
0x1c0: {  	v7 =	vmul.f32 v7, v10;
	v13 =	vld [tilespmem:s12+$0x1C080];
	[tilespmem:s12+$0x1C250] =	vst v3  }
0x1c1: {  	[tilespmem:s12+$0x1BA90] =	vst v12;
	v3 =	vmul.f32 v8, v10;
	v8 =	vld [tilespmem:s12+$0x1C090]  }
0x1c2: {  	[tilespmem:s12+$0x1BAC0] =	vst v9;
	v9 =	vmul.f32 v14, v10;
	v12 =	vld [tilespmem:s12+$0x1C0A0]  }
0x1c3: {  	v14 =	vbroadcast v1, $0xC;
	[tilespmem:s12+$0x1C020] =	vst v5;
	v5 =	vmul.f32 v2, v10;
	v15 =	vld [tilespmem:s12+$0x1C0B0]  }
0x1c4: {  	[tilespmem:s12+$0x1C050] =	vst v9;
	v6 =	vmul.f32 v6, v10;
	v9 =	vld [tilespmem:s12+$0x1C0C0]  }
0x1c5: {  	[tilespmem:s12+$0x1C030] =	vst v7;
	v2 =	vmul.f32 v13, v14;
	v7 =	vld [tilespmem:s12+$0x1C0D0]  }
0x1c6: {  	[tilespmem:s12+$0x1C040] =	vst v3;
	v3 =	vmul.f32 v8, v14;
	v8 =	vld [tilespmem:s12+$0x1C0E0]  }
0x1c7: {  	[tilespmem:s12+$0x1C080] =	vst v2;
	v2 =	vmul.f32 v12, v14;
	v10 =	vld [tilespmem:s12+$0x1C0F0]  }
0x1c8: {  	[tilespmem:s12+$0x1C090] =	vst v3;
	v3 =	vld [tilespmem:s12+$0x1C100]  }
0x1c9: {  	[tilespmem:s12+$0x1BAD0] =	vst v11;
	v9 =	vmul.f32 v9, v14;
	v11 =	vld [tilespmem:s12+$0x1C110]  }
0x1ca: {  	[tilespmem:s12+$0x1C060] =	vst v5;
	v5 =	vmul.f32 v7, v14;
	v7 =	vld [tilespmem:s12+$0x1C120]  }
0x1cb: {  	[tilespmem:s12+$0x1C0C0] =	vst v9;
	v8 =	vmul.f32 v8, v14;
	v9 =	vbroadcast v1, $0xD;
	v12 =	vld [tilespmem:s12+$0x1C130]  }
0x1cc: {  	[tilespmem:s12+$0x1C0D0] =	vst v5;
	v5 =	vmul.f32 v10, v14;
	v10 =	vld [tilespmem:s12+$0x1C140]  }
0x1cd: {  	[tilespmem:s12+$0x1C0E0] =	vst v8;
	v3 =	vmul.f32 v3, v9;
	v8 =	vld [tilespmem:s12+$0x1C150]  }
0x1ce: {  	[tilespmem:s12+$0x1C0F0] =	vst v5;
	v5 =	vmul.f32 v11, v9;
	v11 =	vld [tilespmem:s12+$0x1C160]  }
0x1cf: {  	[tilespmem:s12+$0x1C100] =	vst v3;
	v3 =	vmul.f32 v7, v9;
	v7 =	vld [tilespmem:s12+$0x1C170]  }
0x1d0: {  	[tilespmem:s12+$0x1C110] =	vst v5;
	v5 =	vmul.f32 v12, v9;
	v12 =	vld [tilespmem:s12+$0x1C180]  }
0x1d1: {  	[tilespmem:s12+$0x1C120] =	vst v3;
	v3 =	vmul.f32 v10, v9;
	v10 =	vld [tilespmem:s12+$0x1C190]  }
0x1d2: {  	[tilespmem:s12+$0x1C130] =	vst v5;
	v5 =	vmul.f32 v8, v9;
	v8 =	vld [tilespmem:s12+$0x1C1A0]  }
0x1d3: {  	v1 =	vbroadcast v1, $0xE;
	[tilespmem:s12+$0x1C070] =	vst v6;
	v6 =	vmul.f32 v11, v9;
	v11 =	vld [tilespmem:s12+$0x1C1B0]  }
0x1d4: {  	[tilespmem:s12+$0x1C150] =	vst v5;
	v5 =	vmul.f32 v7, v9;
	v7 =	vld [tilespmem:s12+$0x1C1C0]  }
0x1d5: {  	[tilespmem:s12+$0x1C160] =	vst v6;
	v6 =	vmul.f32 v12, v1;
	v9 =	vld [tilespmem:s12+$0x1C1D0]  }
0x1d6: {  	[tilespmem:s12+$0x1C170] =	vst v5;
	v5 =	vmul.f32 v10, v1;
	v10 =	vld [tilespmem:s12+$0x1C1E0]  }
0x1d7: {  	[tilespmem:s12+$0x1C180] =	vst v6;
	v6 =	vmul.f32 v8, v1;
	v8 =	vld [tilespmem:s12+$0x1C1F0]  }
0x1d8: {  	[tilespmem:s12+$0x1C190] =	vst v5;
	v5 =	vmul.f32 v11, v1;
	v11 =	vld [tilespmem:s12+$0x1C200]  }
0x1d9: {  	[tilespmem:s12+$0x1C1A0] =	vst v6;
	v6 =	vmul.f32 v7, v1;
	v7 =	vld [tilespmem:s12+$0x1C210]  }
0x1da: {  	[tilespmem:s12+$0x1C1B0] =	vst v5;
	v5 =	vmul.f32 v9, v1;
	v9 =	vld [tilespmem:s12+$0x1C220]  }
0x1db: {  	[tilespmem:s12+$0x1C1C0] =	vst v6;
	v6 =	vmul.f32 v10, v1;
	v10 =	vld [tilespmem:s12+$0x1C230]  }
0x1dc: {  	[tilespmem:s12+$0x1C140] =	vst v3;
	v1 =	vmul.f32 v8, v1;
	v3 =	vld [tilespmem:s12+$0x1C240]  }
0x1dd: {  	[tilespmem:s12+$0x1C1E0] =	vst v6;
	v6 =	vmul.f32 v11, v4;
	v8 =	vld [tilespmem:s12+$0x1C260]  }
0x1de: {  	[tilespmem:s12+$0x1C1F0] =	vst v1;
	v1 =	vmul.f32 v7, v4;
	v7 =	vld [tilespmem:s12+$0x1C270]  }
0x1df: {  	[tilespmem:s12+$0x1C200] =	vst v6;
	v6 =	vmul.f32 v9, v4  }
0x1e0: {  	[tilespmem:s12+$0x1C210] =	vst v1;
	v1 =	vmul.f32 v10, v4  }
0x1e1: {  	v9 =	vmul.f32 v15, v14;
	[tilespmem:s12+$0x1C220] =	vst v6  }
0x1e2: {  	[tilespmem:s12+$0x1C230] =	vst v1;
	v1 =	vmul.f32 v3, v4  }
.Ltmp1:
0x1e3: {  	[tilespmem:s12+$0x1C0B0] =	vst v9;
	v3 =	vmul.f32 v7, v4;
	(pc) =	sbr.rel @p0 .LBB2_5-.Ltmp1, $4  }
0x1e4: {  	[tilespmem:s12+$0x1C240] =	vst v1  }
0x1e5: {  	v1 =	vmul.f32 v8, v4;
	[tilespmem:s12+$0x1C270] =	vst v3  }
0x1e6: {  	[tilespmem:s12+$0x1C1D0] =	vst v5  }
0x1e7: {  	[tilespmem:s12+$0x1C260] =	vst v1  }
0x1e8: {  	[tilespmem:s12+$0x1C0A0] =	vst v2  }
0x1e9: {  	[spmem:s3] =	stream.indirect.scatter.add.f32 [tilespmem:s24], [sflag:$0x4], $0x80, s11, s31, $0xb8;
	[tilespmem:$0x1FC00] =	vst v63  }
0x1ea: {  	s10 =	sadd.s32 $0x1, s10;
	_ =	swait.ge [sflag:s25], $0x4000  }
0x1eb: {  	p0 =	sne.s32 s10, $0x4F;
	[sflag:s25] =	ssyncset.done $0x0  }
.Ltmp2:
0x1ec: {  	[sflag:s25] =	ssyncadd.s32 $0xFFFFC000;
	(pc) =	sbr.rel @p0 .LBB2_4-.Ltmp2, $4  }
0x1ed: {  	[spmem:s4] =	stream.indirect.scatter.add.f32 [tilespmem:s26], [sflag:$0x4], $0x1, s11, s31, $0xb8;
	[tilespmem:$0x1FC00] =	vst v63  }
0x1ee: {  	_ =	swait.ge [sflag:s25], $0x80  }
0x1ef: {  	[sflag:s25] =	ssyncset.done $0x0  }
0x1f0: {  	[sflag:s25] =	ssyncadd.s32 $0xFFFFFF80  }
0x1f1: {  	s10 =	stileid.u32  }
0x1f2: {  	s10 =	sshll.u32 s10, $0x6  }
0x1f3: {  	[bflag:$0x0] =	sbarrier.arrive $0xFFFF;
	s11 =	sshrl.u32 s8, $0x3;
	s10 =	sor.u32 $0x1C04, s10  }
0x1f4: {  	[hbm:s21], [sflag:s10] =	dma.local [spmem:s11], $0x2800  }
0x1f5: {  	s14 =	sshrl.u32 s9, $0x3;
	s5 =	sadd.s32 $0x1, s5;
	_ =	swait.ge [sflag:s25], $0x2800  }
0x1f6: {  	s12 =	simm.s32 $0x20;
	p0 =	sne.s32 s5, s23;
	[sflag:s25] =	ssyncset.done $0x0  }
.Ltmp3:
0x1f7: {  	s13 =	simm.s32 $0x10;
	[sflag:s25] =	ssyncadd.s32 $0xFFFFD800;
	(pc) =	sbr.rel @p0 .LBB2_1-.Ltmp3, $4  }
0x1f8: {  	[hbm:s22@s12], [sflag:s10] =	dma.strided [spmem:s14@s13], $0x50, s2, $0x10   }
0x1f9: {  	_ =	swait.ge [sflag:s25], $0x50  }
0x1fa: {  	[sflag:s25] =	ssyncset.done $0x0  }
0x1fb: {  	[sflag:s25] =	ssyncadd.s32 $0xFFFFFFB0  }
0x1fc: {  	_ =	sfence.sel $0x180000  }
0x1fd: {  	[bflag:$0x0] =	sbarrier.arrive $0xFFFF  }
0x1fe: {  	_ =	strace $0x90000047  }
0x1ff: {  	s0 =	stileid.u32;
	[bflag:$0x2] =	sbarrier.arrive $0xFFFF  }
0x200: {  	p0 =	sne.s32 s0, $0x0;
	s0 =	rddreg [dreg:$0x4]  }
0x201: {  	s0 =	sadd.s32 @!p0 $0x100000, s0  }
0x202: {  	[sflag:s0] =	ssyncadd.tile.s32 @!p0 $0x1;
	_ =	shalt  }
.Lfunc_end2:
_tile_overlayer_lowered:
.L_overlay_start_2:
0x203: {  	(tag) =	ssettag $0x2  }
0x204: {  	s0 =	rddreg [dreg:$0x0];
	s2 =	stileid.u32  }
0x205: {  	s1 =	rddreg [dreg:$0x1];
	p0 =	sne.s32 s2, $0x0  }
0x206: {  	s3 =	rddreg [dreg:$0x2];
	[bflag:$0x3] =	sbarrier.arrive $0xFFFF;
	s2 =	simm.s32 @!p0 $0x1C04  }
0x207: {  	[timem:s3], [sflag:s2] =	dma.local @!p0 [hbm:s0], s1  }
0x208: {  	s0 =	simm.s32 @!p0 $0x4  }
0x209: {  	_ =	swait.ge @!p0 [sflag:s0], s1  }
0x20a: {  	s1 =	ssub.s32 @!p0 $0x0, s1;
	[sflag:s0] =	ssyncset.done @!p0 $0x0  }
0x20b: {  	[sflag:s0] =	ssyncadd.s32 @!p0 s1  }
0x20c: {  	[bflag:$0x3] =	sbarrier.arrive $0xFFFF  }
0x20d: {  	_ =	shalt  }

</sc_bundles>
